<compile_context>
chip_gen: v7x
topology: tpu7x:2x2x1
jax: 0.10.2.dev20260603
libtpu: 0.0.44.dev20260713+nightly
codegen_flags: <defaults>
</compile_context>

<pallas_src>
import functools

import jax
import jax.numpy as jnp
from jax import lax
from jax.experimental import pallas as pl
from jax.experimental.pallas import tpu as pltpu
from jax.experimental.pallas import tpu_sc as plsc

N_MET = 100000
N_RXN = 100000
E_SUB = 1600000
E_ALL = 3200000

N_MET_P = 100352
N_RXN_P = 100352
NC, NS = 2, 16
NW = NC * NS
CH = 128
SUB_CH_W = 392
ALL_CH_W = 784
E_SUB_P = NW * SUB_CH_W * CH
E_ALL_P = NW * ALL_CH_W * CH
BLK = 2048
EBLK = 32768
E_SUB_P2 = 50 * EBLK
E_ALL_P2 = 99 * EBLK
NSPARE = N_MET_P - N_MET

_mesh = plsc.VectorSubcoreMesh(core_axis_name="c", subcore_axis_name="s")



def _prep_sub_body(met_ref, sto_ref, rxn_ref, gidx_ref, met_o_ref, rxn_o_ref):
    i = pl.program_id(0)
    pos = i * EBLK + lax.broadcasted_iota(jnp.int32, (EBLK,), 0)
    valid = pos < E_SUB
    spare = pos % NSPARE
    gidx = met_ref[...] + jnp.where(sto_ref[...] > 1.5, N_MET_P, 0).astype(jnp.int32)
    gidx_ref[...] = jnp.where(valid, gidx, N_MET + spare)
    met_o_ref[...] = jnp.where(valid, met_ref[...], N_MET + spare)
    rxn_o_ref[...] = jnp.where(valid, rxn_ref[...], N_RXN + spare)


def _prep_all_body(rxn_ref, sto_ref, met_ref, gidx_ref, met_o_ref):
    i = pl.program_id(0)
    pos = i * EBLK + lax.broadcasted_iota(jnp.int32, (EBLK,), 0)
    valid = pos < E_ALL
    spare = pos % NSPARE
    s = sto_ref[...]
    code = (jnp.where(jnp.abs(s) > 1.5, 2, 0) + jnp.where(s < 0.0, 1, 0)).astype(jnp.int32)
    gidx_ref[...] = jnp.where(valid, rxn_ref[...] + code * N_RXN_P, N_RXN + spare)
    met_o_ref[...] = jnp.where(valid, met_ref[...], N_MET + spare)


def _stage_a_body(conc_ref, exti_ref, W1_ref, b1_ref, W2_ref, b2_ref,
                  m0_ref, m1_ref, m2_ref, m3_ref, ext_ref):
    i = pl.program_id(0)
    conc = conc_ref[...][:, None]
    rows = i * BLK + lax.broadcasted_iota(jnp.int32, (BLK, 1), 0)
    mask = (rows < N_MET).astype(jnp.float32)
    W1 = W1_ref[...]
    msgs = []
    for s in (1.0, 2.0):
        h = jnp.tanh(conc * W1[0:1, :] + s * W1[1:2, :] + b1_ref[...][None, :])
        msgs.append((h @ W2_ref[...] + b2_ref[...][None, :]) * mask)
    for k, mref in enumerate((m0_ref, m1_ref, m2_ref, m3_ref)):
        mref[...] = jnp.stack([msgs[0][:, k], msgs[1][:, k]], axis=0)
    ext_ref[...] = exti_ref[...] * 2.0 * mask[:, 0]


def _stage_c_body(a0_ref, a1_ref, a2_ref, a3_ref, ae_ref, ac_ref,
                  R1_ref, rb1_ref, R2_ref, rb2_ref, lk_ref, o_ref):
    h = jnp.stack([a0_ref[0] + a0_ref[1], a1_ref[0] + a1_ref[1],
                   a2_ref[0] + a2_ref[1], a3_ref[0] + a3_ref[1]], axis=1)
    hh = jnp.tanh(h @ R1_ref[...] + rb1_ref[...][None, :])
    base = hh @ R2_ref[...] + rb2_ref[...][None, :]
    ext_mean = (ae_ref[0] + ae_ref[1]) / jnp.maximum(ac_ref[0] + ac_ref[1], 1.0)
    k = jnp.power(10.0, lk_ref[...])
    v = k * ext_mean * base[:, 0]
    o_ref[...] = jnp.stack([v, -v, 2.0 * v, -2.0 * v], axis=0)


def _stage_e_body(p_ref, conc_ref, o_ref):
    o_ref[...] = p_ref[0] + p_ref[1] - 0.1 * (conc_ref[...] - 1.0)



def _sc_b_body(t0_hbm, t1_hbm, t2_hbm, t3_hbm, te_hbm,
               gidx_hbm, met_hbm, rxn_hbm, z_hbm, ones_hbm,
               o0_hbm, o1_hbm, o2_hbm, o3_hbm, oe_hbm, oc_hbm,
               t0_sp, t1_sp, t2_sp, t3_sp, te_sp,
               a0_sp, a1_sp, a2_sp, a3_sp, ae_sp, ac_sp,
               g0, g1, m0, m1, r0, r1,
               v00, v01, v10, v11, v20, v21, v30, v31, ve0, ve1,
               ones_v, si0, si1, sg0, sg1, ss0, ss1):
    gbuf, mbuf, rbuf = (g0, g1), (m0, m1), (r0, r1)
    v0, v1, v2, v3, ve = (v00, v01), (v10, v11), (v20, v21), (v30, v31), (ve0, ve1)
    si, sg, ss = (si0, si1), (sg0, sg1), (ss0, ss1)
    cid = lax.axis_index("c")
    sid = lax.axis_index("s")
    wid = sid * NC + cid
    t_str = 2 * N_MET_P // NS
    e_str = N_MET_P // NS
    a_str = N_RXN_P // NS
    for th, ts in ((t0_hbm, t0_sp), (t1_hbm, t1_sp), (t2_hbm, t2_sp), (t3_hbm, t3_sp)):
        pltpu.sync_copy(th.at[pl.ds(sid * t_str, t_str)], ts.at[pl.ds(sid * t_str, t_str)])
    pltpu.sync_copy(te_hbm.at[pl.ds(sid * e_str, e_str)], te_sp.at[pl.ds(sid * e_str, e_str)])
    for a_sp in (a0_sp, a1_sp, a2_sp, a3_sp, ae_sp, ac_sp):
        pltpu.sync_copy(z_hbm, a_sp.at[pl.ds(sid * a_str, a_str)])
    pltpu.sync_copy(ones_hbm, ones_v)
    plsc.subcore_barrier()

    def _fire_idx(chunk, s):
        e0 = chunk * CH
        return (pltpu.async_copy(gidx_hbm.at[pl.ds(e0, CH)], gbuf[s], si[s]),
                pltpu.async_copy(met_hbm.at[pl.ds(e0, CH)], mbuf[s], si[s]),
                pltpu.async_copy(rxn_hbm.at[pl.ds(e0, CH)], rbuf[s], si[s]))

    base = wid * SUB_CH_W
    for s in range(2):
        _fire_idx(base + s, s)

    @pl.loop(0, SUB_CH_W // 2)
    def _(blk):
        hg = []
        for s in range(2):
            for trg in (gbuf[s], mbuf[s], rbuf[s]):
                pltpu.make_async_copy(gidx_hbm.at[pl.ds(0, CH)], trg, si[s]).wait()
            hg.append([pltpu.async_copy(t_sp.at[gbuf[s]], v_b, sg[s])
                       for t_sp, v_b in ((t0_sp, v0[s]), (t1_sp, v1[s]),
                                         (t2_sp, v2[s]), (t3_sp, v3[s]))]
                      + [pltpu.async_copy(te_sp.at[mbuf[s]], ve[s], sg[s])])
        hs = []
        for s in range(2):
            for h in hg[s]:
                h.wait()
            hs.append([pltpu.async_copy(v_b, a_sp.at[rbuf[s]], ss[s], add=True)
                       for v_b, a_sp in ((v0[s], a0_sp), (v1[s], a1_sp),
                                         (v2[s], a2_sp), (v3[s], a3_sp),
                                         (ve[s], ae_sp))]
                      + [pltpu.async_copy(ones_v, ac_sp.at[rbuf[s]], ss[s], add=True)])
        for s in range(2):
            for h in hs[s]:
                h.wait()
            _fire_idx(base + (blk + 1) * 2 + s, s)

    for s in range(2):
        for trg in (gbuf[s], mbuf[s], rbuf[s]):
            pltpu.make_async_copy(gidx_hbm.at[pl.ds(0, CH)], trg, si[s]).wait()
    plsc.subcore_barrier()
    for a_sp, o_hbm in ((a0_sp, o0_hbm), (a1_sp, o1_hbm), (a2_sp, o2_hbm),
                        (a3_sp, o3_hbm), (ae_sp, oe_hbm), (ac_sp, oc_hbm)):
        pltpu.sync_copy(a_sp.at[pl.ds(sid * a_str, a_str)],
                        o_hbm.at[cid, pl.ds(sid * a_str, a_str)])


def _sc_d_body(v4_hbm, gidx_hbm, met_hbm, z_hbm, out_hbm, v4_sp, dx_sp,
               g0, g1, g2, g3, m0, m1, m2, m3, w0, w1, w2, w3,
               si0, si1, si2, si3, sg0, sg1, sg2, sg3, ss0, ss1, ss2, ss3):
    gbuf, mbuf, vals = (g0, g1, g2, g3), (m0, m1, m2, m3), (w0, w1, w2, w3)
    si, sg, ss = (si0, si1, si2, si3), (sg0, sg1, sg2, sg3), (ss0, ss1, ss2, ss3)
    cid = lax.axis_index("c")
    sid = lax.axis_index("s")
    wid = sid * NC + cid
    v_str = 4 * N_RXN_P // NS
    d_str = N_MET_P // NS
    pltpu.sync_copy(v4_hbm.at[pl.ds(sid * v_str, v_str)],
                    v4_sp.at[pl.ds(sid * v_str, v_str)])
    pltpu.sync_copy(z_hbm, dx_sp.at[pl.ds(sid * d_str, d_str)])
    plsc.subcore_barrier()

    def _fire_idx(chunk, s):
        e0 = chunk * CH
        return (pltpu.async_copy(gidx_hbm.at[pl.ds(e0, CH)], gbuf[s], si[s]),
                pltpu.async_copy(met_hbm.at[pl.ds(e0, CH)], mbuf[s], si[s]))

    base = wid * ALL_CH_W
    for s in range(4):
        _fire_idx(base + s, s)

    @pl.loop(0, ALL_CH_W // 4)
    def _(blk):
        hg = []
        for s in range(4):
            for trg in (gbuf[s], mbuf[s]):
                pltpu.make_async_copy(gidx_hbm.at[pl.ds(0, CH)], trg, si[s]).wait()
            hg.append(pltpu.async_copy(v4_sp.at[gbuf[s]], vals[s], sg[s]))
        hs = []
        for s in range(4):
            hg[s].wait()
            hs.append(pltpu.async_copy(vals[s], dx_sp.at[mbuf[s]], ss[s], add=True))
        for s in range(4):
            hs[s].wait()
            _fire_idx(base + (blk + 1) * 4 + s, s)

    for s in range(4):
        for trg in (gbuf[s], mbuf[s]):
            pltpu.make_async_copy(gidx_hbm.at[pl.ds(0, CH)], trg, si[s]).wait()
    plsc.subcore_barrier()
    pltpu.sync_copy(dx_sp.at[pl.ds(sid * d_str, d_str)],
                    out_hbm.at[cid, pl.ds(sid * d_str, d_str)])



def kernel(x, met_sub, rxn_sub, sto_sub, met_all, rxn_all, sto_all,
           W1, b1, W2, b2, R1, rb1, R2, rb2, log_k):
    f32 = jnp.float32
    i32 = jnp.int32

    conc_p = jnp.pad(x[:, 3].astype(f32), (0, N_MET_P - N_MET))
    exti_p = jnp.pad(x[:, 4].astype(f32), (0, N_MET_P - N_MET))
    lk_p = jnp.pad(log_k.astype(f32), (0, N_RXN_P - N_RXN))

    nsb = E_SUB // EBLK
    sub_in = pl.BlockSpec((EBLK,), lambda i: (jnp.minimum(i, nsb),))
    out_sp = pl.BlockSpec((EBLK,), lambda i: (i,))
    gidx_sub, met_sub_o, rxn_sub_o = pl.pallas_call(
        _prep_sub_body,
        out_shape=[jax.ShapeDtypeStruct((E_SUB_P2,), i32)] * 3,
        grid=(E_SUB_P2 // EBLK,),
        in_specs=[sub_in, sub_in, sub_in],
        out_specs=[out_sp, out_sp, out_sp],
    )(met_sub.astype(i32), sto_sub.astype(f32), rxn_sub.astype(i32))

    nab = E_ALL // EBLK
    all_in = pl.BlockSpec((EBLK,), lambda i: (jnp.minimum(i, nab),))
    gidx_all, met_all_o = pl.pallas_call(
        _prep_all_body,
        out_shape=[jax.ShapeDtypeStruct((E_ALL_P2,), i32)] * 2,
        grid=(E_ALL_P2 // EBLK,),
        in_specs=[all_in, all_in, all_in],
        out_specs=[out_sp, out_sp],
    )(rxn_all.astype(i32), sto_all.astype(f32), met_all.astype(i32))

    full = lambda shape: pl.BlockSpec(shape, lambda i: tuple(0 for _ in shape))
    tspec = pl.BlockSpec((2, BLK), lambda i: (0, i))
    t0, t1, t2, t3, te = pl.pallas_call(
        _stage_a_body,
        out_shape=[jax.ShapeDtypeStruct((2, N_MET_P), f32)] * 4
                  + [jax.ShapeDtypeStruct((N_MET_P,), f32)],
        grid=(N_MET_P // BLK,),
        in_specs=[pl.BlockSpec((BLK,), lambda i: (i,)),
                  pl.BlockSpec((BLK,), lambda i: (i,)),
                  full((2, 64)), full((64,)), full((64, 4)), full((4,))],
        out_specs=[tspec, tspec, tspec, tspec,
                   pl.BlockSpec((BLK,), lambda i: (i,))],
    )(conc_p, exti_p, W1, b1, W2, b2)
    t0, t1, t2, t3 = (t.reshape(2 * N_MET_P) for t in (t0, t1, t2, t3))

    z1 = jnp.zeros((N_RXN_P // NS,), f32)
    ones_c = jnp.ones((CH,), f32)
    acc_t = jax.ShapeDtypeStruct((NC, N_RXN_P), f32)
    sc_b = functools.partial(
        pl.kernel,
        out_type=[acc_t] * 6,
        mesh=_mesh,
        scratch_types=[
            pltpu.VMEM_SHARED((2 * N_MET_P,), f32),
            pltpu.VMEM_SHARED((2 * N_MET_P,), f32),
            pltpu.VMEM_SHARED((2 * N_MET_P,), f32),
            pltpu.VMEM_SHARED((2 * N_MET_P,), f32),
            pltpu.VMEM_SHARED((N_MET_P,), f32),
            pltpu.VMEM_SHARED((N_RXN_P,), f32),
            pltpu.VMEM_SHARED((N_RXN_P,), f32),
            pltpu.VMEM_SHARED((N_RXN_P,), f32),
            pltpu.VMEM_SHARED((N_RXN_P,), f32),
            pltpu.VMEM_SHARED((N_RXN_P,), f32),
            pltpu.VMEM_SHARED((N_RXN_P,), f32),
        ] + [pltpu.VMEM((CH,), i32)] * 6
          + [pltpu.VMEM((CH,), f32)] * 10
          + [pltpu.VMEM((CH,), f32)]
          + [pltpu.SemaphoreType.DMA] * 6,
    )(_sc_b_body)
    A0, A1, A2, A3, Ae, Ac = sc_b(t0, t1, t2, t3, te,
                                  gidx_sub, met_sub_o, rxn_sub_o, z1, ones_c)

    aspec = pl.BlockSpec((2, BLK), lambda i: (0, i))
    v4 = pl.pallas_call(
        _stage_c_body,
        out_shape=jax.ShapeDtypeStruct((4, N_RXN_P), f32),
        grid=(N_RXN_P // BLK,),
        in_specs=[aspec, aspec, aspec, aspec, aspec, aspec,
                  full((4, 64)), full((64,)), full((64, 1)), full((1,)),
                  pl.BlockSpec((BLK,), lambda i: (i,))],
        out_specs=pl.BlockSpec((4, BLK), lambda i: (0, i)),
    )(A0, A1, A2, A3, Ae, Ac, R1, rb1, R2, rb2, lk_p)
    v4 = v4.reshape(4 * N_RXN_P)

    zd = jnp.zeros((N_MET_P // NS,), f32)
    sc_d = functools.partial(
        pl.kernel,
        out_type=jax.ShapeDtypeStruct((NC, N_MET_P), f32),
        mesh=_mesh,
        scratch_types=[
            pltpu.VMEM_SHARED((4 * N_RXN_P,), f32),
            pltpu.VMEM_SHARED((N_MET_P,), f32),
        ] + [pltpu.VMEM((CH,), i32)] * 8
          + [pltpu.VMEM((CH,), f32)] * 4
          + [pltpu.SemaphoreType.DMA] * 12,
    )(_sc_d_body)
    P = sc_d(v4, gidx_all, met_all_o, zd)

    dx = pl.pallas_call(
        _stage_e_body,
        out_shape=jax.ShapeDtypeStruct((N_MET_P,), f32),
        grid=(N_MET_P // BLK,),
        in_specs=[pl.BlockSpec((2, BLK), lambda i: (0, i)),
                  pl.BlockSpec((BLK,), lambda i: (i,))],
        out_specs=pl.BlockSpec((BLK,), lambda i: (i,)),
    )(P, conc_p)

    return dx[:N_MET, None]

# --- scband reference (transcript-rebuilt; emitter-appended) ---
"""Pipeline reference for scband-pde-m2-29411936043038 (READ-ONLY COPY).

The authoritative reference and input builder live on the scoring server;
editing this copy changes nothing except your own understanding.
"""

import jax, jax.numpy as jnp
import numpy as np

N_MET = 100000
N_RXN = 100000
E_SUB = 1600000
E_ALL = 3200000
HID = 64
MSG = 4


def setup_inputs(seed: int = 0) -> dict:
    key = jax.random.key(seed)
    ks = jax.random.split(key, 16)
    x = jax.random.uniform(ks[0], (N_MET, 8), dtype=jnp.float32)
    met_sub = jax.random.randint(ks[1], (E_SUB,), 0, N_MET)
    rxn_sub = jax.random.randint(ks[2], (E_SUB,), 0, N_RXN)
    sto_sub = jax.random.randint(ks[3], (E_SUB,), 1, 3).astype(jnp.float32)
    met_all = jax.random.randint(ks[4], (E_ALL,), 0, N_MET)
    rxn_all = jax.random.randint(ks[5], (E_ALL,), 0, N_RXN)
    mag = jax.random.randint(ks[6], (E_ALL,), 1, 3).astype(jnp.float32)
    sign = jnp.where(jax.random.uniform(ks[7], (E_ALL,)) < 0.5, -1.0, 1.0)
    sto_all = mag * sign
    W1 = jax.random.normal(ks[8], (2, HID), dtype=jnp.float32) * (1.0 / np.sqrt(2.0))
    b1 = jnp.zeros((HID,), jnp.float32)
    W2 = jax.random.normal(ks[9], (HID, MSG), dtype=jnp.float32) * (1.0 / np.sqrt(HID))
    b2 = jnp.zeros((MSG,), jnp.float32)
    R1 = jax.random.normal(ks[10], (MSG, HID), dtype=jnp.float32) * (1.0 / np.sqrt(MSG))
    rb1 = jnp.zeros((HID,), jnp.float32)
    R2 = jax.random.normal(ks[11], (HID, 1), dtype=jnp.float32) * (1.0 / np.sqrt(HID))
    rb2 = jnp.zeros((1,), jnp.float32)
    log_k = jax.random.uniform(ks[12], (N_RXN,), minval=-3.0, maxval=-1.0, dtype=jnp.float32)
    return {"x": x, "met_sub": met_sub, "rxn_sub": rxn_sub, "sto_sub": sto_sub,
            "met_all": met_all, "rxn_all": rxn_all, "sto_all": sto_all,
            "W1": W1, "b1": b1, "W2": W2, "b2": b2,
            "R1": R1, "rb1": rb1, "R2": R2, "rb2": rb2, "log_k": log_k}


def reference(x, met_sub, rxn_sub, sto_sub, met_all, rxn_all, sto_all,
              W1, b1, W2, b2, R1, rb1, R2, rb2, log_k):
    # forward(data, has_field=False, frame=None, dt=None) with
    # external_input_mode='multiplicative_substrate', homeostatic_strength=0.1,
    # baseline_mode='value', baseline_concentration=1.0, circadian_amplitude=0.
    conc = x[:, 3]
    ext = x[:, 4] * 2.0
    # per-substrate-edge message MLP: [conc_src, |stoich|] -> hidden -> msg_dim
    x_src = conc[met_sub][:, None]
    s_abs = sto_sub[:, None]
    msg_in = jnp.concatenate([x_src, s_abs], axis=-1)
    h = jnp.tanh(msg_in @ W1 + b1)
    msg = h @ W2 + b2
    # scatter-add messages to reactions
    h_rxn = jax.ops.segment_sum(msg, rxn_sub, num_segments=N_RXN)
    k = jnp.power(10.0, log_k)
    hh = jnp.tanh(h_rxn @ R1 + rb1)
    base_v = (hh @ R2 + rb2).squeeze(-1)
    # multiplicative_substrate modulation: mean external input over substrates
    ext_src = ext[met_sub]
    ext_agg = jax.ops.segment_sum(ext_src, rxn_sub, num_segments=N_RXN)
    n_sub = jnp.clip(jax.ops.segment_sum(jnp.ones_like(ext_src), rxn_sub, num_segments=N_RXN), 1.0, None)
    ext_mean = ext_agg / n_sub
    v = k * ext_mean * base_v
    # dt is None -> no flux limiting
    contrib = sto_all * v[rxn_all]
    dxdt = jax.ops.segment_sum(contrib, met_all, num_segments=N_MET)
    # homeostatic pull toward constant baseline (frame=None -> no circadian)
    c_target = jnp.full_like(conc, 1.0)
    dxdt = dxdt - 0.1 * (conc - c_target)
    return dxdt[:, None]

if __name__ == "__main__":
    import jax
    _d = setup_inputs()
    print(jax.jit(kernel)(*tuple(_d.values())))

</pallas_src>

<mosaic_0001>
#map = affine_map<(d0, d1) -> (0)>
#map1 = affine_map<(d0, d1) -> (0, 0)>
module attributes {stable_mosaic.version = 14 : i64} {
  func.func @_sc_d_body(%arg0: i32, %arg1: i32, %arg2: memref<401408xf32, #tpu.memory_space<hbm>>, %arg3: memref<3244032xi32, #tpu.memory_space<hbm>>, %arg4: memref<3244032xi32, #tpu.memory_space<hbm>>, %arg5: memref<6272xf32, #tpu.memory_space<hbm>>, %arg6: memref<2x100352xf32, #tpu.memory_space<hbm>>, %arg7: memref<401408xf32, #tpu.memory_space<vmem_shared>>, %arg8: memref<100352xf32, #tpu.memory_space<vmem_shared>>, %arg9: memref<128xi32, #tpu.memory_space<vmem>>, %arg10: memref<128xi32, #tpu.memory_space<vmem>>, %arg11: memref<128xi32, #tpu.memory_space<vmem>>, %arg12: memref<128xi32, #tpu.memory_space<vmem>>, %arg13: memref<128xi32, #tpu.memory_space<vmem>>, %arg14: memref<128xi32, #tpu.memory_space<vmem>>, %arg15: memref<128xi32, #tpu.memory_space<vmem>>, %arg16: memref<128xi32, #tpu.memory_space<vmem>>, %arg17: memref<128xf32, #tpu.memory_space<vmem>>, %arg18: memref<128xf32, #tpu.memory_space<vmem>>, %arg19: memref<128xf32, #tpu.memory_space<vmem>>, %arg20: memref<128xf32, #tpu.memory_space<vmem>>, %arg21: memref<!tpu.dma_semaphore, #tpu.memory_space<semaphore_mem>>, %arg22: memref<!tpu.dma_semaphore, #tpu.memory_space<semaphore_mem>>, %arg23: memref<!tpu.dma_semaphore, #tpu.memory_space<semaphore_mem>>, %arg24: memref<!tpu.dma_semaphore, #tpu.memory_space<semaphore_mem>>, %arg25: memref<!tpu.dma_semaphore, #tpu.memory_space<semaphore_mem>>, %arg26: memref<!tpu.dma_semaphore, #tpu.memory_space<semaphore_mem>>, %arg27: memref<!tpu.dma_semaphore, #tpu.memory_space<semaphore_mem>>, %arg28: memref<!tpu.dma_semaphore, #tpu.memory_space<semaphore_mem>>, %arg29: memref<!tpu.dma_semaphore, #tpu.memory_space<semaphore_mem>>, %arg30: memref<!tpu.dma_semaphore, #tpu.memory_space<semaphore_mem>>, %arg31: memref<!tpu.dma_semaphore, #tpu.memory_space<semaphore_mem>>, %arg32: memref<!tpu.dma_semaphore, #tpu.memory_space<semaphore_mem>>) attributes {dimension_semantics = [#tpu.dimension_semantics<core_parallel>, #tpu.dimension_semantics<subcore_parallel>], iteration_bounds = array<i64: 2, 16>, scalar_prefetch = 0 : i64, scratch_operands = 26 : i64, tpu.core_type = #tpu.core_type<sc_vector_subcore>, window_params = [{transform_indices = #map}, {transform_indices = #map}, {transform_indices = #map}, {transform_indices = #map}, {transform_indices = #map1}]} {
    %mul3A = arith.constant 2 : i32
    %mul3A_0 = arith.muli %arg1, %mul3A : i32
    %add3A = arith.addi %mul3A_0, %arg0 : i32
    %mul3A_1 = arith.constant 25088 : i32
    %mul3A_2 = arith.muli %arg1, %mul3A_1 : i32
    %mul3A_3 = arith.constant 25088 : i32
    %mul3A_4 = arith.muli %arg1, %mul3A_3 : i32
    "tpu.region"() ({
      %run_scoped3A = tpu.sem_alloc : memref<!tpu.dma_semaphore, #tpu.memory_space<semaphore_mem>>
      %dma_start3A_80 = tpu.memref_slice %arg7[%mul3A_4] : memref<401408xf32, #tpu.memory_space<vmem_shared>> -> memref<25088xf32, #tpu.memory_space<vmem_shared>>
      %dma_start3A_81 = tpu.memref_slice %arg2[%mul3A_2] : memref<401408xf32, #tpu.memory_space<hbm>> -> memref<25088xf32, #tpu.memory_space<hbm>>
      tpu.enqueue_dma source(%dma_start3A_81 : memref<25088xf32, #tpu.memory_space<hbm>>) target(%dma_start3A_80 : memref<25088xf32, #tpu.memory_space<vmem_shared>>) target_semaphore(%run_scoped3A : memref<!tpu.dma_semaphore, #tpu.memory_space<semaphore_mem>>)
      %dma_wait3A_82 = tpu.memref_slice %arg7[%mul3A_4] : memref<401408xf32, #tpu.memory_space<vmem_shared>> -> memref<25088xf32, #tpu.memory_space<vmem_shared>>
      %dma_wait3A_83 = tpu.memref_slice %arg2[%mul3A_2] : memref<401408xf32, #tpu.memory_space<hbm>> -> memref<25088xf32, #tpu.memory_space<hbm>>
      tpu.wait_dma2 semaphore(%run_scoped3A : memref<!tpu.dma_semaphore, #tpu.memory_space<semaphore_mem>>) src(%dma_wait3A_83 : memref<25088xf32, #tpu.memory_space<hbm>>) dst(%dma_wait3A_82 : memref<25088xf32, #tpu.memory_space<vmem_shared>>)
      tpu.yield
    }) : () -> ()
    %mul3A_5 = arith.constant 6272 : i32
    %mul3A_6 = arith.muli %arg1, %mul3A_5 : i32
    "tpu.region"() ({
      %run_scoped3A = tpu.sem_alloc : memref<!tpu.dma_semaphore, #tpu.memory_space<semaphore_mem>>
      %dma_start3A_80 = tpu.memref_slice %arg8[%mul3A_6] : memref<100352xf32, #tpu.memory_space<vmem_shared>> -> memref<6272xf32, #tpu.memory_space<vmem_shared>>
      tpu.enqueue_dma source(%arg5 : memref<6272xf32, #tpu.memory_space<hbm>>) target(%dma_start3A_80 : memref<6272xf32, #tpu.memory_space<vmem_shared>>) target_semaphore(%run_scoped3A : memref<!tpu.dma_semaphore, #tpu.memory_space<semaphore_mem>>)
      %dma_wait3A_81 = tpu.memref_slice %arg8[%mul3A_6] : memref<100352xf32, #tpu.memory_space<vmem_shared>> -> memref<6272xf32, #tpu.memory_space<vmem_shared>>
      tpu.wait_dma2 semaphore(%run_scoped3A : memref<!tpu.dma_semaphore, #tpu.memory_space<semaphore_mem>>) src(%arg5 : memref<6272xf32, #tpu.memory_space<hbm>>) dst(%dma_wait3A_81 : memref<6272xf32, #tpu.memory_space<vmem_shared>>)
      tpu.yield
    }) : () -> ()
    %barrier3A = arith.constant 0 : index
    tpu.barrier barrier_id(%barrier3A)
    %mul3A_7 = arith.constant 784 : i32
    %mul3A_8 = arith.muli %add3A, %mul3A_7 : i32
    %add3A_9 = arith.constant 0 : i32
    %add3A_10 = arith.addi %mul3A_8, %add3A_9 : i32
    %mul3A_11 = arith.constant 128 : i32
    %mul3A_12 = arith.muli %add3A_10, %mul3A_11 : i32
    %dma_start3A = tpu.memref_slice %arg3[%mul3A_12] : memref<3244032xi32, #tpu.memory_space<hbm>> -> memref<128xi32, #tpu.memory_space<hbm>>
    %dma_start3A_13 = tpu.memref_slice %arg3[%mul3A_12] : memref<3244032xi32, #tpu.memory_space<hbm>> -> memref<128xi32, #tpu.memory_space<hbm>>
    tpu.enqueue_dma source(%dma_start3A_13 : memref<128xi32, #tpu.memory_space<hbm>>) target(%arg9 : memref<128xi32, #tpu.memory_space<vmem>>) target_semaphore(%arg21 : memref<!tpu.dma_semaphore, #tpu.memory_space<semaphore_mem>>)
    %dma_start3A_14 = tpu.memref_slice %arg4[%mul3A_12] : memref<3244032xi32, #tpu.memory_space<hbm>> -> memref<128xi32, #tpu.memory_space<hbm>>
    %dma_start3A_15 = tpu.memref_slice %arg4[%mul3A_12] : memref<3244032xi32, #tpu.memory_space<hbm>> -> memref<128xi32, #tpu.memory_space<hbm>>
    tpu.enqueue_dma source(%dma_start3A_15 : memref<128xi32, #tpu.memory_space<hbm>>) target(%arg13 : memref<128xi32, #tpu.memory_space<vmem>>) target_semaphore(%arg21 : memref<!tpu.dma_semaphore, #tpu.memory_space<semaphore_mem>>)
    %add3A_16 = arith.constant 1 : i32
    %add3A_17 = arith.addi %mul3A_8, %add3A_16 : i32
    %mul3A_18 = arith.constant 128 : i32
    %mul3A_19 = arith.muli %add3A_17, %mul3A_18 : i32
    %dma_start3A_20 = tpu.memref_slice %arg3[%mul3A_19] : memref<3244032xi32, #tpu.memory_space<hbm>> -> memref<128xi32, #tpu.memory_space<hbm>>
    %dma_start3A_21 = tpu.memref_slice %arg3[%mul3A_19] : memref<3244032xi32, #tpu.memory_space<hbm>> -> memref<128xi32, #tpu.memory_space<hbm>>
    tpu.enqueue_dma source(%dma_start3A_21 : memref<128xi32, #tpu.memory_space<hbm>>) target(%arg10 : memref<128xi32, #tpu.memory_space<vmem>>) target_semaphore(%arg22 : memref<!tpu.dma_semaphore, #tpu.memory_space<semaphore_mem>>)
    %dma_start3A_22 = tpu.memref_slice %arg4[%mul3A_19] : memref<3244032xi32, #tpu.memory_space<hbm>> -> memref<128xi32, #tpu.memory_space<hbm>>
    %dma_start3A_23 = tpu.memref_slice %arg4[%mul3A_19] : memref<3244032xi32, #tpu.memory_space<hbm>> -> memref<128xi32, #tpu.memory_space<hbm>>
    tpu.enqueue_dma source(%dma_start3A_23 : memref<128xi32, #tpu.memory_space<hbm>>) target(%arg14 : memref<128xi32, #tpu.memory_space<vmem>>) target_semaphore(%arg22 : memref<!tpu.dma_semaphore, #tpu.memory_space<semaphore_mem>>)
    %add3A_24 = arith.constant 2 : i32
    %add3A_25 = arith.addi %mul3A_8, %add3A_24 : i32
    %mul3A_26 = arith.constant 128 : i32
    %mul3A_27 = arith.muli %add3A_25, %mul3A_26 : i32
    %dma_start3A_28 = tpu.memref_slice %arg3[%mul3A_27] : memref<3244032xi32, #tpu.memory_space<hbm>> -> memref<128xi32, #tpu.memory_space<hbm>>
    %dma_start3A_29 = tpu.memref_slice %arg3[%mul3A_27] : memref<3244032xi32, #tpu.memory_space<hbm>> -> memref<128xi32, #tpu.memory_space<hbm>>
    tpu.enqueue_dma source(%dma_start3A_29 : memref<128xi32, #tpu.memory_space<hbm>>) target(%arg11 : memref<128xi32, #tpu.memory_space<vmem>>) target_semaphore(%arg23 : memref<!tpu.dma_semaphore, #tpu.memory_space<semaphore_mem>>)
    %dma_start3A_30 = tpu.memref_slice %arg4[%mul3A_27] : memref<3244032xi32, #tpu.memory_space<hbm>> -> memref<128xi32, #tpu.memory_space<hbm>>
    %dma_start3A_31 = tpu.memref_slice %arg4[%mul3A_27] : memref<3244032xi32, #tpu.memory_space<hbm>> -> memref<128xi32, #tpu.memory_space<hbm>>
    tpu.enqueue_dma source(%dma_start3A_31 : memref<128xi32, #tpu.memory_space<hbm>>) target(%arg15 : memref<128xi32, #tpu.memory_space<vmem>>) target_semaphore(%arg23 : memref<!tpu.dma_semaphore, #tpu.memory_space<semaphore_mem>>)
    %add3A_32 = arith.constant 3 : i32
    %add3A_33 = arith.addi %mul3A_8, %add3A_32 : i32
    %mul3A_34 = arith.constant 128 : i32
    %mul3A_35 = arith.muli %add3A_33, %mul3A_34 : i32
    %dma_start3A_36 = tpu.memref_slice %arg3[%mul3A_35] : memref<3244032xi32, #tpu.memory_space<hbm>> -> memref<128xi32, #tpu.memory_space<hbm>>
    %dma_start3A_37 = tpu.memref_slice %arg3[%mul3A_35] : memref<3244032xi32, #tpu.memory_space<hbm>> -> memref<128xi32, #tpu.memory_space<hbm>>
    tpu.enqueue_dma source(%dma_start3A_37 : memref<128xi32, #tpu.memory_space<hbm>>) target(%arg12 : memref<128xi32, #tpu.memory_space<vmem>>) target_semaphore(%arg24 : memref<!tpu.dma_semaphore, #tpu.memory_space<semaphore_mem>>)
    %dma_start3A_38 = tpu.memref_slice %arg4[%mul3A_35] : memref<3244032xi32, #tpu.memory_space<hbm>> -> memref<128xi32, #tpu.memory_space<hbm>>
    %dma_start3A_39 = tpu.memref_slice %arg4[%mul3A_35] : memref<3244032xi32, #tpu.memory_space<hbm>> -> memref<128xi32, #tpu.memory_space<hbm>>
    tpu.enqueue_dma source(%dma_start3A_39 : memref<128xi32, #tpu.memory_space<hbm>>) target(%arg16 : memref<128xi32, #tpu.memory_space<vmem>>) target_semaphore(%arg24 : memref<!tpu.dma_semaphore, #tpu.memory_space<semaphore_mem>>)
    %scan3A = arith.constant 0 : i32
    %scan3A_40 = arith.constant 196 : i32
    %scan3A_41 = arith.addi %scan3A, %scan3A_40 : i32
    %scan3A_42 = arith.constant 1 : i32
    scf.for %scan3A_80 = %scan3A to %scan3A_41 step %scan3A_42  : i32 {
      %mul3A_81 = arith.constant 1 : i32
      %mul3A_82 = arith.muli %scan3A_80, %mul3A_81 : i32
      %add3A_83 = arith.constant 0 : i32
      %add3A_84 = arith.addi %add3A_83, %mul3A_82 : i32
      %dma_wait3A_85 = arith.constant 0 : i32
      %dma_wait3A_86 = tpu.memref_slice %arg3[%dma_wait3A_85] : memref<3244032xi32, #tpu.memory_space<hbm>> -> memref<128xi32, #tpu.memory_space<hbm>>
      %dma_wait3A_87 = arith.constant 0 : i32
      %dma_wait3A_88 = tpu.memref_slice %arg3[%dma_wait3A_87] : memref<3244032xi32, #tpu.memory_space<hbm>> -> memref<128xi32, #tpu.memory_space<hbm>>
      tpu.wait_dma2 semaphore(%arg21 : memref<!tpu.dma_semaphore, #tpu.memory_space<semaphore_mem>>) src(%dma_wait3A_88 : memref<128xi32, #tpu.memory_space<hbm>>) dst(%arg9 : memref<128xi32, #tpu.memory_space<vmem>>)
      %dma_wait3A_89 = arith.constant 0 : i32
      %dma_wait3A_90 = tpu.memref_slice %arg3[%dma_wait3A_89] : memref<3244032xi32, #tpu.memory_space<hbm>> -> memref<128xi32, #tpu.memory_space<hbm>>
      %dma_wait3A_91 = arith.constant 0 : i32
      %dma_wait3A_92 = tpu.memref_slice %arg3[%dma_wait3A_91] : memref<3244032xi32, #tpu.memory_space<hbm>> -> memref<128xi32, #tpu.memory_space<hbm>>
      tpu.wait_dma2 semaphore(%arg21 : memref<!tpu.dma_semaphore, #tpu.memory_space<semaphore_mem>>) src(%dma_wait3A_92 : memref<128xi32, #tpu.memory_space<hbm>>) dst(%arg13 : memref<128xi32, #tpu.memory_space<vmem>>)
      %dma_start3A_93 = arith.constant 0 : i32
      %dma_start3A_94 = tpu.memref_slice %arg7[%dma_start3A_93] : memref<401408xf32, #tpu.memory_space<vmem_shared>> -> memref<401408xf32, #tpu.memory_space<vmem_shared>>
      tpu.enqueue_indirect_dma source(%dma_start3A_94 : memref<401408xf32, #tpu.memory_space<vmem_shared>>) target(%arg17 : memref<128xf32, #tpu.memory_space<vmem>>) offsets(%arg9 : memref<128xi32, #tpu.memory_space<vmem>>) semaphore(%arg25 : memref<!tpu.dma_semaphore, #tpu.memory_space<semaphore_mem>>)
      %dma_wait3A_95 = arith.constant 0 : i32
      %dma_wait3A_96 = tpu.memref_slice %arg3[%dma_wait3A_95] : memref<3244032xi32, #tpu.memory_space<hbm>> -> memref<128xi32, #tpu.memory_space<hbm>>
      %dma_wait3A_97 = arith.constant 0 : i32
      %dma_wait3A_98 = tpu.memref_slice %arg3[%dma_wait3A_97] : memref<3244032xi32, #tpu.memory_space<hbm>> -> memref<128xi32, #tpu.memory_space<hbm>>
      tpu.wait_dma2 semaphore(%arg22 : memref<!tpu.dma_semaphore, #tpu.memory_space<semaphore_mem>>) src(%dma_wait3A_98 : memref<128xi32, #tpu.memory_space<hbm>>) dst(%arg10 : memref<128xi32, #tpu.memory_space<vmem>>)
      %dma_wait3A_99 = arith.constant 0 : i32
      %dma_wait3A_100 = tpu.memref_slice %arg3[%dma_wait3A_99] : memref<3244032xi32, #tpu.memory_space<hbm>> -> memref<128xi32, #tpu.memory_space<hbm>>
      %dma_wait3A_101 = arith.constant 0 : i32
      %dma_wait3A_102 = tpu.memref_slice %arg3[%dma_wait3A_101] : memref<3244032xi32, #tpu.memory_space<hbm>> -> memref<128xi32, #tpu.memory_space<hbm>>
      tpu.wait_dma2 semaphore(%arg22 : memref<!tpu.dma_semaphore, #tpu.memory_space<semaphore_mem>>) src(%dma_wait3A_102 : memref<128xi32, #tpu.memory_space<hbm>>) dst(%arg14 : memref<128xi32, #tpu.memory_space<vmem>>)
      %dma_start3A_103 = arith.constant 0 : i32
      %dma_start3A_104 = tpu.memref_slice %arg7[%dma_start3A_103] : memref<401408xf32, #tpu.memory_space<vmem_shared>> -> memref<401408xf32, #tpu.memory_space<vmem_shared>>
      tpu.enqueue_indirect_dma source(%dma_start3A_104 : memref<401408xf32, #tpu.memory_space<vmem_shared>>) target(%arg18 : memref<128xf32, #tpu.memory_space<vmem>>) offsets(%arg10 : memref<128xi32, #tpu.memory_space<vmem>>) semaphore(%arg26 : memref<!tpu.dma_semaphore, #tpu.memory_space<semaphore_mem>>)
      %dma_wait3A_105 = arith.constant 0 : i32
      %dma_wait3A_106 = tpu.memref_slice %arg3[%dma_wait3A_105] : memref<3244032xi32, #tpu.memory_space<hbm>> -> memref<128xi32, #tpu.memory_space<hbm>>
      %dma_wait3A_107 = arith.constant 0 : i32
      %dma_wait3A_108 = tpu.memref_slice %arg3[%dma_wait3A_107] : memref<3244032xi32, #tpu.memory_space<hbm>> -> memref<128xi32, #tpu.memory_space<hbm>>
      tpu.wait_dma2 semaphore(%arg23 : memref<!tpu.dma_semaphore, #tpu.memory_space<semaphore_mem>>) src(%dma_wait3A_108 : memref<128xi32, #tpu.memory_space<hbm>>) dst(%arg11 : memref<128xi32, #tpu.memory_space<vmem>>)
      %dma_wait3A_109 = arith.constant 0 : i32
      %dma_wait3A_110 = tpu.memref_slice %arg3[%dma_wait3A_109] : memref<3244032xi32, #tpu.memory_space<hbm>> -> memref<128xi32, #tpu.memory_space<hbm>>
      %dma_wait3A_111 = arith.constant 0 : i32
      %dma_wait3A_112 = tpu.memref_slice %arg3[%dma_wait3A_111] : memref<3244032xi32, #tpu.memory_space<hbm>> -> memref<128xi32, #tpu.memory_space<hbm>>
      tpu.wait_dma2 semaphore(%arg23 : memref<!tpu.dma_semaphore, #tpu.memory_space<semaphore_mem>>) src(%dma_wait3A_112 : memref<128xi32, #tpu.memory_space<hbm>>) dst(%arg15 : memref<128xi32, #tpu.memory_space<vmem>>)
      %dma_start3A_113 = arith.constant 0 : i32
      %dma_start3A_114 = tpu.memref_slice %arg7[%dma_start3A_113] : memref<401408xf32, #tpu.memory_space<vmem_shared>> -> memref<401408xf32, #tpu.memory_space<vmem_shared>>
      tpu.enqueue_indirect_dma source(%dma_start3A_114 : memref<401408xf32, #tpu.memory_space<vmem_shared>>) target(%arg19 : memref<128xf32, #tpu.memory_space<vmem>>) offsets(%arg11 : memref<128xi32, #tpu.memory_space<vmem>>) semaphore(%arg27 : memref<!tpu.dma_semaphore, #tpu.memory_space<semaphore_mem>>)
      %dma_wait3A_115 = arith.constant 0 : i32
      %dma_wait3A_116 = tpu.memref_slice %arg3[%dma_wait3A_115] : memref<3244032xi32, #tpu.memory_space<hbm>> -> memref<128xi32, #tpu.memory_space<hbm>>
      %dma_wait3A_117 = arith.constant 0 : i32
      %dma_wait3A_118 = tpu.memref_slice %arg3[%dma_wait3A_117] : memref<3244032xi32, #tpu.memory_space<hbm>> -> memref<128xi32, #tpu.memory_space<hbm>>
      tpu.wait_dma2 semaphore(%arg24 : memref<!tpu.dma_semaphore, #tpu.memory_space<semaphore_mem>>) src(%dma_wait3A_118 : memref<128xi32, #tpu.memory_space<hbm>>) dst(%arg12 : memref<128xi32, #tpu.memory_space<vmem>>)
      %dma_wait3A_119 = arith.constant 0 : i32
      %dma_wait3A_120 = tpu.memref_slice %arg3[%dma_wait3A_119] : memref<3244032xi32, #tpu.memory_space<hbm>> -> memref<128xi32, #tpu.memory_space<hbm>>
      %dma_wait3A_121 = arith.constant 0 : i32
      %dma_wait3A_122 = tpu.memref_slice %arg3[%dma_wait3A_121] : memref<3244032xi32, #tpu.memory_space<hbm>> -> memref<128xi32, #tpu.memory_space<hbm>>
      tpu.wait_dma2 semaphore(%arg24 : memref<!tpu.dma_semaphore, #tpu.memory_space<semaphore_mem>>) src(%dma_wait3A_122 : memref<128xi32, #tpu.memory_space<hbm>>) dst(%arg16 : memref<128xi32, #tpu.memory_space<vmem>>)
      %dma_start3A_123 = arith.constant 0 : i32
      %dma_start3A_124 = tpu.memref_slice %arg7[%dma_start3A_123] : memref<401408xf32, #tpu.memory_space<vmem_shared>> -> memref<401408xf32, #tpu.memory_space<vmem_shared>>
      tpu.enqueue_indirect_dma source(%dma_start3A_124 : memref<401408xf32, #tpu.memory_space<vmem_shared>>) target(%arg20 : memref<128xf32, #tpu.memory_space<vmem>>) offsets(%arg12 : memref<128xi32, #tpu.memory_space<vmem>>) semaphore(%arg28 : memref<!tpu.dma_semaphore, #tpu.memory_space<semaphore_mem>>)
      %dma_wait3A_125 = arith.constant 0 : i32
      %dma_wait3A_126 = tpu.memref_slice %arg7[%dma_wait3A_125] : memref<401408xf32, #tpu.memory_space<vmem_shared>> -> memref<401408xf32, #tpu.memory_space<vmem_shared>>
      tpu.wait_indirect_dma semaphore(%arg25 : memref<!tpu.dma_semaphore, #tpu.memory_space<semaphore_mem>>) src(%dma_wait3A_126 : memref<401408xf32, #tpu.memory_space<vmem_shared>>) dst(%arg17 : memref<128xf32, #tpu.memory_space<vmem>>)
      %dma_start3A_127 = arith.constant 0 : i32
      %dma_start3A_128 = tpu.memref_slice %arg8[%dma_start3A_127] : memref<100352xf32, #tpu.memory_space<vmem_shared>> -> memref<100352xf32, #tpu.memory_space<vmem_shared>>
      tpu.enqueue_indirect_dma source(%arg17 : memref<128xf32, #tpu.memory_space<vmem>>) target(%dma_start3A_128 : memref<100352xf32, #tpu.memory_space<vmem_shared>>) offsets(%arg13 : memref<128xi32, #tpu.memory_space<vmem>>) semaphore(%arg29 : memref<!tpu.dma_semaphore, #tpu.memory_space<semaphore_mem>>) {add = true}
      %dma_wait3A_129 = arith.constant 0 : i32
      %dma_wait3A_130 = tpu.memref_slice %arg7[%dma_wait3A_129] : memref<401408xf32, #tpu.memory_space<vmem_shared>> -> memref<401408xf32, #tpu.memory_space<vmem_shared>>
      tpu.wait_indirect_dma semaphore(%arg26 : memref<!tpu.dma_semaphore, #tpu.memory_space<semaphore_mem>>) src(%dma_wait3A_130 : memref<401408xf32, #tpu.memory_space<vmem_shared>>) dst(%arg18 : memref<128xf32, #tpu.memory_space<vmem>>)
      %dma_start3A_131 = arith.constant 0 : i32
      %dma_start3A_132 = tpu.memref_slice %arg8[%dma_start3A_131] : memref<100352xf32, #tpu.memory_space<vmem_shared>> -> memref<100352xf32, #tpu.memory_space<vmem_shared>>
      tpu.enqueue_indirect_dma source(%arg18 : memref<128xf32, #tpu.memory_space<vmem>>) target(%dma_start3A_132 : memref<100352xf32, #tpu.memory_space<vmem_shared>>) offsets(%arg14 : memref<128xi32, #tpu.memory_space<vmem>>) semaphore(%arg30 : memref<!tpu.dma_semaphore, #tpu.memory_space<semaphore_mem>>) {add = true}
      %dma_wait3A_133 = arith.constant 0 : i32
      %dma_wait3A_134 = tpu.memref_slice %arg7[%dma_wait3A_133] : memref<401408xf32, #tpu.memory_space<vmem_shared>> -> memref<401408xf32, #tpu.memory_space<vmem_shared>>
      tpu.wait_indirect_dma semaphore(%arg27 : memref<!tpu.dma_semaphore, #tpu.memory_space<semaphore_mem>>) src(%dma_wait3A_134 : memref<401408xf32, #tpu.memory_space<vmem_shared>>) dst(%arg19 : memref<128xf32, #tpu.memory_space<vmem>>)
      %dma_start3A_135 = arith.constant 0 : i32
      %dma_start3A_136 = tpu.memref_slice %arg8[%dma_start3A_135] : memref<100352xf32, #tpu.memory_space<vmem_shared>> -> memref<100352xf32, #tpu.memory_space<vmem_shared>>
      tpu.enqueue_indirect_dma source(%arg19 : memref<128xf32, #tpu.memory_space<vmem>>) target(%dma_start3A_136 : memref<100352xf32, #tpu.memory_space<vmem_shared>>) offsets(%arg15 : memref<128xi32, #tpu.memory_space<vmem>>) semaphore(%arg31 : memref<!tpu.dma_semaphore, #tpu.memory_space<semaphore_mem>>) {add = true}
      %dma_wait3A_137 = arith.constant 0 : i32
      %dma_wait3A_138 = tpu.memref_slice %arg7[%dma_wait3A_137] : memref<401408xf32, #tpu.memory_space<vmem_shared>> -> memref<401408xf32, #tpu.memory_space<vmem_shared>>
      tpu.wait_indirect_dma semaphore(%arg28 : memref<!tpu.dma_semaphore, #tpu.memory_space<semaphore_mem>>) src(%dma_wait3A_138 : memref<401408xf32, #tpu.memory_space<vmem_shared>>) dst(%arg20 : memref<128xf32, #tpu.memory_space<vmem>>)
      %dma_start3A_139 = arith.constant 0 : i32
      %dma_start3A_140 = tpu.memref_slice %arg8[%dma_start3A_139] : memref<100352xf32, #tpu.memory_space<vmem_shared>> -> memref<100352xf32, #tpu.memory_space<vmem_shared>>
      tpu.enqueue_indirect_dma source(%arg20 : memref<128xf32, #tpu.memory_space<vmem>>) target(%dma_start3A_140 : memref<100352xf32, #tpu.memory_space<vmem_shared>>) offsets(%arg16 : memref<128xi32, #tpu.memory_space<vmem>>) semaphore(%arg32 : memref<!tpu.dma_semaphore, #tpu.memory_space<semaphore_mem>>) {add = true}
      %dma_wait3A_141 = arith.constant 0 : i32
      %dma_wait3A_142 = tpu.memref_slice %arg8[%dma_wait3A_141] : memref<100352xf32, #tpu.memory_space<vmem_shared>> -> memref<100352xf32, #tpu.memory_space<vmem_shared>>
      tpu.wait_indirect_dma semaphore(%arg29 : memref<!tpu.dma_semaphore, #tpu.memory_space<semaphore_mem>>) src(%arg17 : memref<128xf32, #tpu.memory_space<vmem>>) dst(%dma_wait3A_142 : memref<100352xf32, #tpu.memory_space<vmem_shared>>)
      %add3A_143 = arith.constant 1 : i32
      %add3A_144 = arith.addi %add3A_84, %add3A_143 : i32
      %mul3A_145 = arith.constant 4 : i32
      %mul3A_146 = arith.muli %add3A_144, %mul3A_145 : i32
      %add3A_147 = arith.addi %mul3A_8, %mul3A_146 : i32
      %add3A_148 = arith.constant 0 : i32
      %add3A_149 = arith.addi %add3A_147, %add3A_148 : i32
      %mul3A_150 = arith.constant 128 : i32
      %mul3A_151 = arith.muli %add3A_149, %mul3A_150 : i32
      %dma_start3A_152 = tpu.memref_slice %arg3[%mul3A_151] : memref<3244032xi32, #tpu.memory_space<hbm>> -> memref<128xi32, #tpu.memory_space<hbm>>
      %dma_start3A_153 = tpu.memref_slice %arg3[%mul3A_151] : memref<3244032xi32, #tpu.memory_space<hbm>> -> memref<128xi32, #tpu.memory_space<hbm>>
      tpu.enqueue_dma source(%dma_start3A_153 : memref<128xi32, #tpu.memory_space<hbm>>) target(%arg9 : memref<128xi32, #tpu.memory_space<vmem>>) target_semaphore(%arg21 : memref<!tpu.dma_semaphore, #tpu.memory_space<semaphore_mem>>)
      %dma_start3A_154 = tpu.memref_slice %arg4[%mul3A_151] : memref<3244032xi32, #tpu.memory_space<hbm>> -> memref<128xi32, #tpu.memory_space<hbm>>
      %dma_start3A_155 = tpu.memref_slice %arg4[%mul3A_151] : memref<3244032xi32, #tpu.memory_space<hbm>> -> memref<128xi32, #tpu.memory_space<hbm>>
      tpu.enqueue_dma source(%dma_start3A_155 : memref<128xi32, #tpu.memory_space<hbm>>) target(%arg13 : memref<128xi32, #tpu.memory_space<vmem>>) target_semaphore(%arg21 : memref<!tpu.dma_semaphore, #tpu.memory_space<semaphore_mem>>)
      %dma_wait3A_156 = arith.constant 0 : i32
      %dma_wait3A_157 = tpu.memref_slice %arg8[%dma_wait3A_156] : memref<100352xf32, #tpu.memory_space<vmem_shared>> -> memref<100352xf32, #tpu.memory_space<vmem_shared>>
      tpu.wait_indirect_dma semaphore(%arg30 : memref<!tpu.dma_semaphore, #tpu.memory_space<semaphore_mem>>) src(%arg18 : memref<128xf32, #tpu.memory_space<vmem>>) dst(%dma_wait3A_157 : memref<100352xf32, #tpu.memory_space<vmem_shared>>)
      %add3A_158 = arith.constant 1 : i32
      %add3A_159 = arith.addi %add3A_84, %add3A_158 : i32
      %mul3A_160 = arith.constant 4 : i32
      %mul3A_161 = arith.muli %add3A_159, %mul3A_160 : i32
      %add3A_162 = arith.addi %mul3A_8, %mul3A_161 : i32
      %add3A_163 = arith.constant 1 : i32
      %add3A_164 = arith.addi %add3A_162, %add3A_163 : i32
      %mul3A_165 = arith.constant 128 : i32
      %mul3A_166 = arith.muli %add3A_164, %mul3A_165 : i32
      %dma_start3A_167 = tpu.memref_slice %arg3[%mul3A_166] : memref<3244032xi32, #tpu.memory_space<hbm>> -> memref<128xi32, #tpu.memory_space<hbm>>
      %dma_start3A_168 = tpu.memref_slice %arg3[%mul3A_166] : memref<3244032xi32, #tpu.memory_space<hbm>> -> memref<128xi32, #tpu.memory_space<hbm>>
      tpu.enqueue_dma source(%dma_start3A_168 : memref<128xi32, #tpu.memory_space<hbm>>) target(%arg10 : memref<128xi32, #tpu.memory_space<vmem>>) target_semaphore(%arg22 : memref<!tpu.dma_semaphore, #tpu.memory_space<semaphore_mem>>)
      %dma_start3A_169 = tpu.memref_slice %arg4[%mul3A_166] : memref<3244032xi32, #tpu.memory_space<hbm>> -> memref<128xi32, #tpu.memory_space<hbm>>
      %dma_start3A_170 = tpu.memref_slice %arg4[%mul3A_166] : memref<3244032xi32, #tpu.memory_space<hbm>> -> memref<128xi32, #tpu.memory_space<hbm>>
      tpu.enqueue_dma source(%dma_start3A_170 : memref<128xi32, #tpu.memory_space<hbm>>) target(%arg14 : memref<128xi32, #tpu.memory_space<vmem>>) target_semaphore(%arg22 : memref<!tpu.dma_semaphore, #tpu.memory_space<semaphore_mem>>)
      %dma_wait3A_171 = arith.constant 0 : i32
      %dma_wait3A_172 = tpu.memref_slice %arg8[%dma_wait3A_171] : memref<100352xf32, #tpu.memory_space<vmem_shared>> -> memref<100352xf32, #tpu.memory_space<vmem_shared>>
      tpu.wait_indirect_dma semaphore(%arg31 : memref<!tpu.dma_semaphore, #tpu.memory_space<semaphore_mem>>) src(%arg19 : memref<128xf32, #tpu.memory_space<vmem>>) dst(%dma_wait3A_172 : memref<100352xf32, #tpu.memory_space<vmem_shared>>)
      %add3A_173 = arith.constant 1 : i32
      %add3A_174 = arith.addi %add3A_84, %add3A_173 : i32
      %mul3A_175 = arith.constant 4 : i32
      %mul3A_176 = arith.muli %add3A_174, %mul3A_175 : i32
      %add3A_177 = arith.addi %mul3A_8, %mul3A_176 : i32
      %add3A_178 = arith.constant 2 : i32
      %add3A_179 = arith.addi %add3A_177, %add3A_178 : i32
      %mul3A_180 = arith.constant 128 : i32
      %mul3A_181 = arith.muli %add3A_179, %mul3A_180 : i32
      %dma_start3A_182 = tpu.memref_slice %arg3[%mul3A_181] : memref<3244032xi32, #tpu.memory_space<hbm>> -> memref<128xi32, #tpu.memory_space<hbm>>
      %dma_start3A_183 = tpu.memref_slice %arg3[%mul3A_181] : memref<3244032xi32, #tpu.memory_space<hbm>> -> memref<128xi32, #tpu.memory_space<hbm>>
      tpu.enqueue_dma source(%dma_start3A_183 : memref<128xi32, #tpu.memory_space<hbm>>) target(%arg11 : memref<128xi32, #tpu.memory_space<vmem>>) target_semaphore(%arg23 : memref<!tpu.dma_semaphore, #tpu.memory_space<semaphore_mem>>)
      %dma_start3A_184 = tpu.memref_slice %arg4[%mul3A_181] : memref<3244032xi32, #tpu.memory_space<hbm>> -> memref<128xi32, #tpu.memory_space<hbm>>
      %dma_start3A_185 = tpu.memref_slice %arg4[%mul3A_181] : memref<3244032xi32, #tpu.memory_space<hbm>> -> memref<128xi32, #tpu.memory_space<hbm>>
      tpu.enqueue_dma source(%dma_start3A_185 : memref<128xi32, #tpu.memory_space<hbm>>) target(%arg15 : memref<128xi32, #tpu.memory_space<vmem>>) target_semaphore(%arg23 : memref<!tpu.dma_semaphore, #tpu.memory_space<semaphore_mem>>)
      %dma_wait3A_186 = arith.constant 0 : i32
      %dma_wait3A_187 = tpu.memref_slice %arg8[%dma_wait3A_186] : memref<100352xf32, #tpu.memory_space<vmem_shared>> -> memref<100352xf32, #tpu.memory_space<vmem_shared>>
      tpu.wait_indirect_dma semaphore(%arg32 : memref<!tpu.dma_semaphore, #tpu.memory_space<semaphore_mem>>) src(%arg20 : memref<128xf32, #tpu.memory_space<vmem>>) dst(%dma_wait3A_187 : memref<100352xf32, #tpu.memory_space<vmem_shared>>)
      %add3A_188 = arith.constant 1 : i32
      %add3A_189 = arith.addi %add3A_84, %add3A_188 : i32
      %mul3A_190 = arith.constant 4 : i32
      %mul3A_191 = arith.muli %add3A_189, %mul3A_190 : i32
      %add3A_192 = arith.addi %mul3A_8, %mul3A_191 : i32
      %add3A_193 = arith.constant 3 : i32
      %add3A_194 = arith.addi %add3A_192, %add3A_193 : i32
      %mul3A_195 = arith.constant 128 : i32
      %mul3A_196 = arith.muli %add3A_194, %mul3A_195 : i32
      %dma_start3A_197 = tpu.memref_slice %arg3[%mul3A_196] : memref<3244032xi32, #tpu.memory_space<hbm>> -> memref<128xi32, #tpu.memory_space<hbm>>
      %dma_start3A_198 = tpu.memref_slice %arg3[%mul3A_196] : memref<3244032xi32, #tpu.memory_space<hbm>> -> memref<128xi32, #tpu.memory_space<hbm>>
      tpu.enqueue_dma source(%dma_start3A_198 : memref<128xi32, #tpu.memory_space<hbm>>) target(%arg12 : memref<128xi32, #tpu.memory_space<vmem>>) target_semaphore(%arg24 : memref<!tpu.dma_semaphore, #tpu.memory_space<semaphore_mem>>)
      %dma_start3A_199 = tpu.memref_slice %arg4[%mul3A_196] : memref<3244032xi32, #tpu.memory_space<hbm>> -> memref<128xi32, #tpu.memory_space<hbm>>
      %dma_start3A_200 = tpu.memref_slice %arg4[%mul3A_196] : memref<3244032xi32, #tpu.memory_space<hbm>> -> memref<128xi32, #tpu.memory_space<hbm>>
      tpu.enqueue_dma source(%dma_start3A_200 : memref<128xi32, #tpu.memory_space<hbm>>) target(%arg16 : memref<128xi32, #tpu.memory_space<vmem>>) target_semaphore(%arg24 : memref<!tpu.dma_semaphore, #tpu.memory_space<semaphore_mem>>)
    }
    %scan3A_43 = arith.constant 196 : i32
    %dma_wait3A = arith.constant 0 : i32
    %dma_wait3A_44 = tpu.memref_slice %arg3[%dma_wait3A] : memref<3244032xi32, #tpu.memory_space<hbm>> -> memref<128xi32, #tpu.memory_space<hbm>>
    %dma_wait3A_45 = arith.constant 0 : i32
    %dma_wait3A_46 = tpu.memref_slice %arg3[%dma_wait3A_45] : memref<3244032xi32, #tpu.memory_space<hbm>> -> memref<128xi32, #tpu.memory_space<hbm>>
    tpu.wait_dma2 semaphore(%arg21 : memref<!tpu.dma_semaphore, #tpu.memory_space<semaphore_mem>>) src(%dma_wait3A_46 : memref<128xi32, #tpu.memory_space<hbm>>) dst(%arg9 : memref<128xi32, #tpu.memory_space<vmem>>)
    %dma_wait3A_47 = arith.constant 0 : i32
    %dma_wait3A_48 = tpu.memref_slice %arg3[%dma_wait3A_47] : memref<3244032xi32, #tpu.memory_space<hbm>> -> memref<128xi32, #tpu.memory_space<hbm>>
    %dma_wait3A_49 = arith.constant 0 : i32
    %dma_wait3A_50 = tpu.memref_slice %arg3[%dma_wait3A_49] : memref<3244032xi32, #tpu.memory_space<hbm>> -> memref<128xi32, #tpu.memory_space<hbm>>
    tpu.wait_dma2 semaphore(%arg21 : memref<!tpu.dma_semaphore, #tpu.memory_space<semaphore_mem>>) src(%dma_wait3A_50 : memref<128xi32, #tpu.memory_space<hbm>>) dst(%arg13 : memref<128xi32, #tpu.memory_space<vmem>>)
    %dma_wait3A_51 = arith.constant 0 : i32
    %dma_wait3A_52 = tpu.memref_slice %arg3[%dma_wait3A_51] : memref<3244032xi32, #tpu.memory_space<hbm>> -> memref<128xi32, #tpu.memory_space<hbm>>
    %dma_wait3A_53 = arith.constant 0 : i32
    %dma_wait3A_54 = tpu.memref_slice %arg3[%dma_wait3A_53] : memref<3244032xi32, #tpu.memory_space<hbm>> -> memref<128xi32, #tpu.memory_space<hbm>>
    tpu.wait_dma2 semaphore(%arg22 : memref<!tpu.dma_semaphore, #tpu.memory_space<semaphore_mem>>) src(%dma_wait3A_54 : memref<128xi32, #tpu.memory_space<hbm>>) dst(%arg10 : memref<128xi32, #tpu.memory_space<vmem>>)
    %dma_wait3A_55 = arith.constant 0 : i32
    %dma_wait3A_56 = tpu.memref_slice %arg3[%dma_wait3A_55] : memref<3244032xi32, #tpu.memory_space<hbm>> -> memref<128xi32, #tpu.memory_space<hbm>>
    %dma_wait3A_57 = arith.constant 0 : i32
    %dma_wait3A_58 = tpu.memref_slice %arg3[%dma_wait3A_57] : memref<3244032xi32, #tpu.memory_space<hbm>> -> memref<128xi32, #tpu.memory_space<hbm>>
    tpu.wait_dma2 semaphore(%arg22 : memref<!tpu.dma_semaphore, #tpu.memory_space<semaphore_mem>>) src(%dma_wait3A_58 : memref<128xi32, #tpu.memory_space<hbm>>) dst(%arg14 : memref<128xi32, #tpu.memory_space<vmem>>)
    %dma_wait3A_59 = arith.constant 0 : i32
    %dma_wait3A_60 = tpu.memref_slice %arg3[%dma_wait3A_59] : memref<3244032xi32, #tpu.memory_space<hbm>> -> memref<128xi32, #tpu.memory_space<hbm>>
    %dma_wait3A_61 = arith.constant 0 : i32
    %dma_wait3A_62 = tpu.memref_slice %arg3[%dma_wait3A_61] : memref<3244032xi32, #tpu.memory_space<hbm>> -> memref<128xi32, #tpu.memory_space<hbm>>
    tpu.wait_dma2 semaphore(%arg23 : memref<!tpu.dma_semaphore, #tpu.memory_space<semaphore_mem>>) src(%dma_wait3A_62 : memref<128xi32, #tpu.memory_space<hbm>>) dst(%arg11 : memref<128xi32, #tpu.memory_space<vmem>>)
    %dma_wait3A_63 = arith.constant 0 : i32
    %dma_wait3A_64 = tpu.memref_slice %arg3[%dma_wait3A_63] : memref<3244032xi32, #tpu.memory_space<hbm>> -> memref<128xi32, #tpu.memory_space<hbm>>
    %dma_wait3A_65 = arith.constant 0 : i32
    %dma_wait3A_66 = tpu.memref_slice %arg3[%dma_wait3A_65] : memref<3244032xi32, #tpu.memory_space<hbm>> -> memref<128xi32, #tpu.memory_space<hbm>>
    tpu.wait_dma2 semaphore(%arg23 : memref<!tpu.dma_semaphore, #tpu.memory_space<semaphore_mem>>) src(%dma_wait3A_66 : memref<128xi32, #tpu.memory_space<hbm>>) dst(%arg15 : memref<128xi32, #tpu.memory_space<vmem>>)
    %dma_wait3A_67 = arith.constant 0 : i32
    %dma_wait3A_68 = tpu.memref_slice %arg3[%dma_wait3A_67] : memref<3244032xi32, #tpu.memory_space<hbm>> -> memref<128xi32, #tpu.memory_space<hbm>>
    %dma_wait3A_69 = arith.constant 0 : i32
    %dma_wait3A_70 = tpu.memref_slice %arg3[%dma_wait3A_69] : memref<3244032xi32, #tpu.memory_space<hbm>> -> memref<128xi32, #tpu.memory_space<hbm>>
    tpu.wait_dma2 semaphore(%arg24 : memref<!tpu.dma_semaphore, #tpu.memory_space<semaphore_mem>>) src(%dma_wait3A_70 : memref<128xi32, #tpu.memory_space<hbm>>) dst(%arg12 : memref<128xi32, #tpu.memory_space<vmem>>)
    %dma_wait3A_71 = arith.constant 0 : i32
    %dma_wait3A_72 = tpu.memref_slice %arg3[%dma_wait3A_71] : memref<3244032xi32, #tpu.memory_space<hbm>> -> memref<128xi32, #tpu.memory_space<hbm>>
    %dma_wait3A_73 = arith.constant 0 : i32
    %dma_wait3A_74 = tpu.memref_slice %arg3[%dma_wait3A_73] : memref<3244032xi32, #tpu.memory_space<hbm>> -> memref<128xi32, #tpu.memory_space<hbm>>
    tpu.wait_dma2 semaphore(%arg24 : memref<!tpu.dma_semaphore, #tpu.memory_space<semaphore_mem>>) src(%dma_wait3A_74 : memref<128xi32, #tpu.memory_space<hbm>>) dst(%arg16 : memref<128xi32, #tpu.memory_space<vmem>>)
    %barrier3A_75 = arith.constant 0 : index
    tpu.barrier barrier_id(%barrier3A_75)
    %mul3A_76 = arith.constant 6272 : i32
    %mul3A_77 = arith.muli %arg1, %mul3A_76 : i32
    %mul3A_78 = arith.constant 6272 : i32
    %mul3A_79 = arith.muli %arg1, %mul3A_78 : i32
    "tpu.region"() ({
      %run_scoped3A = tpu.sem_alloc : memref<!tpu.dma_semaphore, #tpu.memory_space<semaphore_mem>>
      %dma_start3A_80 = tpu.memref_slice %arg6[%arg0, %mul3A_79] : memref<2x100352xf32, #tpu.memory_space<hbm>> -> memref<1x6272xf32, #tpu.memory_space<hbm>>
      %dma_start3A_81 = tpu.memref_squeeze %dma_start3A_80 : memref<1x6272xf32, #tpu.memory_space<hbm>> -> memref<6272xf32, #tpu.memory_space<hbm>>
      %dma_start3A_82 = tpu.memref_slice %arg8[%mul3A_77] : memref<100352xf32, #tpu.memory_space<vmem_shared>> -> memref<6272xf32, #tpu.memory_space<vmem_shared>>
      tpu.enqueue_dma source(%dma_start3A_82 : memref<6272xf32, #tpu.memory_space<vmem_shared>>) target(%dma_start3A_81 : memref<6272xf32, #tpu.memory_space<hbm>>) target_semaphore(%run_scoped3A : memref<!tpu.dma_semaphore, #tpu.memory_space<semaphore_mem>>)
      %dma_wait3A_83 = tpu.memref_slice %arg6[%arg0, %mul3A_79] : memref<2x100352xf32, #tpu.memory_space<hbm>> -> memref<1x6272xf32, #tpu.memory_space<hbm>>
      %dma_wait3A_84 = tpu.memref_squeeze %dma_wait3A_83 : memref<1x6272xf32, #tpu.memory_space<hbm>> -> memref<6272xf32, #tpu.memory_space<hbm>>
      %dma_wait3A_85 = tpu.memref_slice %arg8[%mul3A_77] : memref<100352xf32, #tpu.memory_space<vmem_shared>> -> memref<6272xf32, #tpu.memory_space<vmem_shared>>
      tpu.wait_dma2 semaphore(%run_scoped3A : memref<!tpu.dma_semaphore, #tpu.memory_space<semaphore_mem>>) src(%dma_wait3A_85 : memref<6272xf32, #tpu.memory_space<vmem_shared>>) dst(%dma_wait3A_84 : memref<6272xf32, #tpu.memory_space<hbm>>)
      tpu.yield
    }) : () -> ()
    return
  }
}

#map = affine_map<(d0, d1) -> (0)>
#map1 = affine_map<(d0, d1) -> (0, 0)>
module attributes {stable_mosaic.version = 14 : i64} {
  func.func @_sc_b_body(%arg0: i32, %arg1: i32, %arg2: memref<200704xf32, #tpu.memory_space<hbm>>, %arg3: memref<200704xf32, #tpu.memory_space<hbm>>, %arg4: memref<200704xf32, #tpu.memory_space<hbm>>, %arg5: memref<200704xf32, #tpu.memory_space<hbm>>, %arg6: memref<100352xf32, #tpu.memory_space<hbm>>, %arg7: memref<1638400xi32, #tpu.memory_space<hbm>>, %arg8: memref<1638400xi32, #tpu.memory_space<hbm>>, %arg9: memref<1638400xi32, #tpu.memory_space<hbm>>, %arg10: memref<6272xf32, #tpu.memory_space<hbm>>, %arg11: memref<128xf32, #tpu.memory_space<hbm>>, %arg12: memref<2x100352xf32, #tpu.memory_space<hbm>>, %arg13: memref<2x100352xf32, #tpu.memory_space<hbm>>, %arg14: memref<2x100352xf32, #tpu.memory_space<hbm>>, %arg15: memref<2x100352xf32, #tpu.memory_space<hbm>>, %arg16: memref<2x100352xf32, #tpu.memory_space<hbm>>, %arg17: memref<2x100352xf32, #tpu.memory_space<hbm>>, %arg18: memref<200704xf32, #tpu.memory_space<vmem_shared>>, %arg19: memref<200704xf32, #tpu.memory_space<vmem_shared>>, %arg20: memref<200704xf32, #tpu.memory_space<vmem_shared>>, %arg21: memref<200704xf32, #tpu.memory_space<vmem_shared>>, %arg22: memref<100352xf32, #tpu.memory_space<vmem_shared>>, %arg23: memref<100352xf32, #tpu.memory_space<vmem_shared>>, %arg24: memref<100352xf32, #tpu.memory_space<vmem_shared>>, %arg25: memref<100352xf32, #tpu.memory_space<vmem_shared>>, %arg26: memref<100352xf32, #tpu.memory_space<vmem_shared>>, %arg27: memref<100352xf32, #tpu.memory_space<vmem_shared>>, %arg28: memref<100352xf32, #tpu.memory_space<vmem_shared>>, %arg29: memref<128xi32, #tpu.memory_space<vmem>>, %arg30: memref<128xi32, #tpu.memory_space<vmem>>, %arg31: memref<128xi32, #tpu.memory_space<vmem>>, %arg32: memref<128xi32, #tpu.memory_space<vmem>>, %arg33: memref<128xi32, #tpu.memory_space<vmem>>, %arg34: memref<128xi32, #tpu.memory_space<vmem>>, %arg35: memref<128xf32, #tpu.memory_space<vmem>>, %arg36: memref<128xf32, #tpu.memory_space<vmem>>, %arg37: memref<128xf32, #tpu.memory_space<vmem>>, %arg38: memref<128xf32, #tpu.memory_space<vmem>>, %arg39: memref<128xf32, #tpu.memory_space<vmem>>, %arg40: memref<128xf32, #tpu.memory_space<vmem>>, %arg41: memref<128xf32, #tpu.memory_space<vmem>>, %arg42: memref<128xf32, #tpu.memory_space<vmem>>, %arg43: memref<128xf32, #tpu.memory_space<vmem>>, %arg44: memref<128xf32, #tpu.memory_space<vmem>>, %arg45: memref<128xf32, #tpu.memory_space<vmem>>, %arg46: memref<!tpu.dma_semaphore, #tpu.memory_space<semaphore_mem>>, %arg47: memref<!tpu.dma_semaphore, #tpu.memory_space<semaphore_mem>>, %arg48: memref<!tpu.dma_semaphore, #tpu.memory_space<semaphore_mem>>, %arg49: memref<!tpu.dma_semaphore, #tpu.memory_space<semaphore_mem>>, %arg50: memref<!tpu.dma_semaphore, #tpu.memory_space<semaphore_mem>>, %arg51: memref<!tpu.dma_semaphore, #tpu.memory_space<semaphore_mem>>) attributes {dimension_semantics = [#tpu.dimension_semantics<core_parallel>, #tpu.dimension_semantics<subcore_parallel>], iteration_bounds = array<i64: 2, 16>, scalar_prefetch = 0 : i64, scratch_operands = 34 : i64, tpu.core_type = #tpu.core_type<sc_vector_subcore>, window_params = [{transform_indices = #map}, {transform_indices = #map}, {transform_indices = #map}, {transform_indices = #map}, {transform_indices = #map}, {transform_indices = #map}, {transform_indices = #map}, {transform_indices = #map}, {transform_indices = #map}, {transform_indices = #map}, {transform_indices = #map1}, {transform_indices = #map1}, {transform_indices = #map1}, {transform_indices = #map1}, {transform_indices = #map1}, {transform_indices = #map1}]} {
    %mul3A = arith.constant 2 : i32
    %mul3A_0 = arith.muli %arg1, %mul3A : i32
    %add3A = arith.addi %mul3A_0, %arg0 : i32
    %mul3A_1 = arith.constant 12544 : i32
    %mul3A_2 = arith.muli %arg1, %mul3A_1 : i32
    %mul3A_3 = arith.constant 12544 : i32
    %mul3A_4 = arith.muli %arg1, %mul3A_3 : i32
    "tpu.region"() ({
      %run_scoped3A = tpu.sem_alloc : memref<!tpu.dma_semaphore, #tpu.memory_space<semaphore_mem>>
      %dma_start3A_106 = tpu.memref_slice %arg18[%mul3A_4] : memref<200704xf32, #tpu.memory_space<vmem_shared>> -> memref<12544xf32, #tpu.memory_space<vmem_shared>>
      %dma_start3A_107 = tpu.memref_slice %arg2[%mul3A_2] : memref<200704xf32, #tpu.memory_space<hbm>> -> memref<12544xf32, #tpu.memory_space<hbm>>
      tpu.enqueue_dma source(%dma_start3A_107 : memref<12544xf32, #tpu.memory_space<hbm>>) target(%dma_start3A_106 : memref<12544xf32, #tpu.memory_space<vmem_shared>>) target_semaphore(%run_scoped3A : memref<!tpu.dma_semaphore, #tpu.memory_space<semaphore_mem>>)
      %dma_wait3A_108 = tpu.memref_slice %arg18[%mul3A_4] : memref<200704xf32, #tpu.memory_space<vmem_shared>> -> memref<12544xf32, #tpu.memory_space<vmem_shared>>
      %dma_wait3A_109 = tpu.memref_slice %arg2[%mul3A_2] : memref<200704xf32, #tpu.memory_space<hbm>> -> memref<12544xf32, #tpu.memory_space<hbm>>
      tpu.wait_dma2 semaphore(%run_scoped3A : memref<!tpu.dma_semaphore, #tpu.memory_space<semaphore_mem>>) src(%dma_wait3A_109 : memref<12544xf32, #tpu.memory_space<hbm>>) dst(%dma_wait3A_108 : memref<12544xf32, #tpu.memory_space<vmem_shared>>)
      tpu.yield
    }) : () -> ()
    %mul3A_5 = arith.constant 12544 : i32
    %mul3A_6 = arith.muli %arg1, %mul3A_5 : i32
    %mul3A_7 = arith.constant 12544 : i32
    %mul3A_8 = arith.muli %arg1, %mul3A_7 : i32
    "tpu.region"() ({
      %run_scoped3A = tpu.sem_alloc : memref<!tpu.dma_semaphore, #tpu.memory_space<semaphore_mem>>
      %dma_start3A_106 = tpu.memref_slice %arg19[%mul3A_8] : memref<200704xf32, #tpu.memory_space<vmem_shared>> -> memref<12544xf32, #tpu.memory_space<vmem_shared>>
      %dma_start3A_107 = tpu.memref_slice %arg3[%mul3A_6] : memref<200704xf32, #tpu.memory_space<hbm>> -> memref<12544xf32, #tpu.memory_space<hbm>>
      tpu.enqueue_dma source(%dma_start3A_107 : memref<12544xf32, #tpu.memory_space<hbm>>) target(%dma_start3A_106 : memref<12544xf32, #tpu.memory_space<vmem_shared>>) target_semaphore(%run_scoped3A : memref<!tpu.dma_semaphore, #tpu.memory_space<semaphore_mem>>)
      %dma_wait3A_108 = tpu.memref_slice %arg19[%mul3A_8] : memref<200704xf32, #tpu.memory_space<vmem_shared>> -> memref<12544xf32, #tpu.memory_space<vmem_shared>>
      %dma_wait3A_109 = tpu.memref_slice %arg3[%mul3A_6] : memref<200704xf32, #tpu.memory_space<hbm>> -> memref<12544xf32, #tpu.memory_space<hbm>>
      tpu.wait_dma2 semaphore(%run_scoped3A : memref<!tpu.dma_semaphore, #tpu.memory_space<semaphore_mem>>) src(%dma_wait3A_109 : memref<12544xf32, #tpu.memory_space<hbm>>) dst(%dma_wait3A_108 : memref<12544xf32, #tpu.memory_space<vmem_shared>>)
      tpu.yield
    }) : () -> ()
    %mul3A_9 = arith.constant 12544 : i32
    %mul3A_10 = arith.muli %arg1, %mul3A_9 : i32
    %mul3A_11 = arith.constant 12544 : i32
    %mul3A_12 = arith.muli %arg1, %mul3A_11 : i32
    "tpu.region"() ({
      %run_scoped3A = tpu.sem_alloc : memref<!tpu.dma_semaphore, #tpu.memory_space<semaphore_mem>>
      %dma_start3A_106 = tpu.memref_slice %arg20[%mul3A_12] : memref<200704xf32, #tpu.memory_space<vmem_shared>> -> memref<12544xf32, #tpu.memory_space<vmem_shared>>
      %dma_start3A_107 = tpu.memref_slice %arg4[%mul3A_10] : memref<200704xf32, #tpu.memory_space<hbm>> -> memref<12544xf32, #tpu.memory_space<hbm>>
      tpu.enqueue_dma source(%dma_start3A_107 : memref<12544xf32, #tpu.memory_space<hbm>>) target(%dma_start3A_106 : memref<12544xf32, #tpu.memory_space<vmem_shared>>) target_semaphore(%run_scoped3A : memref<!tpu.dma_semaphore, #tpu.memory_space<semaphore_mem>>)
      %dma_wait3A_108 = tpu.memref_slice %arg20[%mul3A_12] : memref<200704xf32, #tpu.memory_space<vmem_shared>> -> memref<12544xf32, #tpu.memory_space<vmem_shared>>
      %dma_wait3A_109 = tpu.memref_slice %arg4[%mul3A_10] : memref<200704xf32, #tpu.memory_space<hbm>> -> memref<12544xf32, #tpu.memory_space<hbm>>
      tpu.wait_dma2 semaphore(%run_scoped3A : memref<!tpu.dma_semaphore, #tpu.memory_space<semaphore_mem>>) src(%dma_wait3A_109 : memref<12544xf32, #tpu.memory_space<hbm>>) dst(%dma_wait3A_108 : memref<12544xf32, #tpu.memory_space<vmem_shared>>)
      tpu.yield
    }) : () -> ()
    %mul3A_13 = arith.constant 12544 : i32
    %mul3A_14 = arith.muli %arg1, %mul3A_13 : i32
    %mul3A_15 = arith.constant 12544 : i32
    %mul3A_16 = arith.muli %arg1, %mul3A_15 : i32
    "tpu.region"() ({
      %run_scoped3A = tpu.sem_alloc : memref<!tpu.dma_semaphore, #tpu.memory_space<semaphore_mem>>
      %dma_start3A_106 = tpu.memref_slice %arg21[%mul3A_16] : memref<200704xf32, #tpu.memory_space<vmem_shared>> -> memref<12544xf32, #tpu.memory_space<vmem_shared>>
      %dma_start3A_107 = tpu.memref_slice %arg5[%mul3A_14] : memref<200704xf32, #tpu.memory_space<hbm>> -> memref<12544xf32, #tpu.memory_space<hbm>>
      tpu.enqueue_dma source(%dma_start3A_107 : memref<12544xf32, #tpu.memory_space<hbm>>) target(%dma_start3A_106 : memref<12544xf32, #tpu.memory_space<vmem_shared>>) target_semaphore(%run_scoped3A : memref<!tpu.dma_semaphore, #tpu.memory_space<semaphore_mem>>)
      %dma_wait3A_108 = tpu.memref_slice %arg21[%mul3A_16] : memref<200704xf32, #tpu.memory_space<vmem_shared>> -> memref<12544xf32, #tpu.memory_space<vmem_shared>>
      %dma_wait3A_109 = tpu.memref_slice %arg5[%mul3A_14] : memref<200704xf32, #tpu.memory_space<hbm>> -> memref<12544xf32, #tpu.memory_space<hbm>>
      tpu.wait_dma2 semaphore(%run_scoped3A : memref<!tpu.dma_semaphore, #tpu.memory_space<semaphore_mem>>) src(%dma_wait3A_109 : memref<12544xf32, #tpu.memory_space<hbm>>) dst(%dma_wait3A_108 : memref<12544xf32, #tpu.memory_space<vmem_shared>>)
      tpu.yield
    }) : () -> ()
    %mul3A_17 = arith.constant 6272 : i32
    %mul3A_18 = arith.muli %arg1, %mul3A_17 : i32
    %mul3A_19 = arith.constant 6272 : i32
    %mul3A_20 = arith.muli %arg1, %mul3A_19 : i32
    "tpu.region"() ({
      %run_scoped3A = tpu.sem_alloc : memref<!tpu.dma_semaphore, #tpu.memory_space<semaphore_mem>>
      %dma_start3A_106 = tpu.memref_slice %arg22[%mul3A_20] : memref<100352xf32, #tpu.memory_space<vmem_shared>> -> memref<6272xf32, #tpu.memory_space<vmem_shared>>
      %dma_start3A_107 = tpu.memref_slice %arg6[%mul3A_18] : memref<100352xf32, #tpu.memory_space<hbm>> -> memref<6272xf32, #tpu.memory_space<hbm>>
      tpu.enqueue_dma source(%dma_start3A_107 : memref<6272xf32, #tpu.memory_space<hbm>>) target(%dma_start3A_106 : memref<6272xf32, #tpu.memory_space<vmem_shared>>) target_semaphore(%run_scoped3A : memref<!tpu.dma_semaphore, #tpu.memory_space<semaphore_mem>>)
      %dma_wait3A_108 = tpu.memref_slice %arg22[%mul3A_20] : memref<100352xf32, #tpu.memory_space<vmem_shared>> -> memref<6272xf32, #tpu.memory_space<vmem_shared>>
      %dma_wait3A_109 = tpu.memref_slice %arg6[%mul3A_18] : memref<100352xf32, #tpu.memory_space<hbm>> -> memref<6272xf32, #tpu.memory_space<hbm>>
      tpu.wait_dma2 semaphore(%run_scoped3A : memref<!tpu.dma_semaphore, #tpu.memory_space<semaphore_mem>>) src(%dma_wait3A_109 : memref<6272xf32, #tpu.memory_space<hbm>>) dst(%dma_wait3A_108 : memref<6272xf32, #tpu.memory_space<vmem_shared>>)
      tpu.yield
    }) : () -> ()
    %mul3A_21 = arith.constant 6272 : i32
    %mul3A_22 = arith.muli %arg1, %mul3A_21 : i32
    "tpu.region"() ({
      %run_scoped3A = tpu.sem_alloc : memref<!tpu.dma_semaphore, #tpu.memory_space<semaphore_mem>>
      %dma_start3A_106 = tpu.memref_slice %arg23[%mul3A_22] : memref<100352xf32, #tpu.memory_space<vmem_shared>> -> memref<6272xf32, #tpu.memory_space<vmem_shared>>
      tpu.enqueue_dma source(%arg10 : memref<6272xf32, #tpu.memory_space<hbm>>) target(%dma_start3A_106 : memref<6272xf32, #tpu.memory_space<vmem_shared>>) target_semaphore(%run_scoped3A : memref<!tpu.dma_semaphore, #tpu.memory_space<semaphore_mem>>)
      %dma_wait3A_107 = tpu.memref_slice %arg23[%mul3A_22] : memref<100352xf32, #tpu.memory_space<vmem_shared>> -> memref<6272xf32, #tpu.memory_space<vmem_shared>>
      tpu.wait_dma2 semaphore(%run_scoped3A : memref<!tpu.dma_semaphore, #tpu.memory_space<semaphore_mem>>) src(%arg10 : memref<6272xf32, #tpu.memory_space<hbm>>) dst(%dma_wait3A_107 : memref<6272xf32, #tpu.memory_space<vmem_shared>>)
      tpu.yield
    }) : () -> ()
    %mul3A_23 = arith.constant 6272 : i32
    %mul3A_24 = arith.muli %arg1, %mul3A_23 : i32
    "tpu.region"() ({
      %run_scoped3A = tpu.sem_alloc : memref<!tpu.dma_semaphore, #tpu.memory_space<semaphore_mem>>
      %dma_start3A_106 = tpu.memref_slice %arg24[%mul3A_24] : memref<100352xf32, #tpu.memory_space<vmem_shared>> -> memref<6272xf32, #tpu.memory_space<vmem_shared>>
      tpu.enqueue_dma source(%arg10 : memref<6272xf32, #tpu.memory_space<hbm>>) target(%dma_start3A_106 : memref<6272xf32, #tpu.memory_space<vmem_shared>>) target_semaphore(%run_scoped3A : memref<!tpu.dma_semaphore, #tpu.memory_space<semaphore_mem>>)
      %dma_wait3A_107 = tpu.memref_slice %arg24[%mul3A_24] : memref<100352xf32, #tpu.memory_space<vmem_shared>> -> memref<6272xf32, #tpu.memory_space<vmem_shared>>
      tpu.wait_dma2 semaphore(%run_scoped3A : memref<!tpu.dma_semaphore, #tpu.memory_space<semaphore_mem>>) src(%arg10 : memref<6272xf32, #tpu.memory_space<hbm>>) dst(%dma_wait3A_107 : memref<6272xf32, #tpu.memory_space<vmem_shared>>)
      tpu.yield
    }) : () -> ()
    %mul3A_25 = arith.constant 6272 : i32
    %mul3A_26 = arith.muli %arg1, %mul3A_25 : i32
    "tpu.region"() ({
      %run_scoped3A = tpu.sem_alloc : memref<!tpu.dma_semaphore, #tpu.memory_space<semaphore_mem>>
      %dma_start3A_106 = tpu.memref_slice %arg25[%mul3A_26] : memref<100352xf32, #tpu.memory_space<vmem_shared>> -> memref<6272xf32, #tpu.memory_space<vmem_shared>>
      tpu.enqueue_dma source(%arg10 : memref<6272xf32, #tpu.memory_space<hbm>>) target(%dma_start3A_106 : memref<6272xf32, #tpu.memory_space<vmem_shared>>) target_semaphore(%run_scoped3A : memref<!tpu.dma_semaphore, #tpu.memory_space<semaphore_mem>>)
      %dma_wait3A_107 = tpu.memref_slice %arg25[%mul3A_26] : memref<100352xf32, #tpu.memory_space<vmem_shared>> -> memref<6272xf32, #tpu.memory_space<vmem_shared>>
      tpu.wait_dma2 semaphore(%run_scoped3A : memref<!tpu.dma_semaphore, #tpu.memory_space<semaphore_mem>>) src(%arg10 : memref<6272xf32, #tpu.memory_space<hbm>>) dst(%dma_wait3A_107 : memref<6272xf32, #tpu.memory_space<vmem_shared>>)
      tpu.yield
    }) : () -> ()
    %mul3A_27 = arith.constant 6272 : i32
    %mul3A_28 = arith.muli %arg1, %mul3A_27 : i32
    "tpu.region"() ({
      %run_scoped3A = tpu.sem_alloc : memref<!tpu.dma_semaphore, #tpu.memory_space<semaphore_mem>>
      %dma_start3A_106 = tpu.memref_slice %arg26[%mul3A_28] : memref<100352xf32, #tpu.memory_space<vmem_shared>> -> memref<6272xf32, #tpu.memory_space<vmem_shared>>
      tpu.enqueue_dma source(%arg10 : memref<6272xf32, #tpu.memory_space<hbm>>) target(%dma_start3A_106 : memref<6272xf32, #tpu.memory_space<vmem_shared>>) target_semaphore(%run_scoped3A : memref<!tpu.dma_semaphore, #tpu.memory_space<semaphore_mem>>)
      %dma_wait3A_107 = tpu.memref_slice %arg26[%mul3A_28] : memref<100352xf32, #tpu.memory_space<vmem_shared>> -> memref<6272xf32, #tpu.memory_space<vmem_shared>>
      tpu.wait_dma2 semaphore(%run_scoped3A : memref<!tpu.dma_semaphore, #tpu.memory_space<semaphore_mem>>) src(%arg10 : memref<6272xf32, #tpu.memory_space<hbm>>) dst(%dma_wait3A_107 : memref<6272xf32, #tpu.memory_space<vmem_shared>>)
      tpu.yield
    }) : () -> ()
    %mul3A_29 = arith.constant 6272 : i32
    %mul3A_30 = arith.muli %arg1, %mul3A_29 : i32
    "tpu.region"() ({
      %run_scoped3A = tpu.sem_alloc : memref<!tpu.dma_semaphore, #tpu.memory_space<semaphore_mem>>
      %dma_start3A_106 = tpu.memref_slice %arg27[%mul3A_30] : memref<100352xf32, #tpu.memory_space<vmem_shared>> -> memref<6272xf32, #tpu.memory_space<vmem_shared>>
      tpu.enqueue_dma source(%arg10 : memref<6272xf32, #tpu.memory_space<hbm>>) target(%dma_start3A_106 : memref<6272xf32, #tpu.memory_space<vmem_shared>>) target_semaphore(%run_scoped3A : memref<!tpu.dma_semaphore, #tpu.memory_space<semaphore_mem>>)
      %dma_wait3A_107 = tpu.memref_slice %arg27[%mul3A_30] : memref<100352xf32, #tpu.memory_space<vmem_shared>> -> memref<6272xf32, #tpu.memory_space<vmem_shared>>
      tpu.wait_dma2 semaphore(%run_scoped3A : memref<!tpu.dma_semaphore, #tpu.memory_space<semaphore_mem>>) src(%arg10 : memref<6272xf32, #tpu.memory_space<hbm>>) dst(%dma_wait3A_107 : memref<6272xf32, #tpu.memory_space<vmem_shared>>)
      tpu.yield
    }) : () -> ()
    %mul3A_31 = arith.constant 6272 : i32
    %mul3A_32 = arith.muli %arg1, %mul3A_31 : i32
    "tpu.region"() ({
      %run_scoped3A = tpu.sem_alloc : memref<!tpu.dma_semaphore, #tpu.memory_space<semaphore_mem>>
      %dma_start3A_106 = tpu.memref_slice %arg28[%mul3A_32] : memref<100352xf32, #tpu.memory_space<vmem_shared>> -> memref<6272xf32, #tpu.memory_space<vmem_shared>>
      tpu.enqueue_dma source(%arg10 : memref<6272xf32, #tpu.memory_space<hbm>>) target(%dma_start3A_106 : memref<6272xf32, #tpu.memory_space<vmem_shared>>) target_semaphore(%run_scoped3A : memref<!tpu.dma_semaphore, #tpu.memory_space<semaphore_mem>>)
      %dma_wait3A_107 = tpu.memref_slice %arg28[%mul3A_32] : memref<100352xf32, #tpu.memory_space<vmem_shared>> -> memref<6272xf32, #tpu.memory_space<vmem_shared>>
      tpu.wait_dma2 semaphore(%run_scoped3A : memref<!tpu.dma_semaphore, #tpu.memory_space<semaphore_mem>>) src(%arg10 : memref<6272xf32, #tpu.memory_space<hbm>>) dst(%dma_wait3A_107 : memref<6272xf32, #tpu.memory_space<vmem_shared>>)
      tpu.yield
    }) : () -> ()
    "tpu.region"() ({
      %run_scoped3A = tpu.sem_alloc : memref<!tpu.dma_semaphore, #tpu.memory_space<semaphore_mem>>
      tpu.enqueue_dma source(%arg11 : memref<128xf32, #tpu.memory_space<hbm>>) target(%arg45 : memref<128xf32, #tpu.memory_space<vmem>>) target_semaphore(%run_scoped3A : memref<!tpu.dma_semaphore, #tpu.memory_space<semaphore_mem>>)
      tpu.wait_dma2 semaphore(%run_scoped3A : memref<!tpu.dma_semaphore, #tpu.memory_space<semaphore_mem>>) src(%arg11 : memref<128xf32, #tpu.memory_space<hbm>>) dst(%arg45 : memref<128xf32, #tpu.memory_space<vmem>>)
      tpu.yield
    }) : () -> ()
    %barrier3A = arith.constant 0 : index
    tpu.barrier barrier_id(%barrier3A)
    %mul3A_33 = arith.constant 392 : i32
    %mul3A_34 = arith.muli %add3A, %mul3A_33 : i32
    %add3A_35 = arith.constant 0 : i32
    %add3A_36 = arith.addi %mul3A_34, %add3A_35 : i32
    %mul3A_37 = arith.constant 128 : i32
    %mul3A_38 = arith.muli %add3A_36, %mul3A_37 : i32
    %dma_start3A = tpu.memref_slice %arg7[%mul3A_38] : memref<1638400xi32, #tpu.memory_space<hbm>> -> memref<128xi32, #tpu.memory_space<hbm>>
    %dma_start3A_39 = tpu.memref_slice %arg7[%mul3A_38] : memref<1638400xi32, #tpu.memory_space<hbm>> -> memref<128xi32, #tpu.memory_space<hbm>>
    tpu.enqueue_dma source(%dma_start3A_39 : memref<128xi32, #tpu.memory_space<hbm>>) target(%arg29 : memref<128xi32, #tpu.memory_space<vmem>>) target_semaphore(%arg46 : memref<!tpu.dma_semaphore, #tpu.memory_space<semaphore_mem>>)
    %dma_start3A_40 = tpu.memref_slice %arg8[%mul3A_38] : memref<1638400xi32, #tpu.memory_space<hbm>> -> memref<128xi32, #tpu.memory_space<hbm>>
    %dma_start3A_41 = tpu.memref_slice %arg8[%mul3A_38] : memref<1638400xi32, #tpu.memory_space<hbm>> -> memref<128xi32, #tpu.memory_space<hbm>>
    tpu.enqueue_dma source(%dma_start3A_41 : memref<128xi32, #tpu.memory_space<hbm>>) target(%arg31 : memref<128xi32, #tpu.memory_space<vmem>>) target_semaphore(%arg46 : memref<!tpu.dma_semaphore, #tpu.memory_space<semaphore_mem>>)
    %dma_start3A_42 = tpu.memref_slice %arg9[%mul3A_38] : memref<1638400xi32, #tpu.memory_space<hbm>> -> memref<128xi32, #tpu.memory_space<hbm>>
    %dma_start3A_43 = tpu.memref_slice %arg9[%mul3A_38] : memref<1638400xi32, #tpu.memory_space<hbm>> -> memref<128xi32, #tpu.memory_space<hbm>>
    tpu.enqueue_dma source(%dma_start3A_43 : memref<128xi32, #tpu.memory_space<hbm>>) target(%arg33 : memref<128xi32, #tpu.memory_space<vmem>>) target_semaphore(%arg46 : memref<!tpu.dma_semaphore, #tpu.memory_space<semaphore_mem>>)
    %add3A_44 = arith.constant 1 : i32
    %add3A_45 = arith.addi %mul3A_34, %add3A_44 : i32
    %mul3A_46 = arith.constant 128 : i32
    %mul3A_47 = arith.muli %add3A_45, %mul3A_46 : i32
    %dma_start3A_48 = tpu.memref_slice %arg7[%mul3A_47] : memref<1638400xi32, #tpu.memory_space<hbm>> -> memref<128xi32, #tpu.memory_space<hbm>>
    %dma_start3A_49 = tpu.memref_slice %arg7[%mul3A_47] : memref<1638400xi32, #tpu.memory_space<hbm>> -> memref<128xi32, #tpu.memory_space<hbm>>
    tpu.enqueue_dma source(%dma_start3A_49 : memref<128xi32, #tpu.memory_space<hbm>>) target(%arg30 : memref<128xi32, #tpu.memory_space<vmem>>) target_semaphore(%arg47 : memref<!tpu.dma_semaphore, #tpu.memory_space<semaphore_mem>>)
    %dma_start3A_50 = tpu.memref_slice %arg8[%mul3A_47] : memref<1638400xi32, #tpu.memory_space<hbm>> -> memref<128xi32, #tpu.memory_space<hbm>>
    %dma_start3A_51 = tpu.memref_slice %arg8[%mul3A_47] : memref<1638400xi32, #tpu.memory_space<hbm>> -> memref<128xi32, #tpu.memory_space<hbm>>
    tpu.enqueue_dma source(%dma_start3A_51 : memref<128xi32, #tpu.memory_space<hbm>>) target(%arg32 : memref<128xi32, #tpu.memory_space<vmem>>) target_semaphore(%arg47 : memref<!tpu.dma_semaphore, #tpu.memory_space<semaphore_mem>>)
    %dma_start3A_52 = tpu.memref_slice %arg9[%mul3A_47] : memref<1638400xi32, #tpu.memory_space<hbm>> -> memref<128xi32, #tpu.memory_space<hbm>>
    %dma_start3A_53 = tpu.memref_slice %arg9[%mul3A_47] : memref<1638400xi32, #tpu.memory_space<hbm>> -> memref<128xi32, #tpu.memory_space<hbm>>
    tpu.enqueue_dma source(%dma_start3A_53 : memref<128xi32, #tpu.memory_space<hbm>>) target(%arg34 : memref<128xi32, #tpu.memory_space<vmem>>) target_semaphore(%arg47 : memref<!tpu.dma_semaphore, #tpu.memory_space<semaphore_mem>>)
    %scan3A = arith.constant 0 : i32
    %scan3A_54 = arith.constant 196 : i32
    %scan3A_55 = arith.addi %scan3A, %scan3A_54 : i32
    %scan3A_56 = arith.constant 1 : i32
    scf.for %scan3A_106 = %scan3A to %scan3A_55 step %scan3A_56  : i32 {
      %mul3A_107 = arith.constant 1 : i32
      %mul3A_108 = arith.muli %scan3A_106, %mul3A_107 : i32
      %add3A_109 = arith.constant 0 : i32
      %add3A_110 = arith.addi %add3A_109, %mul3A_108 : i32
      %dma_wait3A_111 = arith.constant 0 : i32
      %dma_wait3A_112 = tpu.memref_slice %arg7[%dma_wait3A_111] : memref<1638400xi32, #tpu.memory_space<hbm>> -> memref<128xi32, #tpu.memory_space<hbm>>
      %dma_wait3A_113 = arith.constant 0 : i32
      %dma_wait3A_114 = tpu.memref_slice %arg7[%dma_wait3A_113] : memref<1638400xi32, #tpu.memory_space<hbm>> -> memref<128xi32, #tpu.memory_space<hbm>>
      tpu.wait_dma2 semaphore(%arg46 : memref<!tpu.dma_semaphore, #tpu.memory_space<semaphore_mem>>) src(%dma_wait3A_114 : memref<128xi32, #tpu.memory_space<hbm>>) dst(%arg29 : memref<128xi32, #tpu.memory_space<vmem>>)
      %dma_wait3A_115 = arith.constant 0 : i32
      %dma_wait3A_116 = tpu.memref_slice %arg7[%dma_wait3A_115] : memref<1638400xi32, #tpu.memory_space<hbm>> -> memref<128xi32, #tpu.memory_space<hbm>>
      %dma_wait3A_117 = arith.constant 0 : i32
      %dma_wait3A_118 = tpu.memref_slice %arg7[%dma_wait3A_117] : memref<1638400xi32, #tpu.memory_space<hbm>> -> memref<128xi32, #tpu.memory_space<hbm>>
      tpu.wait_dma2 semaphore(%arg46 : memref<!tpu.dma_semaphore, #tpu.memory_space<semaphore_mem>>) src(%dma_wait3A_118 : memref<128xi32, #tpu.memory_space<hbm>>) dst(%arg31 : memref<128xi32, #tpu.memory_space<vmem>>)
      %dma_wait3A_119 = arith.constant 0 : i32
      %dma_wait3A_120 = tpu.memref_slice %arg7[%dma_wait3A_119] : memref<1638400xi32, #tpu.memory_space<hbm>> -> memref<128xi32, #tpu.memory_space<hbm>>
      %dma_wait3A_121 = arith.constant 0 : i32
      %dma_wait3A_122 = tpu.memref_slice %arg7[%dma_wait3A_121] : memref<1638400xi32, #tpu.memory_space<hbm>> -> memref<128xi32, #tpu.memory_space<hbm>>
      tpu.wait_dma2 semaphore(%arg46 : memref<!tpu.dma_semaphore, #tpu.memory_space<semaphore_mem>>) src(%dma_wait3A_122 : memref<128xi32, #tpu.memory_space<hbm>>) dst(%arg33 : memref<128xi32, #tpu.memory_space<vmem>>)
      %dma_start3A_123 = arith.constant 0 : i32
      %dma_start3A_124 = tpu.memref_slice %arg18[%dma_start3A_123] : memref<200704xf32, #tpu.memory_space<vmem_shared>> -> memref<200704xf32, #tpu.memory_space<vmem_shared>>
      tpu.enqueue_indirect_dma source(%dma_start3A_124 : memref<200704xf32, #tpu.memory_space<vmem_shared>>) target(%arg35 : memref<128xf32, #tpu.memory_space<vmem>>) offsets(%arg29 : memref<128xi32, #tpu.memory_space<vmem>>) semaphore(%arg48 : memref<!tpu.dma_semaphore, #tpu.memory_space<semaphore_mem>>)
      %dma_start3A_125 = arith.constant 0 : i32
      %dma_start3A_126 = tpu.memref_slice %arg19[%dma_start3A_125] : memref<200704xf32, #tpu.memory_space<vmem_shared>> -> memref<200704xf32, #tpu.memory_space<vmem_shared>>
      tpu.enqueue_indirect_dma source(%dma_start3A_126 : memref<200704xf32, #tpu.memory_space<vmem_shared>>) target(%arg37 : memref<128xf32, #tpu.memory_space<vmem>>) offsets(%arg29 : memref<128xi32, #tpu.memory_space<vmem>>) semaphore(%arg48 : memref<!tpu.dma_semaphore, #tpu.memory_space<semaphore_mem>>)
      %dma_start3A_127 = arith.constant 0 : i32
      %dma_start3A_128 = tpu.memref_slice %arg20[%dma_start3A_127] : memref<200704xf32, #tpu.memory_space<vmem_shared>> -> memref<200704xf32, #tpu.memory_space<vmem_shared>>
      tpu.enqueue_indirect_dma source(%dma_start3A_128 : memref<200704xf32, #tpu.memory_space<vmem_shared>>) target(%arg39 : memref<128xf32, #tpu.memory_space<vmem>>) offsets(%arg29 : memref<128xi32, #tpu.memory_space<vmem>>) semaphore(%arg48 : memref<!tpu.dma_semaphore, #tpu.memory_space<semaphore_mem>>)
      %dma_start3A_129 = arith.constant 0 : i32
      %dma_start3A_130 = tpu.memref_slice %arg21[%dma_start3A_129] : memref<200704xf32, #tpu.memory_space<vmem_shared>> -> memref<200704xf32, #tpu.memory_space<vmem_shared>>
      tpu.enqueue_indirect_dma source(%dma_start3A_130 : memref<200704xf32, #tpu.memory_space<vmem_shared>>) target(%arg41 : memref<128xf32, #tpu.memory_space<vmem>>) offsets(%arg29 : memref<128xi32, #tpu.memory_space<vmem>>) semaphore(%arg48 : memref<!tpu.dma_semaphore, #tpu.memory_space<semaphore_mem>>)
      %dma_start3A_131 = arith.constant 0 : i32
      %dma_start3A_132 = tpu.memref_slice %arg22[%dma_start3A_131] : memref<100352xf32, #tpu.memory_space<vmem_shared>> -> memref<100352xf32, #tpu.memory_space<vmem_shared>>
      tpu.enqueue_indirect_dma source(%dma_start3A_132 : memref<100352xf32, #tpu.memory_space<vmem_shared>>) target(%arg43 : memref<128xf32, #tpu.memory_space<vmem>>) offsets(%arg31 : memref<128xi32, #tpu.memory_space<vmem>>) semaphore(%arg48 : memref<!tpu.dma_semaphore, #tpu.memory_space<semaphore_mem>>)
      %dma_wait3A_133 = arith.constant 0 : i32
      %dma_wait3A_134 = tpu.memref_slice %arg7[%dma_wait3A_133] : memref<1638400xi32, #tpu.memory_space<hbm>> -> memref<128xi32, #tpu.memory_space<hbm>>
      %dma_wait3A_135 = arith.constant 0 : i32
      %dma_wait3A_136 = tpu.memref_slice %arg7[%dma_wait3A_135] : memref<1638400xi32, #tpu.memory_space<hbm>> -> memref<128xi32, #tpu.memory_space<hbm>>
      tpu.wait_dma2 semaphore(%arg47 : memref<!tpu.dma_semaphore, #tpu.memory_space<semaphore_mem>>) src(%dma_wait3A_136 : memref<128xi32, #tpu.memory_space<hbm>>) dst(%arg30 : memref<128xi32, #tpu.memory_space<vmem>>)
      %dma_wait3A_137 = arith.constant 0 : i32
      %dma_wait3A_138 = tpu.memref_slice %arg7[%dma_wait3A_137] : memref<1638400xi32, #tpu.memory_space<hbm>> -> memref<128xi32, #tpu.memory_space<hbm>>
      %dma_wait3A_139 = arith.constant 0 : i32
      %dma_wait3A_140 = tpu.memref_slice %arg7[%dma_wait3A_139] : memref<1638400xi32, #tpu.memory_space<hbm>> -> memref<128xi32, #tpu.memory_space<hbm>>
      tpu.wait_dma2 semaphore(%arg47 : memref<!tpu.dma_semaphore, #tpu.memory_space<semaphore_mem>>) src(%dma_wait3A_140 : memref<128xi32, #tpu.memory_space<hbm>>) dst(%arg32 : memref<128xi32, #tpu.memory_space<vmem>>)
      %dma_wait3A_141 = arith.constant 0 : i32
      %dma_wait3A_142 = tpu.memref_slice %arg7[%dma_wait3A_141] : memref<1638400xi32, #tpu.memory_space<hbm>> -> memref<128xi32, #tpu.memory_space<hbm>>
      %dma_wait3A_143 = arith.constant 0 : i32
      %dma_wait3A_144 = tpu.memref_slice %arg7[%dma_wait3A_143] : memref<1638400xi32, #tpu.memory_space<hbm>> -> memref<128xi32, #tpu.memory_space<hbm>>
      tpu.wait_dma2 semaphore(%arg47 : memref<!tpu.dma_semaphore, #tpu.memory_space<semaphore_mem>>) src(%dma_wait3A_144 : memref<128xi32, #tpu.memory_space<hbm>>) dst(%arg34 : memref<128xi32, #tpu.memory_space<vmem>>)
      %dma_start3A_145 = arith.constant 0 : i32
      %dma_start3A_146 = tpu.memref_slice %arg18[%dma_start3A_145] : memref<200704xf32, #tpu.memory_space<vmem_shared>> -> memref<200704xf32, #tpu.memory_space<vmem_shared>>
      tpu.enqueue_indirect_dma source(%dma_start3A_146 : memref<200704xf32, #tpu.memory_space<vmem_shared>>) target(%arg36 : memref<128xf32, #tpu.memory_space<vmem>>) offsets(%arg30 : memref<128xi32, #tpu.memory_space<vmem>>) semaphore(%arg49 : memref<!tpu.dma_semaphore, #tpu.memory_space<semaphore_mem>>)
      %dma_start3A_147 = arith.constant 0 : i32
      %dma_start3A_148 = tpu.memref_slice %arg19[%dma_start3A_147] : memref<200704xf32, #tpu.memory_space<vmem_shared>> -> memref<200704xf32, #tpu.memory_space<vmem_shared>>
      tpu.enqueue_indirect_dma source(%dma_start3A_148 : memref<200704xf32, #tpu.memory_space<vmem_shared>>) target(%arg38 : memref<128xf32, #tpu.memory_space<vmem>>) offsets(%arg30 : memref<128xi32, #tpu.memory_space<vmem>>) semaphore(%arg49 : memref<!tpu.dma_semaphore, #tpu.memory_space<semaphore_mem>>)
      %dma_start3A_149 = arith.constant 0 : i32
      %dma_start3A_150 = tpu.memref_slice %arg20[%dma_start3A_149] : memref<200704xf32, #tpu.memory_space<vmem_shared>> -> memref<200704xf32, #tpu.memory_space<vmem_shared>>
      tpu.enqueue_indirect_dma source(%dma_start3A_150 : memref<200704xf32, #tpu.memory_space<vmem_shared>>) target(%arg40 : memref<128xf32, #tpu.memory_space<vmem>>) offsets(%arg30 : memref<128xi32, #tpu.memory_space<vmem>>) semaphore(%arg49 : memref<!tpu.dma_semaphore, #tpu.memory_space<semaphore_mem>>)
      %dma_start3A_151 = arith.constant 0 : i32
      %dma_start3A_152 = tpu.memref_slice %arg21[%dma_start3A_151] : memref<200704xf32, #tpu.memory_space<vmem_shared>> -> memref<200704xf32, #tpu.memory_space<vmem_shared>>
      tpu.enqueue_indirect_dma source(%dma_start3A_152 : memref<200704xf32, #tpu.memory_space<vmem_shared>>) target(%arg42 : memref<128xf32, #tpu.memory_space<vmem>>) offsets(%arg30 : memref<128xi32, #tpu.memory_space<vmem>>) semaphore(%arg49 : memref<!tpu.dma_semaphore, #tpu.memory_space<semaphore_mem>>)
      %dma_start3A_153 = arith.constant 0 : i32
      %dma_start3A_154 = tpu.memref_slice %arg22[%dma_start3A_153] : memref<100352xf32, #tpu.memory_space<vmem_shared>> -> memref<100352xf32, #tpu.memory_space<vmem_shared>>
      tpu.enqueue_indirect_dma source(%dma_start3A_154 : memref<100352xf32, #tpu.memory_space<vmem_shared>>) target(%arg44 : memref<128xf32, #tpu.memory_space<vmem>>) offsets(%arg32 : memref<128xi32, #tpu.memory_space<vmem>>) semaphore(%arg49 : memref<!tpu.dma_semaphore, #tpu.memory_space<semaphore_mem>>)
      %dma_wait3A_155 = arith.constant 0 : i32
      %dma_wait3A_156 = tpu.memref_slice %arg18[%dma_wait3A_155] : memref<200704xf32, #tpu.memory_space<vmem_shared>> -> memref<200704xf32, #tpu.memory_space<vmem_shared>>
      tpu.wait_indirect_dma semaphore(%arg48 : memref<!tpu.dma_semaphore, #tpu.memory_space<semaphore_mem>>) src(%dma_wait3A_156 : memref<200704xf32, #tpu.memory_space<vmem_shared>>) dst(%arg35 : memref<128xf32, #tpu.memory_space<vmem>>)
      %dma_wait3A_157 = arith.constant 0 : i32
      %dma_wait3A_158 = tpu.memref_slice %arg19[%dma_wait3A_157] : memref<200704xf32, #tpu.memory_space<vmem_shared>> -> memref<200704xf32, #tpu.memory_space<vmem_shared>>
      tpu.wait_indirect_dma semaphore(%arg48 : memref<!tpu.dma_semaphore, #tpu.memory_space<semaphore_mem>>) src(%dma_wait3A_158 : memref<200704xf32, #tpu.memory_space<vmem_shared>>) dst(%arg37 : memref<128xf32, #tpu.memory_space<vmem>>)
      %dma_wait3A_159 = arith.constant 0 : i32
      %dma_wait3A_160 = tpu.memref_slice %arg20[%dma_wait3A_159] : memref<200704xf32, #tpu.memory_space<vmem_shared>> -> memref<200704xf32, #tpu.memory_space<vmem_shared>>
      tpu.wait_indirect_dma semaphore(%arg48 : memref<!tpu.dma_semaphore, #tpu.memory_space<semaphore_mem>>) src(%dma_wait3A_160 : memref<200704xf32, #tpu.memory_space<vmem_shared>>) dst(%arg39 : memref<128xf32, #tpu.memory_space<vmem>>)
      %dma_wait3A_161 = arith.constant 0 : i32
      %dma_wait3A_162 = tpu.memref_slice %arg21[%dma_wait3A_161] : memref<200704xf32, #tpu.memory_space<vmem_shared>> -> memref<200704xf32, #tpu.memory_space<vmem_shared>>
      tpu.wait_indirect_dma semaphore(%arg48 : memref<!tpu.dma_semaphore, #tpu.memory_space<semaphore_mem>>) src(%dma_wait3A_162 : memref<200704xf32, #tpu.memory_space<vmem_shared>>) dst(%arg41 : memref<128xf32, #tpu.memory_space<vmem>>)
      %dma_wait3A_163 = arith.constant 0 : i32
      %dma_wait3A_164 = tpu.memref_slice %arg22[%dma_wait3A_163] : memref<100352xf32, #tpu.memory_space<vmem_shared>> -> memref<100352xf32, #tpu.memory_space<vmem_shared>>
      tpu.wait_indirect_dma semaphore(%arg48 : memref<!tpu.dma_semaphore, #tpu.memory_space<semaphore_mem>>) src(%dma_wait3A_164 : memref<100352xf32, #tpu.memory_space<vmem_shared>>) dst(%arg43 : memref<128xf32, #tpu.memory_space<vmem>>)
      %dma_start3A_165 = arith.constant 0 : i32
      %dma_start3A_166 = tpu.memref_slice %arg23[%dma_start3A_165] : memref<100352xf32, #tpu.memory_space<vmem_shared>> -> memref<100352xf32, #tpu.memory_space<vmem_shared>>
      tpu.enqueue_indirect_dma source(%arg35 : memref<128xf32, #tpu.memory_space<vmem>>) target(%dma_start3A_166 : memref<100352xf32, #tpu.memory_space<vmem_shared>>) offsets(%arg33 : memref<128xi32, #tpu.memory_space<vmem>>) semaphore(%arg50 : memref<!tpu.dma_semaphore, #tpu.memory_space<semaphore_mem>>) {add = true}
      %dma_start3A_167 = arith.constant 0 : i32
      %dma_start3A_168 = tpu.memref_slice %arg24[%dma_start3A_167] : memref<100352xf32, #tpu.memory_space<vmem_shared>> -> memref<100352xf32, #tpu.memory_space<vmem_shared>>
      tpu.enqueue_indirect_dma source(%arg37 : memref<128xf32, #tpu.memory_space<vmem>>) target(%dma_start3A_168 : memref<100352xf32, #tpu.memory_space<vmem_shared>>) offsets(%arg33 : memref<128xi32, #tpu.memory_space<vmem>>) semaphore(%arg50 : memref<!tpu.dma_semaphore, #tpu.memory_space<semaphore_mem>>) {add = true}
      %dma_start3A_169 = arith.constant 0 : i32
      %dma_start3A_170 = tpu.memref_slice %arg25[%dma_start3A_169] : memref<100352xf32, #tpu.memory_space<vmem_shared>> -> memref<100352xf32, #tpu.memory_space<vmem_shared>>
      tpu.enqueue_indirect_dma source(%arg39 : memref<128xf32, #tpu.memory_space<vmem>>) target(%dma_start3A_170 : memref<100352xf32, #tpu.memory_space<vmem_shared>>) offsets(%arg33 : memref<128xi32, #tpu.memory_space<vmem>>) semaphore(%arg50 : memref<!tpu.dma_semaphore, #tpu.memory_space<semaphore_mem>>) {add = true}
      %dma_start3A_171 = arith.constant 0 : i32
      %dma_start3A_172 = tpu.memref_slice %arg26[%dma_start3A_171] : memref<100352xf32, #tpu.memory_space<vmem_shared>> -> memref<100352xf32, #tpu.memory_space<vmem_shared>>
      tpu.enqueue_indirect_dma source(%arg41 : memref<128xf32, #tpu.memory_space<vmem>>) target(%dma_start3A_172 : memref<100352xf32, #tpu.memory_space<vmem_shared>>) offsets(%arg33 : memref<128xi32, #tpu.memory_space<vmem>>) semaphore(%arg50 : memref<!tpu.dma_semaphore, #tpu.memory_space<semaphore_mem>>) {add = true}
      %dma_start3A_173 = arith.constant 0 : i32
      %dma_start3A_174 = tpu.memref_slice %arg27[%dma_start3A_173] : memref<100352xf32, #tpu.memory_space<vmem_shared>> -> memref<100352xf32, #tpu.memory_space<vmem_shared>>
      tpu.enqueue_indirect_dma source(%arg43 : memref<128xf32, #tpu.memory_space<vmem>>) target(%dma_start3A_174 : memref<100352xf32, #tpu.memory_space<vmem_shared>>) offsets(%arg33 : memref<128xi32, #tpu.memory_space<vmem>>) semaphore(%arg50 : memref<!tpu.dma_semaphore, #tpu.memory_space<semaphore_mem>>) {add = true}
      %dma_start3A_175 = arith.constant 0 : i32
      %dma_start3A_176 = tpu.memref_slice %arg28[%dma_start3A_175] : memref<100352xf32, #tpu.memory_space<vmem_shared>> -> memref<100352xf32, #tpu.memory_space<vmem_shared>>
      tpu.enqueue_indirect_dma source(%arg45 : memref<128xf32, #tpu.memory_space<vmem>>) target(%dma_start3A_176 : memref<100352xf32, #tpu.memory_space<vmem_shared>>) offsets(%arg33 : memref<128xi32, #tpu.memory_space<vmem>>) semaphore(%arg50 : memref<!tpu.dma_semaphore, #tpu.memory_space<semaphore_mem>>) {add = true}
      %dma_wait3A_177 = arith.constant 0 : i32
      %dma_wait3A_178 = tpu.memref_slice %arg18[%dma_wait3A_177] : memref<200704xf32, #tpu.memory_space<vmem_shared>> -> memref<200704xf32, #tpu.memory_space<vmem_shared>>
      tpu.wait_indirect_dma semaphore(%arg49 : memref<!tpu.dma_semaphore, #tpu.memory_space<semaphore_mem>>) src(%dma_wait3A_178 : memref<200704xf32, #tpu.memory_space<vmem_shared>>) dst(%arg36 : memref<128xf32, #tpu.memory_space<vmem>>)
      %dma_wait3A_179 = arith.constant 0 : i32
      %dma_wait3A_180 = tpu.memref_slice %arg19[%dma_wait3A_179] : memref<200704xf32, #tpu.memory_space<vmem_shared>> -> memref<200704xf32, #tpu.memory_space<vmem_shared>>
      tpu.wait_indirect_dma semaphore(%arg49 : memref<!tpu.dma_semaphore, #tpu.memory_space<semaphore_mem>>) src(%dma_wait3A_180 : memref<200704xf32, #tpu.memory_space<vmem_shared>>) dst(%arg38 : memref<128xf32, #tpu.memory_space<vmem>>)
      %dma_wait3A_181 = arith.constant 0 : i32
      %dma_wait3A_182 = tpu.memref_slice %arg20[%dma_wait3A_181] : memref<200704xf32, #tpu.memory_space<vmem_shared>> -> memref<200704xf32, #tpu.memory_space<vmem_shared>>
      tpu.wait_indirect_dma semaphore(%arg49 : memref<!tpu.dma_semaphore, #tpu.memory_space<semaphore_mem>>) src(%dma_wait3A_182 : memref<200704xf32, #tpu.memory_space<vmem_shared>>) dst(%arg40 : memref<128xf32, #tpu.memory_space<vmem>>)
      %dma_wait3A_183 = arith.constant 0 : i32
      %dma_wait3A_184 = tpu.memref_slice %arg21[%dma_wait3A_183] : memref<200704xf32, #tpu.memory_space<vmem_shared>> -> memref<200704xf32, #tpu.memory_space<vmem_shared>>
      tpu.wait_indirect_dma semaphore(%arg49 : memref<!tpu.dma_semaphore, #tpu.memory_space<semaphore_mem>>) src(%dma_wait3A_184 : memref<200704xf32, #tpu.memory_space<vmem_shared>>) dst(%arg42 : memref<128xf32, #tpu.memory_space<vmem>>)
      %dma_wait3A_185 = arith.constant 0 : i32
      %dma_wait3A_186 = tpu.memref_slice %arg22[%dma_wait3A_185] : memref<100352xf32, #tpu.memory_space<vmem_shared>> -> memref<100352xf32, #tpu.memory_space<vmem_shared>>
      tpu.wait_indirect_dma semaphore(%arg49 : memref<!tpu.dma_semaphore, #tpu.memory_space<semaphore_mem>>) src(%dma_wait3A_186 : memref<100352xf32, #tpu.memory_space<vmem_shared>>) dst(%arg44 : memref<128xf32, #tpu.memory_space<vmem>>)
      %dma_start3A_187 = arith.constant 0 : i32
      %dma_start3A_188 = tpu.memref_slice %arg23[%dma_start3A_187] : memref<100352xf32, #tpu.memory_space<vmem_shared>> -> memref<100352xf32, #tpu.memory_space<vmem_shared>>
      tpu.enqueue_indirect_dma source(%arg36 : memref<128xf32, #tpu.memory_space<vmem>>) target(%dma_start3A_188 : memref<100352xf32, #tpu.memory_space<vmem_shared>>) offsets(%arg34 : memref<128xi32, #tpu.memory_space<vmem>>) semaphore(%arg51 : memref<!tpu.dma_semaphore, #tpu.memory_space<semaphore_mem>>) {add = true}
      %dma_start3A_189 = arith.constant 0 : i32
      %dma_start3A_190 = tpu.memref_slice %arg24[%dma_start3A_189] : memref<100352xf32, #tpu.memory_space<vmem_shared>> -> memref<100352xf32, #tpu.memory_space<vmem_shared>>
      tpu.enqueue_indirect_dma source(%arg38 : memref<128xf32, #tpu.memory_space<vmem>>) target(%dma_start3A_190 : memref<100352xf32, #tpu.memory_space<vmem_shared>>) offsets(%arg34 : memref<128xi32, #tpu.memory_space<vmem>>) semaphore(%arg51 : memref<!tpu.dma_semaphore, #tpu.memory_space<semaphore_mem>>) {add = true}
      %dma_start3A_191 = arith.constant 0 : i32
      %dma_start3A_192 = tpu.memref_slice %arg25[%dma_start3A_191] : memref<100352xf32, #tpu.memory_space<vmem_shared>> -> memref<100352xf32, #tpu.memory_space<vmem_shared>>
      tpu.enqueue_indirect_dma source(%arg40 : memref<128xf32, #tpu.memory_space<vmem>>) target(%dma_start3A_192 : memref<100352xf32, #tpu.memory_space<vmem_shared>>) offsets(%arg34 : memref<128xi32, #tpu.memory_space<vmem>>) semaphore(%arg51 : memref<!tpu.dma_semaphore, #tpu.memory_space<semaphore_mem>>) {add = true}
      %dma_start3A_193 = arith.constant 0 : i32
      %dma_start3A_194 = tpu.memref_slice %arg26[%dma_start3A_193] : memref<100352xf32, #tpu.memory_space<vmem_shared>> -> memref<100352xf32, #tpu.memory_space<vmem_shared>>
      tpu.enqueue_indirect_dma source(%arg42 : memref<128xf32, #tpu.memory_space<vmem>>) target(%dma_start3A_194 : memref<100352xf32, #tpu.memory_space<vmem_shared>>) offsets(%arg34 : memref<128xi32, #tpu.memory_space<vmem>>) semaphore(%arg51 : memref<!tpu.dma_semaphore, #tpu.memory_space<semaphore_mem>>) {add = true}
      %dma_start3A_195 = arith.constant 0 : i32
      %dma_start3A_196 = tpu.memref_slice %arg27[%dma_start3A_195] : memref<100352xf32, #tpu.memory_space<vmem_shared>> -> memref<100352xf32, #tpu.memory_space<vmem_shared>>
      tpu.enqueue_indirect_dma source(%arg44 : memref<128xf32, #tpu.memory_space<vmem>>) target(%dma_start3A_196 : memref<100352xf32, #tpu.memory_space<vmem_shared>>) offsets(%arg34 : memref<128xi32, #tpu.memory_space<vmem>>) semaphore(%arg51 : memref<!tpu.dma_semaphore, #tpu.memory_space<semaphore_mem>>) {add = true}
      %dma_start3A_197 = arith.constant 0 : i32
      %dma_start3A_198 = tpu.memref_slice %arg28[%dma_start3A_197] : memref<100352xf32, #tpu.memory_space<vmem_shared>> -> memref<100352xf32, #tpu.memory_space<vmem_shared>>
      tpu.enqueue_indirect_dma source(%arg45 : memref<128xf32, #tpu.memory_space<vmem>>) target(%dma_start3A_198 : memref<100352xf32, #tpu.memory_space<vmem_shared>>) offsets(%arg34 : memref<128xi32, #tpu.memory_space<vmem>>) semaphore(%arg51 : memref<!tpu.dma_semaphore, #tpu.memory_space<semaphore_mem>>) {add = true}
      %dma_wait3A_199 = arith.constant 0 : i32
      %dma_wait3A_200 = tpu.memref_slice %arg23[%dma_wait3A_199] : memref<100352xf32, #tpu.memory_space<vmem_shared>> -> memref<100352xf32, #tpu.memory_space<vmem_shared>>
      tpu.wait_indirect_dma semaphore(%arg50 : memref<!tpu.dma_semaphore, #tpu.memory_space<semaphore_mem>>) src(%arg35 : memref<128xf32, #tpu.memory_space<vmem>>) dst(%dma_wait3A_200 : memref<100352xf32, #tpu.memory_space<vmem_shared>>)
      %dma_wait3A_201 = arith.constant 0 : i32
      %dma_wait3A_202 = tpu.memref_slice %arg24[%dma_wait3A_201] : memref<100352xf32, #tpu.memory_space<vmem_shared>> -> memref<100352xf32, #tpu.memory_space<vmem_shared>>
      tpu.wait_indirect_dma semaphore(%arg50 : memref<!tpu.dma_semaphore, #tpu.memory_space<semaphore_mem>>) src(%arg37 : memref<128xf32, #tpu.memory_space<vmem>>) dst(%dma_wait3A_202 : memref<100352xf32, #tpu.memory_space<vmem_shared>>)
      %dma_wait3A_203 = arith.constant 0 : i32
      %dma_wait3A_204 = tpu.memref_slice %arg25[%dma_wait3A_203] : memref<100352xf32, #tpu.memory_space<vmem_shared>> -> memref<100352xf32, #tpu.memory_space<vmem_shared>>
      tpu.wait_indirect_dma semaphore(%arg50 : memref<!tpu.dma_semaphore, #tpu.memory_space<semaphore_mem>>) src(%arg39 : memref<128xf32, #tpu.memory_space<vmem>>) dst(%dma_wait3A_204 : memref<100352xf32, #tpu.memory_space<vmem_shared>>)
      %dma_wait3A_205 = arith.constant 0 : i32
      %dma_wait3A_206 = tpu.memref_slice %arg26[%dma_wait3A_205] : memref<100352xf32, #tpu.memory_space<vmem_shared>> -> memref<100352xf32, #tpu.memory_space<vmem_shared>>
      tpu.wait_indirect_dma semaphore(%arg50 : memref<!tpu.dma_semaphore, #tpu.memory_space<semaphore_mem>>) src(%arg41 : memref<128xf32, #tpu.memory_space<vmem>>) dst(%dma_wait3A_206 : memref<100352xf32, #tpu.memory_space<vmem_shared>>)
      %dma_wait3A_207 = arith.constant 0 : i32
      %dma_wait3A_208 = tpu.memref_slice %arg27[%dma_wait3A_207] : memref<100352xf32, #tpu.memory_space<vmem_shared>> -> memref<100352xf32, #tpu.memory_space<vmem_shared>>
      tpu.wait_indirect_dma semaphore(%arg50 : memref<!tpu.dma_semaphore, #tpu.memory_space<semaphore_mem>>) src(%arg43 : memref<128xf32, #tpu.memory_space<vmem>>) dst(%dma_wait3A_208 : memref<100352xf32, #tpu.memory_space<vmem_shared>>)
      %dma_wait3A_209 = arith.constant 0 : i32
      %dma_wait3A_210 = tpu.memref_slice %arg28[%dma_wait3A_209] : memref<100352xf32, #tpu.memory_space<vmem_shared>> -> memref<100352xf32, #tpu.memory_space<vmem_shared>>
      tpu.wait_indirect_dma semaphore(%arg50 : memref<!tpu.dma_semaphore, #tpu.memory_space<semaphore_mem>>) src(%arg45 : memref<128xf32, #tpu.memory_space<vmem>>) dst(%dma_wait3A_210 : memref<100352xf32, #tpu.memory_space<vmem_shared>>)
      %add3A_211 = arith.constant 1 : i32
      %add3A_212 = arith.addi %add3A_110, %add3A_211 : i32
      %mul3A_213 = arith.constant 2 : i32
      %mul3A_214 = arith.muli %add3A_212, %mul3A_213 : i32
      %add3A_215 = arith.addi %mul3A_34, %mul3A_214 : i32
      %add3A_216 = arith.constant 0 : i32
      %add3A_217 = arith.addi %add3A_215, %add3A_216 : i32
      %mul3A_218 = arith.constant 128 : i32
      %mul3A_219 = arith.muli %add3A_217, %mul3A_218 : i32
      %dma_start3A_220 = tpu.memref_slice %arg7[%mul3A_219] : memref<1638400xi32, #tpu.memory_space<hbm>> -> memref<128xi32, #tpu.memory_space<hbm>>
      %dma_start3A_221 = tpu.memref_slice %arg7[%mul3A_219] : memref<1638400xi32, #tpu.memory_space<hbm>> -> memref<128xi32, #tpu.memory_space<hbm>>
      tpu.enqueue_dma source(%dma_start3A_221 : memref<128xi32, #tpu.memory_space<hbm>>) target(%arg29 : memref<128xi32, #tpu.memory_space<vmem>>) target_semaphore(%arg46 : memref<!tpu.dma_semaphore, #tpu.memory_space<semaphore_mem>>)
      %dma_start3A_222 = tpu.memref_slice %arg8[%mul3A_219] : memref<1638400xi32, #tpu.memory_space<hbm>> -> memref<128xi32, #tpu.memory_space<hbm>>
      %dma_start3A_223 = tpu.memref_slice %arg8[%mul3A_219] : memref<1638400xi32, #tpu.memory_space<hbm>> -> memref<128xi32, #tpu.memory_space<hbm>>
      tpu.enqueue_dma source(%dma_start3A_223 : memref<128xi32, #tpu.memory_space<hbm>>) target(%arg31 : memref<128xi32, #tpu.memory_space<vmem>>) target_semaphore(%arg46 : memref<!tpu.dma_semaphore, #tpu.memory_space<semaphore_mem>>)
      %dma_start3A_224 = tpu.memref_slice %arg9[%mul3A_219] : memref<1638400xi32, #tpu.memory_space<hbm>> -> memref<128xi32, #tpu.memory_space<hbm>>
      %dma_start3A_225 = tpu.memref_slice %arg9[%mul3A_219] : memref<1638400xi32, #tpu.memory_space<hbm>> -> memref<128xi32, #tpu.memory_space<hbm>>
      tpu.enqueue_dma source(%dma_start3A_225 : memref<128xi32, #tpu.memory_space<hbm>>) target(%arg33 : memref<128xi32, #tpu.memory_space<vmem>>) target_semaphore(%arg46 : memref<!tpu.dma_semaphore, #tpu.memory_space<semaphore_mem>>)
      %dma_wait3A_226 = arith.constant 0 : i32
      %dma_wait3A_227 = tpu.memref_slice %arg23[%dma_wait3A_226] : memref<100352xf32, #tpu.memory_space<vmem_shared>> -> memref<100352xf32, #tpu.memory_space<vmem_shared>>
      tpu.wait_indirect_dma semaphore(%arg51 : memref<!tpu.dma_semaphore, #tpu.memory_space<semaphore_mem>>) src(%arg36 : memref<128xf32, #tpu.memory_space<vmem>>) dst(%dma_wait3A_227 : memref<100352xf32, #tpu.memory_space<vmem_shared>>)
      %dma_wait3A_228 = arith.constant 0 : i32
      %dma_wait3A_229 = tpu.memref_slice %arg24[%dma_wait3A_228] : memref<100352xf32, #tpu.memory_space<vmem_shared>> -> memref<100352xf32, #tpu.memory_space<vmem_shared>>
      tpu.wait_indirect_dma semaphore(%arg51 : memref<!tpu.dma_semaphore, #tpu.memory_space<semaphore_mem>>) src(%arg38 : memref<128xf32, #tpu.memory_space<vmem>>) dst(%dma_wait3A_229 : memref<100352xf32, #tpu.memory_space<vmem_shared>>)
      %dma_wait3A_230 = arith.constant 0 : i32
      %dma_wait3A_231 = tpu.memref_slice %arg25[%dma_wait3A_230] : memref<100352xf32, #tpu.memory_space<vmem_shared>> -> memref<100352xf32, #tpu.memory_space<vmem_shared>>
      tpu.wait_indirect_dma semaphore(%arg51 : memref<!tpu.dma_semaphore, #tpu.memory_space<semaphore_mem>>) src(%arg40 : memref<128xf32, #tpu.memory_space<vmem>>) dst(%dma_wait3A_231 : memref<100352xf32, #tpu.memory_space<vmem_shared>>)
      %dma_wait3A_232 = arith.constant 0 : i32
      %dma_wait3A_233 = tpu.memref_slice %arg26[%dma_wait3A_232] : memref<100352xf32, #tpu.memory_space<vmem_shared>> -> memref<100352xf32, #tpu.memory_space<vmem_shared>>
      tpu.wait_indirect_dma semaphore(%arg51 : memref<!tpu.dma_semaphore, #tpu.memory_space<semaphore_mem>>) src(%arg42 : memref<128xf32, #tpu.memory_space<vmem>>) dst(%dma_wait3A_233 : memref<100352xf32, #tpu.memory_space<vmem_shared>>)
      %dma_wait3A_234 = arith.constant 0 : i32
      %dma_wait3A_235 = tpu.memref_slice %arg27[%dma_wait3A_234] : memref<100352xf32, #tpu.memory_space<vmem_shared>> -> memref<100352xf32, #tpu.memory_space<vmem_shared>>
      tpu.wait_indirect_dma semaphore(%arg51 : memref<!tpu.dma_semaphore, #tpu.memory_space<semaphore_mem>>) src(%arg44 : memref<128xf32, #tpu.memory_space<vmem>>) dst(%dma_wait3A_235 : memref<100352xf32, #tpu.memory_space<vmem_shared>>)
      %dma_wait3A_236 = arith.constant 0 : i32
      %dma_wait3A_237 = tpu.memref_slice %arg28[%dma_wait3A_236] : memref<100352xf32, #tpu.memory_space<vmem_shared>> -> memref<100352xf32, #tpu.memory_space<vmem_shared>>
      tpu.wait_indirect_dma semaphore(%arg51 : memref<!tpu.dma_semaphore, #tpu.memory_space<semaphore_mem>>) src(%arg45 : memref<128xf32, #tpu.memory_space<vmem>>) dst(%dma_wait3A_237 : memref<100352xf32, #tpu.memory_space<vmem_shared>>)
      %add3A_238 = arith.constant 1 : i32
      %add3A_239 = arith.addi %add3A_110, %add3A_238 : i32
      %mul3A_240 = arith.constant 2 : i32
      %mul3A_241 = arith.muli %add3A_239, %mul3A_240 : i32
      %add3A_242 = arith.addi %mul3A_34, %mul3A_241 : i32
      %add3A_243 = arith.constant 1 : i32
      %add3A_244 = arith.addi %add3A_242, %add3A_243 : i32
      %mul3A_245 = arith.constant 128 : i32
      %mul3A_246 = arith.muli %add3A_244, %mul3A_245 : i32
      %dma_start3A_247 = tpu.memref_slice %arg7[%mul3A_246] : memref<1638400xi32, #tpu.memory_space<hbm>> -> memref<128xi32, #tpu.memory_space<hbm>>
      %dma_start3A_248 = tpu.memref_slice %arg7[%mul3A_246] : memref<1638400xi32, #tpu.memory_space<hbm>> -> memref<128xi32, #tpu.memory_space<hbm>>
      tpu.enqueue_dma source(%dma_start3A_248 : memref<128xi32, #tpu.memory_space<hbm>>) target(%arg30 : memref<128xi32, #tpu.memory_space<vmem>>) target_semaphore(%arg47 : memref<!tpu.dma_semaphore, #tpu.memory_space<semaphore_mem>>)
      %dma_start3A_249 = tpu.memref_slice %arg8[%mul3A_246] : memref<1638400xi32, #tpu.memory_space<hbm>> -> memref<128xi32, #tpu.memory_space<hbm>>
      %dma_start3A_250 = tpu.memref_slice %arg8[%mul3A_246] : memref<1638400xi32, #tpu.memory_space<hbm>> -> memref<128xi32, #tpu.memory_space<hbm>>
      tpu.enqueue_dma source(%dma_start3A_250 : memref<128xi32, #tpu.memory_space<hbm>>) target(%arg32 : memref<128xi32, #tpu.memory_space<vmem>>) target_semaphore(%arg47 : memref<!tpu.dma_semaphore, #tpu.memory_space<semaphore_mem>>)
      %dma_start3A_251 = tpu.memref_slice %arg9[%mul3A_246] : memref<1638400xi32, #tpu.memory_space<hbm>> -> memref<128xi32, #tpu.memory_space<hbm>>
      %dma_start3A_252 = tpu.memref_slice %arg9[%mul3A_246] : memref<1638400xi32, #tpu.memory_space<hbm>> -> memref<128xi32, #tpu.memory_space<hbm>>
      tpu.enqueue_dma source(%dma_start3A_252 : memref<128xi32, #tpu.memory_space<hbm>>) target(%arg34 : memref<128xi32, #tpu.memory_space<vmem>>) target_semaphore(%arg47 : memref<!tpu.dma_semaphore, #tpu.memory_space<semaphore_mem>>)
    }
    %scan3A_57 = arith.constant 196 : i32
    %dma_wait3A = arith.constant 0 : i32
    %dma_wait3A_58 = tpu.memref_slice %arg7[%dma_wait3A] : memref<1638400xi32, #tpu.memory_space<hbm>> -> memref<128xi32, #tpu.memory_space<hbm>>
    %dma_wait3A_59 = arith.constant 0 : i32
    %dma_wait3A_60 = tpu.memref_slice %arg7[%dma_wait3A_59] : memref<1638400xi32, #tpu.memory_space<hbm>> -> memref<128xi32, #tpu.memory_space<hbm>>
    tpu.wait_dma2 semaphore(%arg46 : memref<!tpu.dma_semaphore, #tpu.memory_space<semaphore_mem>>) src(%dma_wait3A_60 : memref<128xi32, #tpu.memory_space<hbm>>) dst(%arg29 : memref<128xi32, #tpu.memory_space<vmem>>)
    %dma_wait3A_61 = arith.constant 0 : i32
    %dma_wait3A_62 = tpu.memref_slice %arg7[%dma_wait3A_61] : memref<1638400xi32, #tpu.memory_space<hbm>> -> memref<128xi32, #tpu.memory_space<hbm>>
    %dma_wait3A_63 = arith.constant 0 : i32
    %dma_wait3A_64 = tpu.memref_slice %arg7[%dma_wait3A_63] : memref<1638400xi32, #tpu.memory_space<hbm>> -> memref<128xi32, #tpu.memory_space<hbm>>
    tpu.wait_dma2 semaphore(%arg46 : memref<!tpu.dma_semaphore, #tpu.memory_space<semaphore_mem>>) src(%dma_wait3A_64 : memref<128xi32, #tpu.memory_space<hbm>>) dst(%arg31 : memref<128xi32, #tpu.memory_space<vmem>>)
    %dma_wait3A_65 = arith.constant 0 : i32
    %dma_wait3A_66 = tpu.memref_slice %arg7[%dma_wait3A_65] : memref<1638400xi32, #tpu.memory_space<hbm>> -> memref<128xi32, #tpu.memory_space<hbm>>
    %dma_wait3A_67 = arith.constant 0 : i32
    %dma_wait3A_68 = tpu.memref_slice %arg7[%dma_wait3A_67] : memref<1638400xi32, #tpu.memory_space<hbm>> -> memref<128xi32, #tpu.memory_space<hbm>>
    tpu.wait_dma2 semaphore(%arg46 : memref<!tpu.dma_semaphore, #tpu.memory_space<semaphore_mem>>) src(%dma_wait3A_68 : memref<128xi32, #tpu.memory_space<hbm>>) dst(%arg33 : memref<128xi32, #tpu.memory_space<vmem>>)
    %dma_wait3A_69 = arith.constant 0 : i32
    %dma_wait3A_70 = tpu.memref_slice %arg7[%dma_wait3A_69] : memref<1638400xi32, #tpu.memory_space<hbm>> -> memref<128xi32, #tpu.memory_space<hbm>>
    %dma_wait3A_71 = arith.constant 0 : i32
    %dma_wait3A_72 = tpu.memref_slice %arg7[%dma_wait3A_71] : memref<1638400xi32, #tpu.memory_space<hbm>> -> memref<128xi32, #tpu.memory_space<hbm>>
    tpu.wait_dma2 semaphore(%arg47 : memref<!tpu.dma_semaphore, #tpu.memory_space<semaphore_mem>>) src(%dma_wait3A_72 : memref<128xi32, #tpu.memory_space<hbm>>) dst(%arg30 : memref<128xi32, #tpu.memory_space<vmem>>)
    %dma_wait3A_73 = arith.constant 0 : i32
    %dma_wait3A_74 = tpu.memref_slice %arg7[%dma_wait3A_73] : memref<1638400xi32, #tpu.memory_space<hbm>> -> memref<128xi32, #tpu.memory_space<hbm>>
    %dma_wait3A_75 = arith.constant 0 : i32
    %dma_wait3A_76 = tpu.memref_slice %arg7[%dma_wait3A_75] : memref<1638400xi32, #tpu.memory_space<hbm>> -> memref<128xi32, #tpu.memory_space<hbm>>
    tpu.wait_dma2 semaphore(%arg47 : memref<!tpu.dma_semaphore, #tpu.memory_space<semaphore_mem>>) src(%dma_wait3A_76 : memref<128xi32, #tpu.memory_space<hbm>>) dst(%arg32 : memref<128xi32, #tpu.memory_space<vmem>>)
    %dma_wait3A_77 = arith.constant 0 : i32
    %dma_wait3A_78 = tpu.memref_slice %arg7[%dma_wait3A_77] : memref<1638400xi32, #tpu.memory_space<hbm>> -> memref<128xi32, #tpu.memory_space<hbm>>
    %dma_wait3A_79 = arith.constant 0 : i32
    %dma_wait3A_80 = tpu.memref_slice %arg7[%dma_wait3A_79] : memref<1638400xi32, #tpu.memory_space<hbm>> -> memref<128xi32, #tpu.memory_space<hbm>>
    tpu.wait_dma2 semaphore(%arg47 : memref<!tpu.dma_semaphore, #tpu.memory_space<semaphore_mem>>) src(%dma_wait3A_80 : memref<128xi32, #tpu.memory_space<hbm>>) dst(%arg34 : memref<128xi32, #tpu.memory_space<vmem>>)
    %barrier3A_81 = arith.constant 0 : index
    tpu.barrier barrier_id(%barrier3A_81)
    %mul3A_82 = arith.constant 6272 : i32
    %mul3A_83 = arith.muli %arg1, %mul3A_82 : i32
    %mul3A_84 = arith.constant 6272 : i32
    %mul3A_85 = arith.muli %arg1, %mul3A_84 : i32
    "tpu.region"() ({
      %run_scoped3A = tpu.sem_alloc : memref<!tpu.dma_semaphore, #tpu.memory_space<semaphore_mem>>
      %dma_start3A_106 = tpu.memref_slice %arg12[%arg0, %mul3A_85] : memref<2x100352xf32, #tpu.memory_space<hbm>> -> memref<1x6272xf32, #tpu.memory_space<hbm>>
      %dma_start3A_107 = tpu.memref_squeeze %dma_start3A_106 : memref<1x6272xf32, #tpu.memory_space<hbm>> -> memref<6272xf32, #tpu.memory_space<hbm>>
      %dma_start3A_108 = tpu.memref_slice %arg23[%mul3A_83] : memref<100352xf32, #tpu.memory_space<vmem_shared>> -> memref<6272xf32, #tpu.memory_space<vmem_shared>>
      tpu.enqueue_dma source(%dma_start3A_108 : memref<6272xf32, #tpu.memory_space<vmem_shared>>) target(%dma_start3A_107 : memref<6272xf32, #tpu.memory_space<hbm>>) target_semaphore(%run_scoped3A : memref<!tpu.dma_semaphore, #tpu.memory_space<semaphore_mem>>)
      %dma_wait3A_109 = tpu.memref_slice %arg12[%arg0, %mul3A_85] : memref<2x100352xf32, #tpu.memory_space<hbm>> -> memref<1x6272xf32, #tpu.memory_space<hbm>>
      %dma_wait3A_110 = tpu.memref_squeeze %dma_wait3A_109 : memref<1x6272xf32, #tpu.memory_space<hbm>> -> memref<6272xf32, #tpu.memory_space<hbm>>
      %dma_wait3A_111 = tpu.memref_slice %arg23[%mul3A_83] : memref<100352xf32, #tpu.memory_space<vmem_shared>> -> memref<6272xf32, #tpu.memory_space<vmem_shared>>
      tpu.wait_dma2 semaphore(%run_scoped3A : memref<!tpu.dma_semaphore, #tpu.memory_space<semaphore_mem>>) src(%dma_wait3A_111 : memref<6272xf32, #tpu.memory_space<vmem_shared>>) dst(%dma_wait3A_110 : memref<6272xf32, #tpu.memory_space<hbm>>)
      tpu.yield
    }) : () -> ()
    %mul3A_86 = arith.constant 6272 : i32
    %mul3A_87 = arith.muli %arg1, %mul3A_86 : i32
    %mul3A_88 = arith.constant 6272 : i32
    %mul3A_89 = arith.muli %arg1, %mul3A_88 : i32
    "tpu.region"() ({
      %run_scoped3A = tpu.sem_alloc : memref<!tpu.dma_semaphore, #tpu.memory_space<semaphore_mem>>
      %dma_start3A_106 = tpu.memref_slice %arg13[%arg0, %mul3A_89] : memref<2x100352xf32, #tpu.memory_space<hbm>> -> memref<1x6272xf32, #tpu.memory_space<hbm>>
      %dma_start3A_107 = tpu.memref_squeeze %dma_start3A_106 : memref<1x6272xf32, #tpu.memory_space<hbm>> -> memref<6272xf32, #tpu.memory_space<hbm>>
      %dma_start3A_108 = tpu.memref_slice %arg24[%mul3A_87] : memref<100352xf32, #tpu.memory_space<vmem_shared>> -> memref<6272xf32, #tpu.memory_space<vmem_shared>>
      tpu.enqueue_dma source(%dma_start3A_108 : memref<6272xf32, #tpu.memory_space<vmem_shared>>) target(%dma_start3A_107 : memref<6272xf32, #tpu.memory_space<hbm>>) target_semaphore(%run_scoped3A : memref<!tpu.dma_semaphore, #tpu.memory_space<semaphore_mem>>)
      %dma_wait3A_109 = tpu.memref_slice %arg13[%arg0, %mul3A_89] : memref<2x100352xf32, #tpu.memory_space<hbm>> -> memref<1x6272xf32, #tpu.memory_space<hbm>>
      %dma_wait3A_110 = tpu.memref_squeeze %dma_wait3A_109 : memref<1x6272xf32, #tpu.memory_space<hbm>> -> memref<6272xf32, #tpu.memory_space<hbm>>
      %dma_wait3A_111 = tpu.memref_slice %arg24[%mul3A_87] : memref<100352xf32, #tpu.memory_space<vmem_shared>> -> memref<6272xf32, #tpu.memory_space<vmem_shared>>
      tpu.wait_dma2 semaphore(%run_scoped3A : memref<!tpu.dma_semaphore, #tpu.memory_space<semaphore_mem>>) src(%dma_wait3A_111 : memref<6272xf32, #tpu.memory_space<vmem_shared>>) dst(%dma_wait3A_110 : memref<6272xf32, #tpu.memory_space<hbm>>)
      tpu.yield
    }) : () -> ()
    %mul3A_90 = arith.constant 6272 : i32
    %mul3A_91 = arith.muli %arg1, %mul3A_90 : i32
    %mul3A_92 = arith.constant 6272 : i32
    %mul3A_93 = arith.muli %arg1, %mul3A_92 : i32
    "tpu.region"() ({
      %run_scoped3A = tpu.sem_alloc : memref<!tpu.dma_semaphore, #tpu.memory_space<semaphore_mem>>
      %dma_start3A_106 = tpu.memref_slice %arg14[%arg0, %mul3A_93] : memref<2x100352xf32, #tpu.memory_space<hbm>> -> memref<1x6272xf32, #tpu.memory_space<hbm>>
      %dma_start3A_107 = tpu.memref_squeeze %dma_start3A_106 : memref<1x6272xf32, #tpu.memory_space<hbm>> -> memref<6272xf32, #tpu.memory_space<hbm>>
      %dma_start3A_108 = tpu.memref_slice %arg25[%mul3A_91] : memref<100352xf32, #tpu.memory_space<vmem_shared>> -> memref<6272xf32, #tpu.memory_space<vmem_shared>>
      tpu.enqueue_dma source(%dma_start3A_108 : memref<6272xf32, #tpu.memory_space<vmem_shared>>) target(%dma_start3A_107 : memref<6272xf32, #tpu.memory_space<hbm>>) target_semaphore(%run_scoped3A : memref<!tpu.dma_semaphore, #tpu.memory_space<semaphore_mem>>)
      %dma_wait3A_109 = tpu.memref_slice %arg14[%arg0, %mul3A_93] : memref<2x100352xf32, #tpu.memory_space<hbm>> -> memref<1x6272xf32, #tpu.memory_space<hbm>>
      %dma_wait3A_110 = tpu.memref_squeeze %dma_wait3A_109 : memref<1x6272xf32, #tpu.memory_space<hbm>> -> memref<6272xf32, #tpu.memory_space<hbm>>
      %dma_wait3A_111 = tpu.memref_slice %arg25[%mul3A_91] : memref<100352xf32, #tpu.memory_space<vmem_shared>> -> memref<6272xf32, #tpu.memory_space<vmem_shared>>
      tpu.wait_dma2 semaphore(%run_scoped3A : memref<!tpu.dma_semaphore, #tpu.memory_space<semaphore_mem>>) src(%dma_wait3A_111 : memref<6272xf32, #tpu.memory_space<vmem_shared>>) dst(%dma_wait3A_110 : memref<6272xf32, #tpu.memory_space<hbm>>)
      tpu.yield
    }) : () -> ()
    %mul3A_94 = arith.constant 6272 : i32
    %mul3A_95 = arith.muli %arg1, %mul3A_94 : i32
    %mul3A_96 = arith.constant 6272 : i32
    %mul3A_97 = arith.muli %arg1, %mul3A_96 : i32
    "tpu.region"() ({
      %run_scoped3A = tpu.sem_alloc : memref<!tpu.dma_semaphore, #tpu.memory_space<semaphore_mem>>
      %dma_start3A_106 = tpu.memref_slice %arg15[%arg0, %mul3A_97] : memref<2x100352xf32, #tpu.memory_space<hbm>> -> memref<1x6272xf32, #tpu.memory_space<hbm>>
      %dma_start3A_107 = tpu.memref_squeeze %dma_start3A_106 : memref<1x6272xf32, #tpu.memory_space<hbm>> -> memref<6272xf32, #tpu.memory_space<hbm>>
      %dma_start3A_108 = tpu.memref_slice %arg26[%mul3A_95] : memref<100352xf32, #tpu.memory_space<vmem_shared>> -> memref<6272xf32, #tpu.memory_space<vmem_shared>>
      tpu.enqueue_dma source(%dma_start3A_108 : memref<6272xf32, #tpu.memory_space<vmem_shared>>) target(%dma_start3A_107 : memref<6272xf32, #tpu.memory_space<hbm>>) target_semaphore(%run_scoped3A : memref<!tpu.dma_semaphore, #tpu.memory_space<semaphore_mem>>)
      %dma_wait3A_109 = tpu.memref_slice %arg15[%arg0, %mul3A_97] : memref<2x100352xf32, #tpu.memory_space<hbm>> -> memref<1x6272xf32, #tpu.memory_space<hbm>>
      %dma_wait3A_110 = tpu.memref_squeeze %dma_wait3A_109 : memref<1x6272xf32, #tpu.memory_space<hbm>> -> memref<6272xf32, #tpu.memory_space<hbm>>
      %dma_wait3A_111 = tpu.memref_slice %arg26[%mul3A_95] : memref<100352xf32, #tpu.memory_space<vmem_shared>> -> memref<6272xf32, #tpu.memory_space<vmem_shared>>
      tpu.wait_dma2 semaphore(%run_scoped3A : memref<!tpu.dma_semaphore, #tpu.memory_space<semaphore_mem>>) src(%dma_wait3A_111 : memref<6272xf32, #tpu.memory_space<vmem_shared>>) dst(%dma_wait3A_110 : memref<6272xf32, #tpu.memory_space<hbm>>)
      tpu.yield
    }) : () -> ()
    %mul3A_98 = arith.constant 6272 : i32
    %mul3A_99 = arith.muli %arg1, %mul3A_98 : i32
    %mul3A_100 = arith.constant 6272 : i32
    %mul3A_101 = arith.muli %arg1, %mul3A_100 : i32
    "tpu.region"() ({
      %run_scoped3A = tpu.sem_alloc : memref<!tpu.dma_semaphore, #tpu.memory_space<semaphore_mem>>
      %dma_start3A_106 = tpu.memref_slice %arg16[%arg0, %mul3A_101] : memref<2x100352xf32, #tpu.memory_space<hbm>> -> memref<1x6272xf32, #tpu.memory_space<hbm>>
      %dma_start3A_107 = tpu.memref_squeeze %dma_start3A_106 : memref<1x6272xf32, #tpu.memory_space<hbm>> -> memref<6272xf32, #tpu.memory_space<hbm>>
      %dma_start3A_108 = tpu.memref_slice %arg27[%mul3A_99] : memref<100352xf32, #tpu.memory_space<vmem_shared>> -> memref<6272xf32, #tpu.memory_space<vmem_shared>>
      tpu.enqueue_dma source(%dma_start3A_108 : memref<6272xf32, #tpu.memory_space<vmem_shared>>) target(%dma_start3A_107 : memref<6272xf32, #tpu.memory_space<hbm>>) target_semaphore(%run_scoped3A : memref<!tpu.dma_semaphore, #tpu.memory_space<semaphore_mem>>)
      %dma_wait3A_109 = tpu.memref_slice %arg16[%arg0, %mul3A_101] : memref<2x100352xf32, #tpu.memory_space<hbm>> -> memref<1x6272xf32, #tpu.memory_space<hbm>>
      %dma_wait3A_110 = tpu.memref_squeeze %dma_wait3A_109 : memref<1x6272xf32, #tpu.memory_space<hbm>> -> memref<6272xf32, #tpu.memory_space<hbm>>
      %dma_wait3A_111 = tpu.memref_slice %arg27[%mul3A_99] : memref<100352xf32, #tpu.memory_space<vmem_shared>> -> memref<6272xf32, #tpu.memory_space<vmem_shared>>
      tpu.wait_dma2 semaphore(%run_scoped3A : memref<!tpu.dma_semaphore, #tpu.memory_space<semaphore_mem>>) src(%dma_wait3A_111 : memref<6272xf32, #tpu.memory_space<vmem_shared>>) dst(%dma_wait3A_110 : memref<6272xf32, #tpu.memory_space<hbm>>)
      tpu.yield
    }) : () -> ()
    %mul3A_102 = arith.constant 6272 : i32
    %mul3A_103 = arith.muli %arg1, %mul3A_102 : i32
    %mul3A_104 = arith.constant 6272 : i32
    %mul3A_105 = arith.muli %arg1, %mul3A_104 : i32
    "tpu.region"() ({
      %run_scoped3A = tpu.sem_alloc : memref<!tpu.dma_semaphore, #tpu.memory_space<semaphore_mem>>
      %dma_start3A_106 = tpu.memref_slice %arg17[%arg0, %mul3A_105] : memref<2x100352xf32, #tpu.memory_space<hbm>> -> memref<1x6272xf32, #tpu.memory_space<hbm>>
      %dma_start3A_107 = tpu.memref_squeeze %dma_start3A_106 : memref<1x6272xf32, #tpu.memory_space<hbm>> -> memref<6272xf32, #tpu.memory_space<hbm>>
      %dma_start3A_108 = tpu.memref_slice %arg28[%mul3A_103] : memref<100352xf32, #tpu.memory_space<vmem_shared>> -> memref<6272xf32, #tpu.memory_space<vmem_shared>>
      tpu.enqueue_dma source(%dma_start3A_108 : memref<6272xf32, #tpu.memory_space<vmem_shared>>) target(%dma_start3A_107 : memref<6272xf32, #tpu.memory_space<hbm>>) target_semaphore(%run_scoped3A : memref<!tpu.dma_semaphore, #tpu.memory_space<semaphore_mem>>)
      %dma_wait3A_109 = tpu.memref_slice %arg17[%arg0, %mul3A_105] : memref<2x100352xf32, #tpu.memory_space<hbm>> -> memref<1x6272xf32, #tpu.memory_space<hbm>>
      %dma_wait3A_110 = tpu.memref_squeeze %dma_wait3A_109 : memref<1x6272xf32, #tpu.memory_space<hbm>> -> memref<6272xf32, #tpu.memory_space<hbm>>
      %dma_wait3A_111 = tpu.memref_slice %arg28[%mul3A_103] : memref<100352xf32, #tpu.memory_space<vmem_shared>> -> memref<6272xf32, #tpu.memory_space<vmem_shared>>
      tpu.wait_dma2 semaphore(%run_scoped3A : memref<!tpu.dma_semaphore, #tpu.memory_space<semaphore_mem>>) src(%dma_wait3A_111 : memref<6272xf32, #tpu.memory_space<vmem_shared>>) dst(%dma_wait3A_110 : memref<6272xf32, #tpu.memory_space<hbm>>)
      tpu.yield
    }) : () -> ()
    return
  }
}

module attributes {stable_mosaic.version = 14 : i64} {
  func.func @_stage_a_body(%arg0: i32, %arg1: memref<2048xf32, #tpu.memory_space<vmem>>, %arg2: memref<2048xf32, #tpu.memory_space<vmem>>, %arg3: memref<2x64xf32, #tpu.memory_space<vmem>>, %arg4: memref<64xf32, #tpu.memory_space<vmem>>, %arg5: memref<64x4xf32, #tpu.memory_space<vmem>>, %arg6: memref<4xf32, #tpu.memory_space<vmem>>, %arg7: memref<2x2048xf32, #tpu.memory_space<vmem>>, %arg8: memref<2x2048xf32, #tpu.memory_space<vmem>>, %arg9: memref<2x2048xf32, #tpu.memory_space<vmem>>, %arg10: memref<2x2048xf32, #tpu.memory_space<vmem>>, %arg11: memref<2048xf32, #tpu.memory_space<vmem>>) attributes {dimension_semantics = [#tpu.dimension_semantics<arbitrary>], iteration_bounds = array<i64: 49>, scalar_prefetch = 0 : i64, scratch_operands = 0 : i64, tpu.core_type = #tpu.core_type<tc>, window_params = [{transform_indices = @transform_0, window_bounds = array<i64: 2048>}, {transform_indices = @transform_1, window_bounds = array<i64: 2048>}, {pipeline_mode = #tpu.pipeline_mode<synchronous>, transform_indices = @transform_2, window_bounds = array<i64: 2, 64>}, {pipeline_mode = #tpu.pipeline_mode<synchronous>, transform_indices = @transform_3, window_bounds = array<i64: 64>}, {pipeline_mode = #tpu.pipeline_mode<synchronous>, transform_indices = @transform_4, window_bounds = array<i64: 64, 4>}, {pipeline_mode = #tpu.pipeline_mode<synchronous>, transform_indices = @transform_5, window_bounds = array<i64: 4>}, {transform_indices = @transform_6, window_bounds = array<i64: 2, 2048>}, {transform_indices = @transform_7, window_bounds = array<i64: 2, 2048>}, {transform_indices = @transform_8, window_bounds = array<i64: 2, 2048>}, {transform_indices = @transform_9, window_bounds = array<i64: 2, 2048>}, {transform_indices = @transform_10, window_bounds = array<i64: 2048>}]} {
    %get3A = arith.constant 0 : index
    %get3A_0 = vector.load %arg1[%get3A] : memref<2048xf32, #tpu.memory_space<vmem>>, vector<2048xf32>
    %broadcast_in_dim3A = vector.shape_cast %get3A_0 : vector<2048xf32> to vector<2048x1xf32>
    %mul3A = arith.constant 2048 : i32
    %mul3A_1 = arith.muli %arg0, %mul3A : i32
    %iota3A = tpu.iota {dimensions = array<i32: 0>} : vector<2048x1xi32>
    %add3A = vector.broadcast %mul3A_1 : i32 to vector<2048x1xi32>
    %add3A_2 = arith.addi %add3A, %iota3A : vector<2048x1xi32>
    %lt3A = arith.constant 100000 : i32
    %lt3A_3 = vector.broadcast %lt3A : i32 to vector<2048x1xi32>
    %lt3A_4 = arith.cmpi slt, %add3A_2, %lt3A_3 : vector<2048x1xi32>
    %convert_element_type3A = arith.extui %lt3A_4 : vector<2048x1xi1> to vector<2048x1xi32>
    %convert_element_type3A_5 = arith.sitofp %convert_element_type3A : vector<2048x1xi32> to vector<2048x1xf32>
    %get3A_6 = arith.constant 0 : index
    %get3A_7 = arith.constant 0 : index
    %get3A_8 = vector.load %arg3[%get3A_6, %get3A_7] : memref<2x64xf32, #tpu.memory_space<vmem>>, vector<2x64xf32>
    %slice3A = vector.extract_strided_slice %get3A_8 {offsets = [0, 0], sizes = [1, 64], strides = [1, 1]} : vector<2x64xf32> to vector<1x64xf32>
    %mul3A_9 = vector.broadcast %broadcast_in_dim3A : vector<2048x1xf32> to vector<2048x64xf32>
    %mul3A_10 = vector.broadcast %slice3A : vector<1x64xf32> to vector<2048x64xf32>
    %mul3A_11 = arith.mulf %mul3A_9, %mul3A_10 : vector<2048x64xf32>
    %slice3A_12 = vector.extract_strided_slice %get3A_8 {offsets = [1, 0], sizes = [1, 64], strides = [1, 1]} : vector<2x64xf32> to vector<1x64xf32>
    %mul3A_13 = arith.constant 1.000000e+00 : f32
    %mul3A_14 = vector.broadcast %mul3A_13 : f32 to vector<1x64xf32>
    %mul3A_15 = arith.mulf %mul3A_14, %slice3A_12 : vector<1x64xf32>
    %add3A_16 = vector.broadcast %mul3A_15 : vector<1x64xf32> to vector<2048x64xf32>
    %add3A_17 = arith.addf %mul3A_11, %add3A_16 : vector<2048x64xf32>
    %get3A_18 = arith.constant 0 : index
    %get3A_19 = vector.load %arg4[%get3A_18] : memref<64xf32, #tpu.memory_space<vmem>>, vector<64xf32>
    %broadcast_in_dim3A_20 = vector.shape_cast %get3A_19 : vector<64xf32> to vector<1x64xf32>
    %add3A_21 = vector.broadcast %broadcast_in_dim3A_20 : vector<1x64xf32> to vector<2048x64xf32>
    %add3A_22 = arith.addf %add3A_17, %add3A_21 : vector<2048x64xf32>
    %tanh3A = math.tanh %add3A_22 : vector<2048x64xf32>
    %get3A_23 = arith.constant 0 : index
    %get3A_24 = arith.constant 0 : index
    %get3A_25 = vector.load %arg5[%get3A_23, %get3A_24] : memref<64x4xf32, #tpu.memory_space<vmem>>, vector<64x4xf32>
    %dot_general3A = arith.constant dense<0.000000e+00> : vector<2048x4xf32>
    %dot_general3A_26 = tpu.matmul %tanh3A, %get3A_25, %dot_general3A {dimension_numbers = #tpu.dot_dimension_numbers<[1], [0], [0], [1], [0, 0, 1, 1], [], []>, transpose_lhs_hint = false} : vector<2048x64xf32>, vector<64x4xf32>, vector<2048x4xf32> -> vector<2048x4xf32>
    %get3A_27 = arith.constant 0 : index
    %get3A_28 = vector.load %arg6[%get3A_27] : memref<4xf32, #tpu.memory_space<vmem>>, vector<4xf32>
    %broadcast_in_dim3A_29 = vector.shape_cast %get3A_28 : vector<4xf32> to vector<1x4xf32>
    %add3A_30 = vector.broadcast %broadcast_in_dim3A_29 : vector<1x4xf32> to vector<2048x4xf32>
    %add3A_31 = arith.addf %dot_general3A_26, %add3A_30 : vector<2048x4xf32>
    %mul3A_32 = vector.broadcast %convert_element_type3A_5 : vector<2048x1xf32> to vector<2048x4xf32>
    %mul3A_33 = arith.mulf %add3A_31, %mul3A_32 : vector<2048x4xf32>
    %slice3A_34 = vector.extract_strided_slice %get3A_8 {offsets = [0, 0], sizes = [1, 64], strides = [1, 1]} : vector<2x64xf32> to vector<1x64xf32>
    %mul3A_35 = vector.broadcast %broadcast_in_dim3A : vector<2048x1xf32> to vector<2048x64xf32>
    %mul3A_36 = vector.broadcast %slice3A_34 : vector<1x64xf32> to vector<2048x64xf32>
    %mul3A_37 = arith.mulf %mul3A_35, %mul3A_36 : vector<2048x64xf32>
    %slice3A_38 = vector.extract_strided_slice %get3A_8 {offsets = [1, 0], sizes = [1, 64], strides = [1, 1]} : vector<2x64xf32> to vector<1x64xf32>
    %mul3A_39 = arith.constant 2.000000e+00 : f32
    %mul3A_40 = vector.broadcast %mul3A_39 : f32 to vector<1x64xf32>
    %mul3A_41 = arith.mulf %mul3A_40, %slice3A_38 : vector<1x64xf32>
    %add3A_42 = vector.broadcast %mul3A_41 : vector<1x64xf32> to vector<2048x64xf32>
    %add3A_43 = arith.addf %mul3A_37, %add3A_42 : vector<2048x64xf32>
    %get3A_44 = arith.constant 0 : index
    %get3A_45 = vector.load %arg4[%get3A_44] : memref<64xf32, #tpu.memory_space<vmem>>, vector<64xf32>
    %broadcast_in_dim3A_46 = vector.shape_cast %get3A_45 : vector<64xf32> to vector<1x64xf32>
    %add3A_47 = vector.broadcast %broadcast_in_dim3A_46 : vector<1x64xf32> to vector<2048x64xf32>
    %add3A_48 = arith.addf %add3A_43, %add3A_47 : vector<2048x64xf32>
    %tanh3A_49 = math.tanh %add3A_48 : vector<2048x64xf32>
    %get3A_50 = arith.constant 0 : index
    %get3A_51 = arith.constant 0 : index
    %get3A_52 = vector.load %arg5[%get3A_50, %get3A_51] : memref<64x4xf32, #tpu.memory_space<vmem>>, vector<64x4xf32>
    %dot_general3A_53 = arith.constant dense<0.000000e+00> : vector<2048x4xf32>
    %dot_general3A_54 = tpu.matmul %tanh3A_49, %get3A_52, %dot_general3A_53 {dimension_numbers = #tpu.dot_dimension_numbers<[1], [0], [0], [1], [0, 0, 1, 1], [], []>, transpose_lhs_hint = false} : vector<2048x64xf32>, vector<64x4xf32>, vector<2048x4xf32> -> vector<2048x4xf32>
    %get3A_55 = arith.constant 0 : index
    %get3A_56 = vector.load %arg6[%get3A_55] : memref<4xf32, #tpu.memory_space<vmem>>, vector<4xf32>
    %broadcast_in_dim3A_57 = vector.shape_cast %get3A_56 : vector<4xf32> to vector<1x4xf32>
    %add3A_58 = vector.broadcast %broadcast_in_dim3A_57 : vector<1x4xf32> to vector<2048x4xf32>
    %add3A_59 = arith.addf %dot_general3A_54, %add3A_58 : vector<2048x4xf32>
    %mul3A_60 = vector.broadcast %convert_element_type3A_5 : vector<2048x1xf32> to vector<2048x4xf32>
    %mul3A_61 = arith.mulf %add3A_59, %mul3A_60 : vector<2048x4xf32>
    %slice3A_62 = vector.extract_strided_slice %mul3A_33 {offsets = [0, 0], sizes = [2048, 1], strides = [1, 1]} : vector<2048x4xf32> to vector<2048x1xf32>
    %squeeze3A = vector.shape_cast %slice3A_62 : vector<2048x1xf32> to vector<2048xf32>
    %slice3A_63 = vector.extract_strided_slice %mul3A_61 {offsets = [0, 0], sizes = [2048, 1], strides = [1, 1]} : vector<2048x4xf32> to vector<2048x1xf32>
    %squeeze3A_64 = vector.shape_cast %slice3A_63 : vector<2048x1xf32> to vector<2048xf32>
    %stack3A = vector.shape_cast %squeeze3A : vector<2048xf32> to vector<1x2048xf32>
    %stack3A_65 = vector.shape_cast %squeeze3A_64 : vector<2048xf32> to vector<1x2048xf32>
    %stack3A_66 = tpu.concatenate %stack3A, %stack3A_65 in 0 : vector<1x2048xf32>, vector<1x2048xf32> -> vector<2x2048xf32>
    %swap3A = arith.constant 0 : index
    %swap3A_67 = arith.constant 0 : index
    %swap3A_68 = vector.load %arg7[%swap3A, %swap3A_67] : memref<2x2048xf32, #tpu.memory_space<vmem>>, vector<2x2048xf32>
    tpu.vector_store %arg7[%swap3A, %swap3A_67], %stack3A_66 {strides = array<i32>} : memref<2x2048xf32, #tpu.memory_space<vmem>>, vector<2x2048xf32>,
    %slice3A_69 = vector.extract_strided_slice %mul3A_33 {offsets = [0, 1], sizes = [2048, 1], strides = [1, 1]} : vector<2048x4xf32> to vector<2048x1xf32>
    %squeeze3A_70 = vector.shape_cast %slice3A_69 : vector<2048x1xf32> to vector<2048xf32>
    %slice3A_71 = vector.extract_strided_slice %mul3A_61 {offsets = [0, 1], sizes = [2048, 1], strides = [1, 1]} : vector<2048x4xf32> to vector<2048x1xf32>
    %squeeze3A_72 = vector.shape_cast %slice3A_71 : vector<2048x1xf32> to vector<2048xf32>
    %stack3A_73 = vector.shape_cast %squeeze3A_70 : vector<2048xf32> to vector<1x2048xf32>
    %stack3A_74 = vector.shape_cast %squeeze3A_72 : vector<2048xf32> to vector<1x2048xf32>
    %stack3A_75 = tpu.concatenate %stack3A_73, %stack3A_74 in 0 : vector<1x2048xf32>, vector<1x2048xf32> -> vector<2x2048xf32>
    %swap3A_76 = arith.constant 0 : index
    %swap3A_77 = arith.constant 0 : index
    %swap3A_78 = vector.load %arg8[%swap3A_76, %swap3A_77] : memref<2x2048xf32, #tpu.memory_space<vmem>>, vector<2x2048xf32>
    tpu.vector_store %arg8[%swap3A_76, %swap3A_77], %stack3A_75 {strides = array<i32>} : memref<2x2048xf32, #tpu.memory_space<vmem>>, vector<2x2048xf32>,
    %slice3A_79 = vector.extract_strided_slice %mul3A_33 {offsets = [0, 2], sizes = [2048, 1], strides = [1, 1]} : vector<2048x4xf32> to vector<2048x1xf32>
    %squeeze3A_80 = vector.shape_cast %slice3A_79 : vector<2048x1xf32> to vector<2048xf32>
    %slice3A_81 = vector.extract_strided_slice %mul3A_61 {offsets = [0, 2], sizes = [2048, 1], strides = [1, 1]} : vector<2048x4xf32> to vector<2048x1xf32>
    %squeeze3A_82 = vector.shape_cast %slice3A_81 : vector<2048x1xf32> to vector<2048xf32>
    %stack3A_83 = vector.shape_cast %squeeze3A_80 : vector<2048xf32> to vector<1x2048xf32>
    %stack3A_84 = vector.shape_cast %squeeze3A_82 : vector<2048xf32> to vector<1x2048xf32>
    %stack3A_85 = tpu.concatenate %stack3A_83, %stack3A_84 in 0 : vector<1x2048xf32>, vector<1x2048xf32> -> vector<2x2048xf32>
    %swap3A_86 = arith.constant 0 : index
    %swap3A_87 = arith.constant 0 : index
    %swap3A_88 = vector.load %arg9[%swap3A_86, %swap3A_87] : memref<2x2048xf32, #tpu.memory_space<vmem>>, vector<2x2048xf32>
    tpu.vector_store %arg9[%swap3A_86, %swap3A_87], %stack3A_85 {strides = array<i32>} : memref<2x2048xf32, #tpu.memory_space<vmem>>, vector<2x2048xf32>,
    %slice3A_89 = vector.extract_strided_slice %mul3A_33 {offsets = [0, 3], sizes = [2048, 1], strides = [1, 1]} : vector<2048x4xf32> to vector<2048x1xf32>
    %squeeze3A_90 = vector.shape_cast %slice3A_89 : vector<2048x1xf32> to vector<2048xf32>
    %slice3A_91 = vector.extract_strided_slice %mul3A_61 {offsets = [0, 3], sizes = [2048, 1], strides = [1, 1]} : vector<2048x4xf32> to vector<2048x1xf32>
    %squeeze3A_92 = vector.shape_cast %slice3A_91 : vector<2048x1xf32> to vector<2048xf32>
    %stack3A_93 = vector.shape_cast %squeeze3A_90 : vector<2048xf32> to vector<1x2048xf32>
    %stack3A_94 = vector.shape_cast %squeeze3A_92 : vector<2048xf32> to vector<1x2048xf32>
    %stack3A_95 = tpu.concatenate %stack3A_93, %stack3A_94 in 0 : vector<1x2048xf32>, vector<1x2048xf32> -> vector<2x2048xf32>
    %swap3A_96 = arith.constant 0 : index
    %swap3A_97 = arith.constant 0 : index
    %swap3A_98 = vector.load %arg10[%swap3A_96, %swap3A_97] : memref<2x2048xf32, #tpu.memory_space<vmem>>, vector<2x2048xf32>
    tpu.vector_store %arg10[%swap3A_96, %swap3A_97], %stack3A_95 {strides = array<i32>} : memref<2x2048xf32, #tpu.memory_space<vmem>>, vector<2x2048xf32>,
    %get3A_99 = arith.constant 0 : index
    %get3A_100 = vector.load %arg2[%get3A_99] : memref<2048xf32, #tpu.memory_space<vmem>>, vector<2048xf32>
    %mul3A_101 = arith.constant 2.000000e+00 : f32
    %mul3A_102 = vector.broadcast %mul3A_101 : f32 to vector<2048xf32>
    %mul3A_103 = arith.mulf %get3A_100, %mul3A_102 : vector<2048xf32>
    %squeeze3A_104 = vector.shape_cast %convert_element_type3A_5 : vector<2048x1xf32> to vector<2048xf32>
    %mul3A_105 = arith.mulf %mul3A_103, %squeeze3A_104 : vector<2048xf32>
    %swap3A_106 = arith.constant 0 : index
    %swap3A_107 = vector.load %arg11[%swap3A_106] : memref<2048xf32, #tpu.memory_space<vmem>>, vector<2048xf32>
    tpu.vector_store %arg11[%swap3A_106], %mul3A_105 {strides = array<i32>} : memref<2048xf32, #tpu.memory_space<vmem>>, vector<2048xf32>,
    return
  }
  func.func @transform_0(%arg0: i32) -> i32 {
    %c0_i32 = arith.constant 0 : i32
    return %arg0 : i32
  }
  func.func @transform_1(%arg0: i32) -> i32 {
    %c0_i32 = arith.constant 0 : i32
    return %arg0 : i32
  }
  func.func @transform_2(%arg0: i32) -> (i32, i32) {
    %c0_i32 = arith.constant 0 : i32
    %c0_i32_0 = arith.constant 0 : i32
    %c0_i32_1 = arith.constant 0 : i32
    return %c0_i32, %c0_i32_0 : i32, i32
  }
  func.func @transform_3(%arg0: i32) -> i32 {
    %c0_i32 = arith.constant 0 : i32
    %c0_i32_0 = arith.constant 0 : i32
    return %c0_i32 : i32
  }
  func.func @transform_4(%arg0: i32) -> (i32, i32) {
    %c0_i32 = arith.constant 0 : i32
    %c0_i32_0 = arith.constant 0 : i32
    %c0_i32_1 = arith.constant 0 : i32
    return %c0_i32, %c0_i32_0 : i32, i32
  }
  func.func @transform_5(%arg0: i32) -> i32 {
    %c0_i32 = arith.constant 0 : i32
    %c0_i32_0 = arith.constant 0 : i32
    return %c0_i32 : i32
  }
  func.func @transform_6(%arg0: i32) -> (i32, i32) {
    %c0_i32 = arith.constant 0 : i32
    %c0_i32_0 = arith.constant 0 : i32
    return %c0_i32, %arg0 : i32, i32
  }
  func.func @transform_7(%arg0: i32) -> (i32, i32) {
    %c0_i32 = arith.constant 0 : i32
    %c0_i32_0 = arith.constant 0 : i32
    return %c0_i32, %arg0 : i32, i32
  }
  func.func @transform_8(%arg0: i32) -> (i32, i32) {
    %c0_i32 = arith.constant 0 : i32
    %c0_i32_0 = arith.constant 0 : i32
    return %c0_i32, %arg0 : i32, i32
  }
  func.func @transform_9(%arg0: i32) -> (i32, i32) {
    %c0_i32 = arith.constant 0 : i32
    %c0_i32_0 = arith.constant 0 : i32
    return %c0_i32, %arg0 : i32, i32
  }
  func.func @transform_10(%arg0: i32) -> i32 {
    %c0_i32 = arith.constant 0 : i32
    return %arg0 : i32
  }
}

module attributes {stable_mosaic.version = 14 : i64} {
  func.func @_prep_sub_body(%arg0: i32, %arg1: memref<32768xi32, #tpu.memory_space<vmem>>, %arg2: memref<32768xf32, #tpu.memory_space<vmem>>, %arg3: memref<32768xi32, #tpu.memory_space<vmem>>, %arg4: memref<32768xi32, #tpu.memory_space<vmem>>, %arg5: memref<32768xi32, #tpu.memory_space<vmem>>, %arg6: memref<32768xi32, #tpu.memory_space<vmem>>) attributes {dimension_semantics = [#tpu.dimension_semantics<arbitrary>], iteration_bounds = array<i64: 50>, scalar_prefetch = 0 : i64, scratch_operands = 0 : i64, tpu.core_type = #tpu.core_type<tc>, window_params = [{transform_indices = @transform_0, window_bounds = array<i64: 32768>}, {transform_indices = @transform_1, window_bounds = array<i64: 32768>}, {transform_indices = @transform_2, window_bounds = array<i64: 32768>}, {transform_indices = @transform_3, window_bounds = array<i64: 32768>}, {transform_indices = @transform_4, window_bounds = array<i64: 32768>}, {transform_indices = @transform_5, window_bounds = array<i64: 32768>}]} {
    %mul3A = arith.constant 32768 : i32
    %mul3A_0 = arith.muli %arg0, %mul3A : i32
    %iota3A = tpu.iota {dimensions = array<i32: 1>} : vector<1x32768xi32>
    %iota3A_1 = vector.shape_cast %iota3A : vector<1x32768xi32> to vector<32768xi32>
    %add3A = vector.broadcast %mul3A_0 : i32 to vector<32768xi32>
    %add3A_2 = arith.addi %add3A, %iota3A_1 : vector<32768xi32>
    %lt3A = arith.constant 1600000 : i32
    %lt3A_3 = vector.broadcast %lt3A : i32 to vector<32768xi32>
    %lt3A_4 = arith.cmpi slt, %add3A_2, %lt3A_3 : vector<32768xi32>
    %jit3A = arith.constant 352 : i32
    %eq3A = arith.constant 0 : i32
    %eq3A_5 = arith.cmpi eq, %jit3A, %eq3A : i32
    %jit3A_6 = arith.constant 1 : i32
    %select_n3A = arith.select %eq3A_5, %jit3A_6, %jit3A : i32
    %rem3A = vector.broadcast %select_n3A : i32 to vector<32768xi32>
    %rem3A_7 = arith.remsi %add3A_2, %rem3A : vector<32768xi32>
    %ne3A = arith.constant 0 : i32
    %ne3A_8 = vector.broadcast %ne3A : i32 to vector<32768xi32>
    %ne3A_9 = arith.cmpi ne, %rem3A_7, %ne3A_8 : vector<32768xi32>
    %lt3A_10 = arith.constant 0 : i32
    %lt3A_11 = vector.broadcast %lt3A_10 : i32 to vector<32768xi32>
    %lt3A_12 = arith.cmpi slt, %rem3A_7, %lt3A_11 : vector<32768xi32>
    %lt3A_13 = arith.constant 0 : i32
    %lt3A_14 = arith.cmpi slt, %select_n3A, %lt3A_13 : i32
    %ne3A_15 = vector.broadcast %lt3A_14 : i1 to vector<32768xi1>
    %ne3A_16 = vector.broadcast %ne3A_15 : vector<32768xi1> to vector<32768xi1>
    %ne3A_17 = arith.xori %lt3A_12, %ne3A_16 : vector<32768xi1>
    %and3A = arith.andi %ne3A_17, %ne3A_9 : vector<32768xi1>
    %add3A_18 = vector.broadcast %select_n3A : i32 to vector<32768xi32>
    %add3A_19 = arith.addi %rem3A_7, %add3A_18 : vector<32768xi32>
    %select_n3A_20 = arith.select %and3A, %add3A_19, %rem3A_7 : vector<32768xi1>, vector<32768xi32>
    %get3A = arith.constant 0 : index
    %get3A_21 = vector.load %arg1[%get3A] : memref<32768xi32, #tpu.memory_space<vmem>>, vector<32768xi32>
    %get3A_22 = arith.constant 0 : index
    %get3A_23 = vector.load %arg2[%get3A_22] : memref<32768xf32, #tpu.memory_space<vmem>>, vector<32768xf32>
    %gt3A = arith.constant 1.500000e+00 : f32
    %gt3A_24 = vector.broadcast %gt3A : f32 to vector<32768xf32>
    %gt3A_25 = arith.cmpf ogt, %get3A_23, %gt3A_24 : vector<32768xf32>
    %jit3A_26 = arith.constant 100352 : i32
    %jit3A_27 = arith.constant 0 : i32
    %broadcast_in_dim3A = vector.broadcast %jit3A_26 : i32 to vector<32768xi32>
    %broadcast_in_dim3A_28 = vector.broadcast %jit3A_27 : i32 to vector<32768xi32>
    %select_n3A_29 = arith.select %gt3A_25, %broadcast_in_dim3A, %broadcast_in_dim3A_28 : vector<32768xi1>, vector<32768xi32>
    %add3A_30 = arith.addi %get3A_21, %select_n3A_29 : vector<32768xi32>
    %add3A_31 = arith.constant 100000 : i32
    %add3A_32 = vector.broadcast %add3A_31 : i32 to vector<32768xi32>
    %add3A_33 = arith.addi %add3A_32, %select_n3A_20 : vector<32768xi32>
    %select_n3A_34 = arith.select %lt3A_4, %add3A_30, %add3A_33 : vector<32768xi1>, vector<32768xi32>
    %swap3A = arith.constant 0 : index
    %swap3A_35 = vector.load %arg4[%swap3A] : memref<32768xi32, #tpu.memory_space<vmem>>, vector<32768xi32>
    tpu.vector_store %arg4[%swap3A], %select_n3A_34 {strides = array<i32>} : memref<32768xi32, #tpu.memory_space<vmem>>, vector<32768xi32>,
    %get3A_36 = arith.constant 0 : index
    %get3A_37 = vector.load %arg1[%get3A_36] : memref<32768xi32, #tpu.memory_space<vmem>>, vector<32768xi32>
    %add3A_38 = arith.constant 100000 : i32
    %add3A_39 = vector.broadcast %add3A_38 : i32 to vector<32768xi32>
    %add3A_40 = arith.addi %add3A_39, %select_n3A_20 : vector<32768xi32>
    %select_n3A_41 = arith.select %lt3A_4, %get3A_37, %add3A_40 : vector<32768xi1>, vector<32768xi32>
    %swap3A_42 = arith.constant 0 : index
    %swap3A_43 = vector.load %arg5[%swap3A_42] : memref<32768xi32, #tpu.memory_space<vmem>>, vector<32768xi32>
    tpu.vector_store %arg5[%swap3A_42], %select_n3A_41 {strides = array<i32>} : memref<32768xi32, #tpu.memory_space<vmem>>, vector<32768xi32>,
    %get3A_44 = arith.constant 0 : index
    %get3A_45 = vector.load %arg3[%get3A_44] : memref<32768xi32, #tpu.memory_space<vmem>>, vector<32768xi32>
    %add3A_46 = arith.constant 100000 : i32
    %add3A_47 = vector.broadcast %add3A_46 : i32 to vector<32768xi32>
    %add3A_48 = arith.addi %add3A_47, %select_n3A_20 : vector<32768xi32>
    %select_n3A_49 = arith.select %lt3A_4, %get3A_45, %add3A_48 : vector<32768xi1>, vector<32768xi32>
    %swap3A_50 = arith.constant 0 : index
    %swap3A_51 = vector.load %arg6[%swap3A_50] : memref<32768xi32, #tpu.memory_space<vmem>>, vector<32768xi32>
    tpu.vector_store %arg6[%swap3A_50], %select_n3A_49 {strides = array<i32>} : memref<32768xi32, #tpu.memory_space<vmem>>, vector<32768xi32>,
    return
  }
  func.func @transform_0(%arg0: i32) -> i32 {
    %min3A = arith.constant 48 : i32
    %min3A_0 = arith.minsi %arg0, %min3A : i32
    %c0_i32 = arith.constant 0 : i32
    return %min3A_0 : i32
  }
  func.func @transform_1(%arg0: i32) -> i32 {
    %min3A = arith.constant 48 : i32
    %min3A_0 = arith.minsi %arg0, %min3A : i32
    %c0_i32 = arith.constant 0 : i32
    return %min3A_0 : i32
  }
  func.func @transform_2(%arg0: i32) -> i32 {
    %min3A = arith.constant 48 : i32
    %min3A_0 = arith.minsi %arg0, %min3A : i32
    %c0_i32 = arith.constant 0 : i32
    return %min3A_0 : i32
  }
  func.func @transform_3(%arg0: i32) -> i32 {
    %c0_i32 = arith.constant 0 : i32
    return %arg0 : i32
  }
  func.func @transform_4(%arg0: i32) -> i32 {
    %c0_i32 = arith.constant 0 : i32
    return %arg0 : i32
  }
  func.func @transform_5(%arg0: i32) -> i32 {
    %c0_i32 = arith.constant 0 : i32
    return %arg0 : i32
  }
}

module attributes {stable_mosaic.version = 14 : i64} {
  func.func @_prep_all_body(%arg0: i32, %arg1: memref<32768xi32, #tpu.memory_space<vmem>>, %arg2: memref<32768xf32, #tpu.memory_space<vmem>>, %arg3: memref<32768xi32, #tpu.memory_space<vmem>>, %arg4: memref<32768xi32, #tpu.memory_space<vmem>>, %arg5: memref<32768xi32, #tpu.memory_space<vmem>>) attributes {dimension_semantics = [#tpu.dimension_semantics<arbitrary>], iteration_bounds = array<i64: 99>, scalar_prefetch = 0 : i64, scratch_operands = 0 : i64, tpu.core_type = #tpu.core_type<tc>, window_params = [{transform_indices = @transform_0, window_bounds = array<i64: 32768>}, {transform_indices = @transform_1, window_bounds = array<i64: 32768>}, {transform_indices = @transform_2, window_bounds = array<i64: 32768>}, {transform_indices = @transform_3, window_bounds = array<i64: 32768>}, {transform_indices = @transform_4, window_bounds = array<i64: 32768>}]} {
    %mul3A = arith.constant 32768 : i32
    %mul3A_0 = arith.muli %arg0, %mul3A : i32
    %iota3A = tpu.iota {dimensions = array<i32: 1>} : vector<1x32768xi32>
    %iota3A_1 = vector.shape_cast %iota3A : vector<1x32768xi32> to vector<32768xi32>
    %add3A = vector.broadcast %mul3A_0 : i32 to vector<32768xi32>
    %add3A_2 = arith.addi %add3A, %iota3A_1 : vector<32768xi32>
    %lt3A = arith.constant 3200000 : i32
    %lt3A_3 = vector.broadcast %lt3A : i32 to vector<32768xi32>
    %lt3A_4 = arith.cmpi slt, %add3A_2, %lt3A_3 : vector<32768xi32>
    %jit3A = arith.constant 352 : i32
    %eq3A = arith.constant 0 : i32
    %eq3A_5 = arith.cmpi eq, %jit3A, %eq3A : i32
    %jit3A_6 = arith.constant 1 : i32
    %select_n3A = arith.select %eq3A_5, %jit3A_6, %jit3A : i32
    %rem3A = vector.broadcast %select_n3A : i32 to vector<32768xi32>
    %rem3A_7 = arith.remsi %add3A_2, %rem3A : vector<32768xi32>
    %ne3A = arith.constant 0 : i32
    %ne3A_8 = vector.broadcast %ne3A : i32 to vector<32768xi32>
    %ne3A_9 = arith.cmpi ne, %rem3A_7, %ne3A_8 : vector<32768xi32>
    %lt3A_10 = arith.constant 0 : i32
    %lt3A_11 = vector.broadcast %lt3A_10 : i32 to vector<32768xi32>
    %lt3A_12 = arith.cmpi slt, %rem3A_7, %lt3A_11 : vector<32768xi32>
    %lt3A_13 = arith.constant 0 : i32
    %lt3A_14 = arith.cmpi slt, %select_n3A, %lt3A_13 : i32
    %ne3A_15 = vector.broadcast %lt3A_14 : i1 to vector<32768xi1>
    %ne3A_16 = vector.broadcast %ne3A_15 : vector<32768xi1> to vector<32768xi1>
    %ne3A_17 = arith.xori %lt3A_12, %ne3A_16 : vector<32768xi1>
    %and3A = arith.andi %ne3A_17, %ne3A_9 : vector<32768xi1>
    %add3A_18 = vector.broadcast %select_n3A : i32 to vector<32768xi32>
    %add3A_19 = arith.addi %rem3A_7, %add3A_18 : vector<32768xi32>
    %select_n3A_20 = arith.select %and3A, %add3A_19, %rem3A_7 : vector<32768xi1>, vector<32768xi32>
    %get3A = arith.constant 0 : index
    %get3A_21 = vector.load %arg2[%get3A] : memref<32768xf32, #tpu.memory_space<vmem>>, vector<32768xf32>
    %abs3A = math.absf %get3A_21 : vector<32768xf32>
    %gt3A = arith.constant 1.500000e+00 : f32
    %gt3A_22 = vector.broadcast %gt3A : f32 to vector<32768xf32>
    %gt3A_23 = arith.cmpf ogt, %abs3A, %gt3A_22 : vector<32768xf32>
    %jit3A_24 = arith.constant 2 : i32
    %jit3A_25 = arith.constant 0 : i32
    %broadcast_in_dim3A = vector.broadcast %jit3A_24 : i32 to vector<32768xi32>
    %broadcast_in_dim3A_26 = vector.broadcast %jit3A_25 : i32 to vector<32768xi32>
    %select_n3A_27 = arith.select %gt3A_23, %broadcast_in_dim3A, %broadcast_in_dim3A_26 : vector<32768xi1>, vector<32768xi32>
    %lt3A_28 = arith.constant 0.000000e+00 : f32
    %lt3A_29 = vector.broadcast %lt3A_28 : f32 to vector<32768xf32>
    %lt3A_30 = arith.cmpf olt, %get3A_21, %lt3A_29 : vector<32768xf32>
    %jit3A_31 = arith.constant 1 : i32
    %jit3A_32 = arith.constant 0 : i32
    %broadcast_in_dim3A_33 = vector.broadcast %jit3A_31 : i32 to vector<32768xi32>
    %broadcast_in_dim3A_34 = vector.broadcast %jit3A_32 : i32 to vector<32768xi32>
    %select_n3A_35 = arith.select %lt3A_30, %broadcast_in_dim3A_33, %broadcast_in_dim3A_34 : vector<32768xi1>, vector<32768xi32>
    %add3A_36 = arith.addi %select_n3A_27, %select_n3A_35 : vector<32768xi32>
    %get3A_37 = arith.constant 0 : index
    %get3A_38 = vector.load %arg1[%get3A_37] : memref<32768xi32, #tpu.memory_space<vmem>>, vector<32768xi32>
    %mul3A_39 = arith.constant 100352 : i32
    %mul3A_40 = vector.broadcast %mul3A_39 : i32 to vector<32768xi32>
    %mul3A_41 = arith.muli %add3A_36, %mul3A_40 : vector<32768xi32>
    %add3A_42 = arith.addi %get3A_38, %mul3A_41 : vector<32768xi32>
    %add3A_43 = arith.constant 100000 : i32
    %add3A_44 = vector.broadcast %add3A_43 : i32 to vector<32768xi32>
    %add3A_45 = arith.addi %add3A_44, %select_n3A_20 : vector<32768xi32>
    %select_n3A_46 = arith.select %lt3A_4, %add3A_42, %add3A_45 : vector<32768xi1>, vector<32768xi32>
    %swap3A = arith.constant 0 : index
    %swap3A_47 = vector.load %arg4[%swap3A] : memref<32768xi32, #tpu.memory_space<vmem>>, vector<32768xi32>
    tpu.vector_store %arg4[%swap3A], %select_n3A_46 {strides = array<i32>} : memref<32768xi32, #tpu.memory_space<vmem>>, vector<32768xi32>,
    %get3A_48 = arith.constant 0 : index
    %get3A_49 = vector.load %arg3[%get3A_48] : memref<32768xi32, #tpu.memory_space<vmem>>, vector<32768xi32>
    %add3A_50 = arith.constant 100000 : i32
    %add3A_51 = vector.broadcast %add3A_50 : i32 to vector<32768xi32>
    %add3A_52 = arith.addi %add3A_51, %select_n3A_20 : vector<32768xi32>
    %select_n3A_53 = arith.select %lt3A_4, %get3A_49, %add3A_52 : vector<32768xi1>, vector<32768xi32>
    %swap3A_54 = arith.constant 0 : index
    %swap3A_55 = vector.load %arg5[%swap3A_54] : memref<32768xi32, #tpu.memory_space<vmem>>, vector<32768xi32>
    tpu.vector_store %arg5[%swap3A_54], %select_n3A_53 {strides = array<i32>} : memref<32768xi32, #tpu.memory_space<vmem>>, vector<32768xi32>,
    return
  }
  func.func @transform_0(%arg0: i32) -> i32 {
    %min3A = arith.constant 97 : i32
    %min3A_0 = arith.minsi %arg0, %min3A : i32
    %c0_i32 = arith.constant 0 : i32
    return %min3A_0 : i32
  }
  func.func @transform_1(%arg0: i32) -> i32 {
    %min3A = arith.constant 97 : i32
    %min3A_0 = arith.minsi %arg0, %min3A : i32
    %c0_i32 = arith.constant 0 : i32
    return %min3A_0 : i32
  }
  func.func @transform_2(%arg0: i32) -> i32 {
    %min3A = arith.constant 97 : i32
    %min3A_0 = arith.minsi %arg0, %min3A : i32
    %c0_i32 = arith.constant 0 : i32
    return %min3A_0 : i32
  }
  func.func @transform_3(%arg0: i32) -> i32 {
    %c0_i32 = arith.constant 0 : i32
    return %arg0 : i32
  }
  func.func @transform_4(%arg0: i32) -> i32 {
    %c0_i32 = arith.constant 0 : i32
    return %arg0 : i32
  }
}

module attributes {stable_mosaic.version = 14 : i64} {
  func.func @_stage_c_body(%arg0: i32, %arg1: memref<2x2048xf32, #tpu.memory_space<vmem>>, %arg2: memref<2x2048xf32, #tpu.memory_space<vmem>>, %arg3: memref<2x2048xf32, #tpu.memory_space<vmem>>, %arg4: memref<2x2048xf32, #tpu.memory_space<vmem>>, %arg5: memref<2x2048xf32, #tpu.memory_space<vmem>>, %arg6: memref<2x2048xf32, #tpu.memory_space<vmem>>, %arg7: memref<4x64xf32, #tpu.memory_space<vmem>>, %arg8: memref<64xf32, #tpu.memory_space<vmem>>, %arg9: memref<64x1xf32, #tpu.memory_space<vmem>>, %arg10: memref<1xf32, #tpu.memory_space<vmem>>, %arg11: memref<2048xf32, #tpu.memory_space<vmem>>, %arg12: memref<4x2048xf32, #tpu.memory_space<vmem>>) attributes {dimension_semantics = [#tpu.dimension_semantics<arbitrary>], iteration_bounds = array<i64: 49>, scalar_prefetch = 0 : i64, scratch_operands = 0 : i64, tpu.core_type = #tpu.core_type<tc>, window_params = [{transform_indices = @transform_0, window_bounds = array<i64: 2, 2048>}, {transform_indices = @transform_1, window_bounds = array<i64: 2, 2048>}, {transform_indices = @transform_2, window_bounds = array<i64: 2, 2048>}, {transform_indices = @transform_3, window_bounds = array<i64: 2, 2048>}, {transform_indices = @transform_4, window_bounds = array<i64: 2, 2048>}, {transform_indices = @transform_5, window_bounds = array<i64: 2, 2048>}, {pipeline_mode = #tpu.pipeline_mode<synchronous>, transform_indices = @transform_6, window_bounds = array<i64: 4, 64>}, {pipeline_mode = #tpu.pipeline_mode<synchronous>, transform_indices = @transform_7, window_bounds = array<i64: 64>}, {pipeline_mode = #tpu.pipeline_mode<synchronous>, transform_indices = @transform_8, window_bounds = array<i64: 64, 1>}, {pipeline_mode = #tpu.pipeline_mode<synchronous>, transform_indices = @transform_9, window_bounds = array<i64: 1>}, {transform_indices = @transform_10, window_bounds = array<i64: 2048>}, {transform_indices = @transform_11, window_bounds = array<i64: 4, 2048>}]} {
    %get3A = arith.constant 0 : index
    %get3A_0 = arith.constant 0 : index
    %get3A_1 = vector.load %arg1[%get3A, %get3A_0] : memref<2x2048xf32, #tpu.memory_space<vmem>>, vector<1x2048xf32>
    %get3A_2 = vector.shape_cast %get3A_1 : vector<1x2048xf32> to vector<2048xf32>
    %get3A_3 = arith.constant 1 : index
    %get3A_4 = arith.constant 0 : index
    %get3A_5 = vector.load %arg1[%get3A_3, %get3A_4] : memref<2x2048xf32, #tpu.memory_space<vmem>>, vector<1x2048xf32>
    %get3A_6 = vector.shape_cast %get3A_5 : vector<1x2048xf32> to vector<2048xf32>
    %add3A = arith.addf %get3A_2, %get3A_6 : vector<2048xf32>
    %get3A_7 = arith.constant 0 : index
    %get3A_8 = arith.constant 0 : index
    %get3A_9 = vector.load %arg2[%get3A_7, %get3A_8] : memref<2x2048xf32, #tpu.memory_space<vmem>>, vector<1x2048xf32>
    %get3A_10 = vector.shape_cast %get3A_9 : vector<1x2048xf32> to vector<2048xf32>
    %get3A_11 = arith.constant 1 : index
    %get3A_12 = arith.constant 0 : index
    %get3A_13 = vector.load %arg2[%get3A_11, %get3A_12] : memref<2x2048xf32, #tpu.memory_space<vmem>>, vector<1x2048xf32>
    %get3A_14 = vector.shape_cast %get3A_13 : vector<1x2048xf32> to vector<2048xf32>
    %add3A_15 = arith.addf %get3A_10, %get3A_14 : vector<2048xf32>
    %get3A_16 = arith.constant 0 : index
    %get3A_17 = arith.constant 0 : index
    %get3A_18 = vector.load %arg3[%get3A_16, %get3A_17] : memref<2x2048xf32, #tpu.memory_space<vmem>>, vector<1x2048xf32>
    %get3A_19 = vector.shape_cast %get3A_18 : vector<1x2048xf32> to vector<2048xf32>
    %get3A_20 = arith.constant 1 : index
    %get3A_21 = arith.constant 0 : index
    %get3A_22 = vector.load %arg3[%get3A_20, %get3A_21] : memref<2x2048xf32, #tpu.memory_space<vmem>>, vector<1x2048xf32>
    %get3A_23 = vector.shape_cast %get3A_22 : vector<1x2048xf32> to vector<2048xf32>
    %add3A_24 = arith.addf %get3A_19, %get3A_23 : vector<2048xf32>
    %get3A_25 = arith.constant 0 : index
    %get3A_26 = arith.constant 0 : index
    %get3A_27 = vector.load %arg4[%get3A_25, %get3A_26] : memref<2x2048xf32, #tpu.memory_space<vmem>>, vector<1x2048xf32>
    %get3A_28 = vector.shape_cast %get3A_27 : vector<1x2048xf32> to vector<2048xf32>
    %get3A_29 = arith.constant 1 : index
    %get3A_30 = arith.constant 0 : index
    %get3A_31 = vector.load %arg4[%get3A_29, %get3A_30] : memref<2x2048xf32, #tpu.memory_space<vmem>>, vector<1x2048xf32>
    %get3A_32 = vector.shape_cast %get3A_31 : vector<1x2048xf32> to vector<2048xf32>
    %add3A_33 = arith.addf %get3A_28, %get3A_32 : vector<2048xf32>
    %stack3A = vector.shape_cast %add3A : vector<2048xf32> to vector<2048x1xf32>
    %stack3A_34 = vector.shape_cast %add3A_15 : vector<2048xf32> to vector<2048x1xf32>
    %stack3A_35 = vector.shape_cast %add3A_24 : vector<2048xf32> to vector<2048x1xf32>
    %stack3A_36 = vector.shape_cast %add3A_33 : vector<2048xf32> to vector<2048x1xf32>
    %stack3A_37 = tpu.concatenate %stack3A, %stack3A_34, %stack3A_35, %stack3A_36 in 1 : vector<2048x1xf32>, vector<2048x1xf32>, vector<2048x1xf32>, vector<2048x1xf32> -> vector<2048x4xf32>
    %get3A_38 = arith.constant 0 : index
    %get3A_39 = arith.constant 0 : index
    %get3A_40 = vector.load %arg7[%get3A_38, %get3A_39] : memref<4x64xf32, #tpu.memory_space<vmem>>, vector<4x64xf32>
    %dot_general3A = arith.constant dense<0.000000e+00> : vector<2048x64xf32>
    %dot_general3A_41 = tpu.matmul %stack3A_37, %get3A_40, %dot_general3A {dimension_numbers = #tpu.dot_dimension_numbers<[1], [0], [0], [1], [0, 0, 1, 1], [], []>, transpose_lhs_hint = false} : vector<2048x4xf32>, vector<4x64xf32>, vector<2048x64xf32> -> vector<2048x64xf32>
    %get3A_42 = arith.constant 0 : index
    %get3A_43 = vector.load %arg8[%get3A_42] : memref<64xf32, #tpu.memory_space<vmem>>, vector<64xf32>
    %broadcast_in_dim3A = vector.shape_cast %get3A_43 : vector<64xf32> to vector<1x64xf32>
    %add3A_44 = vector.broadcast %broadcast_in_dim3A : vector<1x64xf32> to vector<2048x64xf32>
    %add3A_45 = arith.addf %dot_general3A_41, %add3A_44 : vector<2048x64xf32>
    %tanh3A = math.tanh %add3A_45 : vector<2048x64xf32>
    %get3A_46 = arith.constant 0 : index
    %get3A_47 = arith.constant 0 : index
    %get3A_48 = vector.load %arg9[%get3A_46, %get3A_47] : memref<64x1xf32, #tpu.memory_space<vmem>>, vector<64x1xf32>
    %dot_general3A_49 = arith.constant dense<0.000000e+00> : vector<2048x1xf32>
    %dot_general3A_50 = tpu.matmul %tanh3A, %get3A_48, %dot_general3A_49 {dimension_numbers = #tpu.dot_dimension_numbers<[1], [0], [0], [1], [0, 0, 1, 1], [], []>, transpose_lhs_hint = false} : vector<2048x64xf32>, vector<64x1xf32>, vector<2048x1xf32> -> vector<2048x1xf32>
    %get3A_51 = arith.constant 0 : index
    %get3A_52 = vector.load %arg10[%get3A_51] : memref<1xf32, #tpu.memory_space<vmem>>, vector<1xf32>
    %broadcast_in_dim3A_53 = vector.shape_cast %get3A_52 : vector<1xf32> to vector<1x1xf32>
    %add3A_54 = vector.broadcast %broadcast_in_dim3A_53 : vector<1x1xf32> to vector<2048x1xf32>
    %add3A_55 = arith.addf %dot_general3A_50, %add3A_54 : vector<2048x1xf32>
    %get3A_56 = arith.constant 0 : index
    %get3A_57 = arith.constant 0 : index
    %get3A_58 = vector.load %arg5[%get3A_56, %get3A_57] : memref<2x2048xf32, #tpu.memory_space<vmem>>, vector<1x2048xf32>
    %get3A_59 = vector.shape_cast %get3A_58 : vector<1x2048xf32> to vector<2048xf32>
    %get3A_60 = arith.constant 1 : index
    %get3A_61 = arith.constant 0 : index
    %get3A_62 = vector.load %arg5[%get3A_60, %get3A_61] : memref<2x2048xf32, #tpu.memory_space<vmem>>, vector<1x2048xf32>
    %get3A_63 = vector.shape_cast %get3A_62 : vector<1x2048xf32> to vector<2048xf32>
    %add3A_64 = arith.addf %get3A_59, %get3A_63 : vector<2048xf32>
    %get3A_65 = arith.constant 0 : index
    %get3A_66 = arith.constant 0 : index
    %get3A_67 = vector.load %arg6[%get3A_65, %get3A_66] : memref<2x2048xf32, #tpu.memory_space<vmem>>, vector<1x2048xf32>
    %get3A_68 = vector.shape_cast %get3A_67 : vector<1x2048xf32> to vector<2048xf32>
    %get3A_69 = arith.constant 1 : index
    %get3A_70 = arith.constant 0 : index
    %get3A_71 = vector.load %arg6[%get3A_69, %get3A_70] : memref<2x2048xf32, #tpu.memory_space<vmem>>, vector<1x2048xf32>
    %get3A_72 = vector.shape_cast %get3A_71 : vector<1x2048xf32> to vector<2048xf32>
    %add3A_73 = arith.addf %get3A_68, %get3A_72 : vector<2048xf32>
    %max3A = arith.constant 1.000000e+00 : f32
    %max3A_74 = vector.broadcast %max3A : f32 to vector<2048xf32>
    %max3A_75 = arith.maximumf %add3A_73, %max3A_74 : vector<2048xf32>
    %div3A = arith.divf %add3A_64, %max3A_75 : vector<2048xf32>
    %get3A_76 = arith.constant 0 : index
    %get3A_77 = vector.load %arg11[%get3A_76] : memref<2048xf32, #tpu.memory_space<vmem>>, vector<2048xf32>
    %pow3A = arith.constant 1.000000e+01 : f32
    %pow3A_78 = vector.broadcast %pow3A : f32 to vector<2048xf32>
    %pow3A_79 = math.powf %pow3A_78, %get3A_77 : vector<2048xf32>
    %mul3A = arith.mulf %pow3A_79, %div3A : vector<2048xf32>
    %squeeze3A = vector.shape_cast %add3A_55 : vector<2048x1xf32> to vector<2048xf32>
    %mul3A_80 = arith.mulf %mul3A, %squeeze3A : vector<2048xf32>
    %neg3A = arith.constant 0.000000e+00 : f32
    %neg3A_81 = vector.broadcast %neg3A : f32 to vector<2048xf32>
    %neg3A_82 = arith.subf %neg3A_81, %mul3A_80 : vector<2048xf32>
    %mul3A_83 = arith.constant 2.000000e+00 : f32
    %mul3A_84 = vector.broadcast %mul3A_83 : f32 to vector<2048xf32>
    %mul3A_85 = arith.mulf %mul3A_84, %mul3A_80 : vector<2048xf32>
    %mul3A_86 = arith.constant -2.000000e+00 : f32
    %mul3A_87 = vector.broadcast %mul3A_86 : f32 to vector<2048xf32>
    %mul3A_88 = arith.mulf %mul3A_87, %mul3A_80 : vector<2048xf32>
    %stack3A_89 = vector.shape_cast %mul3A_80 : vector<2048xf32> to vector<1x2048xf32>
    %stack3A_90 = vector.shape_cast %neg3A_82 : vector<2048xf32> to vector<1x2048xf32>
    %stack3A_91 = vector.shape_cast %mul3A_85 : vector<2048xf32> to vector<1x2048xf32>
    %stack3A_92 = vector.shape_cast %mul3A_88 : vector<2048xf32> to vector<1x2048xf32>
    %stack3A_93 = tpu.concatenate %stack3A_89, %stack3A_90, %stack3A_91, %stack3A_92 in 0 : vector<1x2048xf32>, vector<1x2048xf32>, vector<1x2048xf32>, vector<1x2048xf32> -> vector<4x2048xf32>
    %swap3A = arith.constant 0 : index
    %swap3A_94 = arith.constant 0 : index
    %swap3A_95 = vector.load %arg12[%swap3A, %swap3A_94] : memref<4x2048xf32, #tpu.memory_space<vmem>>, vector<4x2048xf32>
    tpu.vector_store %arg12[%swap3A, %swap3A_94], %stack3A_93 {strides = array<i32>} : memref<4x2048xf32, #tpu.memory_space<vmem>>, vector<4x2048xf32>,
    return
  }
  func.func @transform_0(%arg0: i32) -> (i32, i32) {
    %c0_i32 = arith.constant 0 : i32
    %c0_i32_0 = arith.constant 0 : i32
    return %c0_i32, %arg0 : i32, i32
  }
  func.func @transform_1(%arg0: i32) -> (i32, i32) {
    %c0_i32 = arith.constant 0 : i32
    %c0_i32_0 = arith.constant 0 : i32
    return %c0_i32, %arg0 : i32, i32
  }
  func.func @transform_2(%arg0: i32) -> (i32, i32) {
    %c0_i32 = arith.constant 0 : i32
    %c0_i32_0 = arith.constant 0 : i32
    return %c0_i32, %arg0 : i32, i32
  }
  func.func @transform_3(%arg0: i32) -> (i32, i32) {
    %c0_i32 = arith.constant 0 : i32
    %c0_i32_0 = arith.constant 0 : i32
    return %c0_i32, %arg0 : i32, i32
  }
  func.func @transform_4(%arg0: i32) -> (i32, i32) {
    %c0_i32 = arith.constant 0 : i32
    %c0_i32_0 = arith.constant 0 : i32
    return %c0_i32, %arg0 : i32, i32
  }
  func.func @transform_5(%arg0: i32) -> (i32, i32) {
    %c0_i32 = arith.constant 0 : i32
    %c0_i32_0 = arith.constant 0 : i32
    return %c0_i32, %arg0 : i32, i32
  }
  func.func @transform_6(%arg0: i32) -> (i32, i32) {
    %c0_i32 = arith.constant 0 : i32
    %c0_i32_0 = arith.constant 0 : i32
    %c0_i32_1 = arith.constant 0 : i32
    return %c0_i32, %c0_i32_0 : i32, i32
  }
  func.func @transform_7(%arg0: i32) -> i32 {
    %c0_i32 = arith.constant 0 : i32
    %c0_i32_0 = arith.constant 0 : i32
    return %c0_i32 : i32
  }
  func.func @transform_8(%arg0: i32) -> (i32, i32) {
    %c0_i32 = arith.constant 0 : i32
    %c0_i32_0 = arith.constant 0 : i32
    %c0_i32_1 = arith.constant 0 : i32
    return %c0_i32, %c0_i32_0 : i32, i32
  }
  func.func @transform_9(%arg0: i32) -> i32 {
    %c0_i32 = arith.constant 0 : i32
    %c0_i32_0 = arith.constant 0 : i32
    return %c0_i32 : i32
  }
  func.func @transform_10(%arg0: i32) -> i32 {
    %c0_i32 = arith.constant 0 : i32
    return %arg0 : i32
  }
  func.func @transform_11(%arg0: i32) -> (i32, i32) {
    %c0_i32 = arith.constant 0 : i32
    %c0_i32_0 = arith.constant 0 : i32
    return %c0_i32, %arg0 : i32, i32
  }
}

module attributes {stable_mosaic.version = 14 : i64} {
  func.func @_stage_e_body(%arg0: i32, %arg1: memref<2x2048xf32, #tpu.memory_space<vmem>>, %arg2: memref<2048xf32, #tpu.memory_space<vmem>>, %arg3: memref<2048xf32, #tpu.memory_space<vmem>>) attributes {dimension_semantics = [#tpu.dimension_semantics<arbitrary>], iteration_bounds = array<i64: 49>, scalar_prefetch = 0 : i64, scratch_operands = 0 : i64, tpu.core_type = #tpu.core_type<tc>, window_params = [{transform_indices = @transform_0, window_bounds = array<i64: 2, 2048>}, {transform_indices = @transform_1, window_bounds = array<i64: 2048>}, {transform_indices = @transform_2, window_bounds = array<i64: 2048>}]} {
    %get3A = arith.constant 0 : index
    %get3A_0 = arith.constant 0 : index
    %get3A_1 = vector.load %arg1[%get3A, %get3A_0] : memref<2x2048xf32, #tpu.memory_space<vmem>>, vector<1x2048xf32>
    %get3A_2 = vector.shape_cast %get3A_1 : vector<1x2048xf32> to vector<2048xf32>
    %get3A_3 = arith.constant 1 : index
    %get3A_4 = arith.constant 0 : index
    %get3A_5 = vector.load %arg1[%get3A_3, %get3A_4] : memref<2x2048xf32, #tpu.memory_space<vmem>>, vector<1x2048xf32>
    %get3A_6 = vector.shape_cast %get3A_5 : vector<1x2048xf32> to vector<2048xf32>
    %add3A = arith.addf %get3A_2, %get3A_6 : vector<2048xf32>
    %get3A_7 = arith.constant 0 : index
    %get3A_8 = vector.load %arg2[%get3A_7] : memref<2048xf32, #tpu.memory_space<vmem>>, vector<2048xf32>
    %sub3A = arith.constant 1.000000e+00 : f32
    %sub3A_9 = vector.broadcast %sub3A : f32 to vector<2048xf32>
    %sub3A_10 = arith.subf %get3A_8, %sub3A_9 : vector<2048xf32>
    %mul3A = arith.constant 1.000000e-01 : f32
    %mul3A_11 = vector.broadcast %mul3A : f32 to vector<2048xf32>
    %mul3A_12 = arith.mulf %mul3A_11, %sub3A_10 : vector<2048xf32>
    %sub3A_13 = arith.subf %add3A, %mul3A_12 : vector<2048xf32>
    %swap3A = arith.constant 0 : index
    %swap3A_14 = vector.load %arg3[%swap3A] : memref<2048xf32, #tpu.memory_space<vmem>>, vector<2048xf32>
    tpu.vector_store %arg3[%swap3A], %sub3A_13 {strides = array<i32>} : memref<2048xf32, #tpu.memory_space<vmem>>, vector<2048xf32>,
    return
  }
  func.func @transform_0(%arg0: i32) -> (i32, i32) {
    %c0_i32 = arith.constant 0 : i32
    %c0_i32_0 = arith.constant 0 : i32
    return %c0_i32, %arg0 : i32, i32
  }
  func.func @transform_1(%arg0: i32) -> i32 {
    %c0_i32 = arith.constant 0 : i32
    return %arg0 : i32
  }
  func.func @transform_2(%arg0: i32) -> i32 {
    %c0_i32 = arith.constant 0 : i32
    return %arg0 : i32
  }
}

</mosaic_0001>

<sc_bundles>
// kernel: kernel.12.cloned.1.call-start
scs
__scs_entry_jumppad:
0x0: {  	(pc) =	sbr.rel $0x88, $3  }
0x1: {  	(tag) =	ssettag $0x0;
	lr =	simm.s32 $0x1  }
0x2: {  	[smem:$0x3F91] =	sst lr;
	_ =	strace $0xD0000000  }
0x3: {  	_ = 	snop  }
0x4: {  	_ = 	snop  }
0x5: {  	_ = 	snop  }
0x6: {  	_ = 	snop  }
0x7: {  	_ = 	snop  }
__scs_overlays_trampoline_lowered:
0x8: {  	[smem:$0x3FA0] =	sst s0  }
0x9: {  	[smem:$0x3FA1] =	sst s1  }
0xa: {  	[smem:$0x3FA2] =	sst s2  }
0xb: {  	[smem:$0x3FA3] =	sst s3  }
0xc: {  	[smem:$0x3FA4] =	sst s4  }
0xd: {  	[smem:$0x3FA5] =	sst s5  }
0xe: {  	[smem:$0x3FA6] =	sst s6  }
0xf: {  	[smem:$0x3FA7] =	sst s7  }
0x10: {  	[smem:$0x3FA8] =	sst s8  }
0x11: {  	[smem:$0x3FA9] =	sst s9;
	s0 =	simm.s32 @!p0 $0x0  }
0x12: {  	s1 =	sld [smem:$0x3F8F];
	s0 =	simm.s32 @p0 $0x1  }
0x13: {  	[smem:$0x3FAA] =	sst s0;
	s0 =	simm.s32 @!p1 $0x0  }
0x14: {  	s2 =	sld [smem:$0x3F8E];
	s0 =	simm.s32 @p1 $0x1  }
0x15: {  	[smem:$0x3FAB] =	sst s0;
	s0 =	simm.s32 @!p2 $0x0  }
0x16: {  	s3 =	sld [smem:$0x3FDB];
	s0 =	simm.s32 @p2 $0x1  }
0x17: {  	s4 =	simm.s32 $0x1BF5;
	[smem:$0x3FAD] =	sst s0  }
0x18: {  	s0 =	sld [smem:$0x3F90];
	_ =	swait.ge [sflag:s4], $0x0  }
0x19: {  	s7 =	sld [smem:$0x3F91]  }
0x1a: {  	s8 =	sadd.s32 $0xFFFFE003, lr  }
0x1b: {  	s9 =	sadd.s32 $0xFFFFFEF7, lr;
	s5 =	simm.s32 $0xFFFFFFFF;
	p2 =	slt.u32 s8, $0xFFFFF086  }
0x1c: {  	p1 =	slt.u32 s9, $0xF7A;
	s5 =	simm.s32 @!p2 $0x0  }
0x1d: {  	s5 =	simm.s32 @p1 $0x1;
	p0 =	seq.s32 s7, s2  }
0x1e: {  	s7 =	smul.u32 @!p0 $0xF7A, s2;
	p2 =	seq.s32 @!p0 s5, $0x0  }
0x1f: {  	s9 =	smul.u32 $0xF7A, s1;
	s8 =	simm.s32 @!p0 $0x1BF5;
	p2 =	por !p2, p0  }
0x20: {  	[sflag:s8] =	ssyncset.s32 @!p0 $0xFFFFF086;
	s6 =	sadd.s32 @!p0 s3, s7;
	s7 =	simm.s32 @!p0 $0x108  }
0x21: {  	s3 =	sadd.s32 s3, s9;
	s6 =	sadd.s32 @!p0 $0x88, s6;
	s7 =	simm.s32 @p2 $0x1082  }
0x22: {  	[simem:s7], [sflag:s8] =	dma.local @!p0 [hbm:s6], $0xF7A  }
0x23: {  	s9 =	sor.u32 $0xD0000000, s2;
	s6 =	simm.s32 $0x108;
	_ =	swait.ge @!p0 [sflag:s8], $0x0  }
0x24: {  	s3 =	sadd.s32 $0x88, s3;
	s6 =	simm.s32 @!p1 $0x1082;
	[sflag:s4] =	ssyncset.s32 $0xFFFFF086  }
0x25: {  	[simem:s6], [sflag:s4] =	dma.local [hbm:s3], $0xF7A  }
0x26: {  	[smem:$0x3F91] =	sst s1;
	(tag) =	ssettag s2;
	_ =	strace s9  }
0x27: {  	s1 =	sld [smem:$0x3FA1]  }
0x28: {  	s2 =	sld [smem:$0x3FA2]  }
0x29: {  	s4 =	sld [smem:$0x3FA4]  }
0x2a: {  	p0 =	seq.s32 s5, $0x0;
	s5 =	sld [smem:$0x3FA5]  }
0x2b: {  	s6 =	sld [smem:$0x3FA6]  }
0x2c: {  	s7 =	sld [smem:$0x3FA7]  }
0x2d: {  	s3 =	simm.s32 $0x108;
	s8 =	sld [smem:$0x3FA8]  }
0x2e: {  	s3 =	simm.s32 @!p0 $0x1082;
	s9 =	sld [smem:$0x3FA9]  }
0x2f: {  	lr =	sadd.s32 s0, s3;
	s0 =	sld [smem:$0x3FA0]  }
0x30: {  	s3 =	sld [smem:$0x3FA3]  }
0x31: {  	[smem:$0x3FAC] =	sst s10  }
0x32: {  	s10 =	sld [smem:$0x3FAA];
	_ =	sdelay $0x3  }
0x33: {  	p0 =	seq.s32 s10, $0x1;
	s10 =	sld [smem:$0x3FAC];
	_ =	sdelay $0x3  }
0x34: {  	[smem:$0x3FAC] =	sst s10  }
0x35: {  	s10 =	sld [smem:$0x3FAB];
	_ =	sdelay $0x3  }
0x36: {  	p1 =	seq.s32 s10, $0x1;
	s10 =	sld [smem:$0x3FAC];
	_ =	sdelay $0x3  }
0x37: {  	[smem:$0x3FAC] =	sst s10  }
0x38: {  	s10 =	sld [smem:$0x3FAD]  }
0x39: {  	_ = 	snop;
	(pc) =	sbr.ind lr, $3  }
0x3a: {  	_ = 	snop  }
0x3b: {  	_ = 	snop  }
0x3c: {  	p2 =	seq.s32 s10, $0x1;
	s10 =	sld [smem:$0x3FAC]  }
0x3d: {  	_ =	shalt  }
0x3e: {  	_ =	shalt  }
0x3f: {  	_ =	shalt  }
0x40: {  	_ =	shalt  }
0x41: {  	_ =	shalt  }
0x42: {  	_ =	shalt  }
0x43: {  	_ =	shalt  }
0x44: {  	_ =	shalt  }
0x45: {  	_ =	shalt  }
0x46: {  	_ =	shalt  }
0x47: {  	_ =	shalt  }
0x48: {  	_ =	shalt  }
0x49: {  	_ =	shalt  }
0x4a: {  	_ =	shalt  }
0x4b: {  	_ =	shalt  }
0x4c: {  	_ =	shalt  }
0x4d: {  	_ =	shalt  }
0x4e: {  	_ =	shalt  }
0x4f: {  	_ =	shalt  }
0x50: {  	_ =	shalt  }
0x51: {  	_ =	shalt  }
0x52: {  	_ =	shalt  }
0x53: {  	_ =	shalt  }
0x54: {  	_ =	shalt  }
0x55: {  	_ =	shalt  }
0x56: {  	_ =	shalt  }
0x57: {  	_ =	shalt  }
0x58: {  	_ =	shalt  }
0x59: {  	_ =	shalt  }
0x5a: {  	_ =	shalt  }
0x5b: {  	_ =	shalt  }
0x5c: {  	_ =	shalt  }
0x5d: {  	_ =	shalt  }
0x5e: {  	_ =	shalt  }
0x5f: {  	_ =	shalt  }
0x60: {  	_ =	shalt  }
0x61: {  	_ =	shalt  }
0x62: {  	_ =	shalt  }
0x63: {  	_ =	shalt  }
0x64: {  	_ =	shalt  }
0x65: {  	_ =	shalt  }
0x66: {  	_ =	shalt  }
0x67: {  	_ =	shalt  }
0x68: {  	_ =	shalt  }
0x69: {  	_ =	shalt  }
0x6a: {  	_ =	shalt  }
0x6b: {  	_ =	shalt  }
0x6c: {  	_ =	shalt  }
0x6d: {  	_ =	shalt  }
0x6e: {  	_ =	shalt  }
0x6f: {  	_ =	shalt  }
0x70: {  	_ =	shalt  }
0x71: {  	_ =	shalt  }
0x72: {  	_ =	shalt  }
0x73: {  	_ =	shalt  }
0x74: {  	_ =	shalt  }
0x75: {  	_ =	shalt  }
0x76: {  	_ =	shalt  }
0x77: {  	_ =	shalt  }
0x78: {  	_ =	shalt  }
0x79: {  	_ =	shalt  }
0x7a: {  	_ =	shalt  }
0x7b: {  	_ =	shalt  }
0x7c: {  	_ =	shalt  }
0x7d: {  	_ =	shalt  }
0x7e: {  	_ =	shalt  }
0x7f: {  	_ =	shalt  }
0x80: {  	_ =	shalt  }
0x81: {  	_ =	shalt  }
0x82: {  	_ =	shalt  }
0x83: {  	_ =	shalt  }
0x84: {  	_ =	shalt  }
0x85: {  	_ =	shalt  }
0x86: {  	_ =	shalt  }
0x87: {  	_ =	shalt  }
.Lfunc_end0:
.L_simem_size_0:
called_computation.1_lowered:
.L_overlay_start_0:
0x88: {  	s2 =	sld [smem:$0x3FD9]  }
0x89: {  	s3 =	sld [smem:$0x3FFE];
	_ =	sdelay $0x1  }
0x8a: {  	s1 =	srdreg.scid  }
0x8b: {  	s0 =	sand.u32 $0x1, s1  }
0x8c: {  	s17 =	sshll.u32 s0, $0xA;
	s2 =	sadd.s32 s3, s2  }
0x8d: {  	s2 =	sadd.s32 s2, s17  }
0x8e: {  	[smem:$0x3FB8] =	sst s2  }
0x8f: {  	_ = 	snop  }
0x90: {  	s2 =	sld [smem:$0x3FD0];
	(tm) =	ssettm $0x1  }
0x91: {  	s18 =	sld [smem:$0x3FFB];
	_ =	sdelay $0x3  }
0x92: {  	_ =	strace s18  }
0x93: {  	s3 =	sld [smem:$0x3FFC];
	_ =	sdelay $0x3  }
0x94: {  	_ =	strace s3  }
0x95: {  	s3 =	sld [smem:$0x3FFD];
	_ =	sdelay $0x3  }
0x96: {  	_ =	strace s3  }
0x97: {  	_ =	strace $0x8FFFFFFF  }
0x98: {  	s19 =	sld [smem:$0x3FDB];
	_ =	sdelay $0x1  }
0x99: {  	s4 =	simm.s32 $_scs_section_size  }
0x9a: {  	s5 =	simm.s32 $_size__tile_overlayer_lowered;
	s6 =	simm.s32 $_tile_overlayer_lowered  }
0x9b: {  	s22 =	simm.s32 $0x1BFF;
	s21 =	sshll.u32 s6, $0x1;
	s3 =	sadd.s32 s4, s19  }
0x9c: {  	s7 =	simm.s32 $0x0;
	s20 =	sshll.u32 s5, $0x1;
	s5 =	sadd.s32 s21, s3  }
0x9d: {  	[timem:s7], [sflag:s22] =	dma.local [hbm:s5], s20  }
0x9e: {  	_ =	swait.ge [sflag:s22], s20  }
0x9f: {  	s4 =	ssub.s32 $0x0, s20;
	[sflag:s22] =	ssyncset.done $0x0  }
0xa0: {  	[sflag:s22] =	ssyncadd.s32 s4;
	_ =	sdelay $0x1  }
0xa1: {  	s23 =	simm.s32 $0x1B8B  }
0xa2: {  	_ =	swait.ge [sflag:s23], $0x1  }
0xa3: {  	[sflag:s23] =	ssyncset.done $0x0  }
0xa4: {  	s25 =	simm.s32 $0x1B8E;
	s24 =	sld [smem:$0x3FFE];
	[sflag:s23] =	ssyncadd.s32 $0xFFFFFFFF  }
0xa5: {  	s26 =	simm.s32 $execute0_lowered;
	[smem:$0x3FD2] =	sst s25  }
0xa6: {  	s5 =	sshll.u32 s26, $0x1;
	_ =	strace $0x80000049;
	[dreg:$0x1] =	wrdreg $0xFFFFFFFF  }
0xa7: {  	s28 =	simm.s32 $_size_execute0_lowered;
	s3 =	sadd.s32 s3, s5;
	[dreg:$0x0] =	wrdreg $0x0  }
0xa8: {  	s5 =	sshll.u32 s28, $0x1;
	[dreg:$0x2] =	wrdreg s3  }
0xa9: {  	[dreg:$0x3] =	wrdreg s5  }
0xaa: {  	[dreg:$0x4] =	wrdreg $0xC0  }
0xab: {  	_ =	task [dreg:s7], $0x5FFFF  }
0xac: {  	[dreg:$0x1] =	wrdreg $0xFFFFFFFF  }
0xad: {  	[dreg:$0x0] =	wrdreg $0x60  }
0xae: {  	[dreg:$0x2] =	wrdreg s24  }
0xaf: {  	[dreg:$0x3] =	wrdreg s2  }
0xb0: {  	[dreg:$0x4] =	wrdreg $0x0  }
0xb1: {  	[dreg:$0x5] =	wrdreg $0x62000  }
0xb2: {  	[dreg:$0x6] =	wrdreg $0x9  }
0xb3: {  	_ =	task.clear_ibuf [dreg:s7], $0x7FFFF;
	_ =	strace $0x90000049  }
0xb4: {  	s29 =	simm.s32 $0x9;
	_ =	strace $0x8000004B  }
0xb5: {  	_ =	swait.ge [sflag:s29], $0x1  }
0xb6: {  	[sflag:s29] =	ssyncadd.s32 $0xFFFFFFFF  }
0xb7: {  	_ =	strace $0x9000004B  }
0xb8: {  	_ =	sfence  }
0xb9: {  	s30 =	sld [smem:$0x0];
	_ =	sdelay $0x2  }
0xba: {  	s31 =	sshll.u32 s1, $0xD;
	s1 =	sshrl.u32 s1, $0x2  }
0xbb: {  	s3 =	sand.u32 $0x4000, s31;
	s1 =	sadd.s32 s1, s30  }
0xbc: {  	s0 =	sor.u32 s3, s0;
	s1 =	sshll.u32 s1, $0x11  }
0xbd: {  	s0 =	sor.u32 s1, s0  }
0xbe: {  	s0 =	sadd.s32 $0x8F2B, s0  }
0xbf: {  	[sflag:s0] =	ssyncadd.remote.s32 $0x1  }
0xc0: {  	_ =	sfence.sel $0xFFFF  }
0xc1: {  	[dreg:$0x0] =	wrdreg $0xFFFFFFFF;
	(pc) =	sbr.abs _section_cstart, $3  }
0xc2: {  	[dreg:$0x1] =	wrdreg $0xFFFFFFFF  }
0xc3: {  	_ =	task.clear_ibuf [dreg:s7], $0x2FFFF;
	_ =	strace $0x9FFFFFFF  }
0xc4: {  	(tm) =	ssettm $0x7FFFFFFF  }
0xc5: {  	_ =	shalt  }
tec
execute0_lowered:
.L_overlay_start_1:
0x0: {  	(tag) =	ssettag $0x1  }
0x1: {  	s0 =	rddreg [dreg:$0x0]  }
0x2: {  	s3 =	rddreg [dreg:$0x2]  }
0x3: {  	s4 =	rddreg [dreg:$0x3];
	s5 =	simm.s32 $0x0  }
0x4: {  	s13 =	stileid.u32;
	s2 =	srdreg.scid;
	s28 =	simm.s32 $0x7C00  }
0x5: {  	s29 =	simm.s32 $0x7E00;
	s30 =	simm.s32 $0x1;
	s31 =	simm.s32 $0x80  }
0x6: {  	[smem:$0x7FF] =	sst s5;
	s1 =	smul.u32 $0x6200, s13;
	s2 =	sand.u32 $0x1, s2  }
0x7: {  	s7 =	smul.u32 $0x3100, s13;
	s8 =	sadd.s32 $0xDA600, s0;
	s10 =	sadd.s32 $0x13D600, s0  }
0x8: {  	s12 =	sshll.u32 s13, $0x1;
	s26 =	sshll.u32 s13, $0x6;
	_ =	strace $0x8000004A  }
0x9: {  	s9 =	sshll.u32 s2, $0x7;
	s24 =	ssub.s32 $0x2, s2;
	s25 =	sor.u32 s2, s12  }
0xa: {  	s19 =	sor.u32 $0x1C0D, s26;
	s2 =	smul.u32 $0x3100, s2;
	s12 =	simm.s32 $0x6  }
0xb: {  	s6 =	sshrl.u32 s1, $0x3;
	s7 =	sor.u32 s9, s7;
	s11 =	sshrl.u32 s24, $0x1  }
0xc: {  	s9 =	smul.u32 $0x3100, s25;
	s13 =	sshrl.u32 s1, $0x2;
	s23 =	sadd.s32 s1, s10  }
0xd: {  	[dreg:$0x8] =	wrdreg s19;
	s6 =	sadd.s32 s6, s0;
	s7 =	sshrl.u32 s7, $0x3  }
0xe: {  	s0 =	sadd.s32 s7, s0;
	s7 =	ssub.s32 s24, s11;
	s11 =	sadd.s32 s1, s3  }
0xf: {  	s6 =	sadd.s32 $0x3E00, s6;
	s14 =	sadd.s32 s8, s9;
	s15 =	sor.u32 $0x10, s9  }
0x10: {  	s16 =	sadd.s32 s10, s9;
	s18 =	sor.u32 $0x20, s9;
	[dreg:$0x7] =	wrdreg s6  }
0x11: {  	s22 =	sor.u32 $0x30, s9;
	s9 =	sadd.s32 s2, s23;
	[dreg:$0xa] =	wrdreg s14  }
0x12: {  	s1 =	sadd.s32 s1, s8;
	s23 =	simm.s32 $0x7C80;
	[dreg:$0xb] =	wrdreg s16  }
0x13: {  	s6 =	sadd.s32 s13, s4;
	s17 =	sadd.s32 s8, s15;
	[dreg:$0x5] =	wrdreg s9  }
0x14: {  	s20 =	sadd.s32 s8, s18;
	s21 =	sadd.s32 s10, s18;
	[dreg:$0x9] =	wrdreg s6  }
0x15: {  	s24 =	sadd.s32 s8, s22;
	s1 =	sadd.s32 s2, s1;
	[dreg:$0xc] =	wrdreg s17  }
0x16: {  	s0 =	sadd.s32 $0x10200, s0;
	s25 =	smax.u32 s7, $0x1;
	[dreg:$0xe] =	wrdreg s20  }
0x17: {  	s26 =	sshrl.u32 s11, $0x3;
	s2 =	simm.s32 $0x2;
	[dreg:$0xf] =	wrdreg s21  }
0x18: {  	s8 =	simm.s32 $0x7F80;
	s9 =	simm.s32 $0x4;
	[dreg:$0x10] =	wrdreg s24  }
0x19: {  	s11 =	simm.s32 $0x5;
	s13 =	simm.s32 $0x7;
	[dreg:$0x12] =	wrdreg s0  }
0x1a: {  	s14 =	simm.s32 $0x8;
	s16 =	simm.s32 $0xA;
	[dreg:$0x13] =	wrdreg s25  }
0x1b: {  	s18 =	simm.s32 $0xC;
	s6 =	sadd.s32 s10, s15;
	[dreg:$0x6] =	wrdreg s1  }
0x1c: {  	[dreg:$0x14] =	wrdreg s26;
	s21 =	simm.s32 $0xD;
	s0 =	simm.s32 $0x7E80  }
0x1d: {  	s1 =	simm.s32 $0x7F00;
	s15 =	simm.s32 $0x9;
	s17 =	simm.s32 $0xB  }
0x1e: {  	s20 =	simm.s32 $0x0;
	s25 =	simm.s32 $0x7D00;
	s26 =	simm.s32 $0x7B80  }
0x1f: {  	[dreg:$0xd] =	wrdreg s6;
	s6 =	sadd.s32 s10, s22;
	s22 =	simm.s32 $0x7A80  }
0x20: {  	s10 =	simm.s32 $0x8000;
	[dreg:$0x11] =	wrdreg s6;
	s6 =	simm.s32 $0x3  }
.LBB2_1:
0x21: {  	[dreg:$0x15] =	wrdreg s20  }
0x22: {  	s7 =	rddreg [dreg:$0x7]  }
0x23: {  	s24 =	rddreg [dreg:$0x14]  }
0x24: {  	[spmem:s24], [sflag:s19] =	dma.local [hbm:s7], $0xC40  }
0x25: {  	_ =	swait.ge [sflag:s21], $0xC40  }
0x26: {  	[sflag:s21] =	ssyncset.done $0x0  }
0x27: {  	s24 =	rddreg [dreg:$0x9];
	[sflag:s21] =	ssyncadd.s32 $0xFFFFF3C0  }
0x28: {  	s7 =	sshrl.u32 s24, $0x3;
	s24 =	rddreg [dreg:$0x1]  }
0x29: {  	[dreg:$0x16] =	wrdreg s7  }
0x2a: {  	[spmem:s7], [sflag:s19] =	dma.local [hbm:s24], $0x310  }
0x2b: {  	_ =	swait.ge [sflag:s21], $0x310  }
0x2c: {  	[sflag:s21] =	ssyncset.done $0x0  }
0x2d: {  	[sflag:s21] =	ssyncadd.s32 $0xFFFFFCF0  }
0x2e: {  	[bflag:$0x0] =	sbarrier.arrive $0xFFFF  }
0x2f: {  	s24 =	rddreg [dreg:$0xa]  }
0x30: {  	[tilespmem:s22], [sflag:$0x1] =	stream.linear.gather [hbm4b:s24+s5], $0x80, $0x38;
	[tilespmem:$0x8080] =	vst v63  }
0x31: {  	s19 =	rddreg [dreg:$0xb]  }
0x32: {  	[tilespmem:s23], [sflag:$0x1] =	stream.linear.gather [hbm4b:s19+s5], $0x80, $0x38;
	[tilespmem:$0x8080] =	vst v63  }
0x33: {  	s20 =	rddreg [dreg:$0xc];
	s24 =	simm.s32 $0x7B00  }
0x34: {  	[tilespmem:s24], [sflag:$0x2] =	stream.linear.gather [hbm4b:s20+s5], $0x80, $0x38;
	[tilespmem:$0x8080] =	vst v63  }
0x35: {  	s21 =	rddreg [dreg:$0xd]  }
0x36: {  	[tilespmem:s25], [sflag:$0x2] =	stream.linear.gather [hbm4b:s21+s5], $0x80, $0x38;
	[tilespmem:$0x8080] =	vst v63  }
0x37: {  	s19 =	rddreg [dreg:$0xe]  }
0x38: {  	[tilespmem:s26], [sflag:$0x3] =	stream.linear.gather [hbm4b:s19+s5], $0x80, $0x38;
	[tilespmem:$0x8080] =	vst v63  }
0x39: {  	s20 =	rddreg [dreg:$0xf];
	s21 =	simm.s32 $0x7D80  }
0x3a: {  	[tilespmem:s21], [sflag:$0x3] =	stream.linear.gather [hbm4b:s20+s5], $0x80, $0x38;
	[tilespmem:$0x8080] =	vst v63  }
0x3b: {  	s19 =	rddreg [dreg:$0x10]  }
0x3c: {  	[tilespmem:s28], [sflag:$0x4] =	stream.linear.gather [hbm4b:s19+s5], $0x80, $0x38;
	[tilespmem:$0x8080] =	vst v63  }
0x3d: {  	s20 =	rddreg [dreg:$0x11]  }
0x3e: {  	[tilespmem:s29], [sflag:$0x4] =	stream.linear.gather [hbm4b:s20+s5], $0x80, $0x38;
	[tilespmem:$0x8080] =	vst v63  }
0x3f: {  	_ =	swait.ge [sflag:s30], $0x80  }
0x40: {  	[sflag:s30] =	ssyncset.done $0x0  }
0x41: {  	[sflag:s30] =	ssyncadd.s32 $0xFFFFFF80  }
0x42: {  	_ =	swait.ge [sflag:s30], $0x80  }
0x43: {  	[sflag:s30] =	ssyncset.done $0x0  }
0x44: {  	[sflag:s30] =	ssyncadd.s32 $0xFFFFFF80  }
0x45: {  	[tilespmem:s0], [sflag:$0x5] =	stream.indirect.gather [spmem:s3], $0x1, s22, s31, $0xb8;
	[tilespmem:$0x8080] =	vst v63  }
0x46: {  	_ =	swait.ge [sflag:s2], $0x80  }
0x47: {  	[sflag:s2] =	ssyncset.done $0x0  }
0x48: {  	[sflag:s2] =	ssyncadd.s32 $0xFFFFFF80  }
0x49: {  	_ =	swait.ge [sflag:s2], $0x80  }
0x4a: {  	[sflag:s2] =	ssyncset.done $0x0  }
0x4b: {  	[sflag:s2] =	ssyncadd.s32 $0xFFFFFF80  }
0x4c: {  	[tilespmem:s1], [sflag:$0x6] =	stream.indirect.gather [spmem:s3], $0x1, s24, s31, $0xb8;
	[tilespmem:$0x8080] =	vst v63  }
0x4d: {  	_ =	swait.ge [sflag:s6], $0x80  }
0x4e: {  	[sflag:s6] =	ssyncset.done $0x0  }
0x4f: {  	[sflag:s6] =	ssyncadd.s32 $0xFFFFFF80  }
0x50: {  	_ =	swait.ge [sflag:s6], $0x80  }
0x51: {  	[sflag:s6] =	ssyncset.done $0x0  }
0x52: {  	[sflag:s6] =	ssyncadd.s32 $0xFFFFFF80  }
0x53: {  	[tilespmem:s8], [sflag:$0x7] =	stream.indirect.gather [spmem:s3], $0x1, s26, s31, $0xb8;
	[tilespmem:$0x8080] =	vst v63  }
0x54: {  	_ =	swait.ge [sflag:s9], $0x80  }
0x55: {  	[sflag:s9] =	ssyncset.done $0x0  }
0x56: {  	[sflag:s9] =	ssyncadd.s32 $0xFFFFFF80  }
0x57: {  	_ =	swait.ge [sflag:s9], $0x80  }
0x58: {  	[sflag:s9] =	ssyncset.done $0x0  }
0x59: {  	[sflag:s9] =	ssyncadd.s32 $0xFFFFFF80  }
0x5a: {  	[tilespmem:s10], [sflag:$0x8] =	stream.indirect.gather [spmem:s3], $0x1, s28, s31, $0xb8;
	[tilespmem:$0x8080] =	vst v63  }
0x5b: {  	_ =	swait.ge [sflag:s11], $0x80  }
0x5c: {  	[sflag:s11] =	ssyncset.done $0x0  }
0x5d: {  	[sflag:s11] =	ssyncadd.s32 $0xFFFFFF80  }
0x5e: {  	[spmem:s4] =	stream.indirect.scatter.add.f32 [tilespmem:s0], [sflag:$0x9], $0x1, s23, s31, $0xb8;
	[tilespmem:$0x8080] =	vst v63  }
0x5f: {  	_ =	swait.ge [sflag:s12], $0x80  }
0x60: {  	[sflag:s12] =	ssyncset.done $0x0  }
0x61: {  	[sflag:s12] =	ssyncadd.s32 $0xFFFFFF80  }
0x62: {  	[spmem:s4] =	stream.indirect.scatter.add.f32 [tilespmem:s1], [sflag:$0xA], $0x1, s25, s31, $0xb8;
	[tilespmem:$0x8080] =	vst v63  }
0x63: {  	_ =	swait.ge [sflag:s13], $0x80  }
0x64: {  	[sflag:s13] =	ssyncset.done $0x0  }
0x65: {  	[sflag:s13] =	ssyncadd.s32 $0xFFFFFF80  }
0x66: {  	[spmem:s4] =	stream.indirect.scatter.add.f32 [tilespmem:s8], [sflag:$0xB], $0x1, s21, s31, $0xb8;
	[tilespmem:$0x8080] =	vst v63  }
0x67: {  	_ =	swait.ge [sflag:s14], $0x80  }
0x68: {  	[sflag:s14] =	ssyncset.done $0x0  }
0x69: {  	[sflag:s14] =	ssyncadd.s32 $0xFFFFFF80  }
0x6a: {  	[spmem:s4] =	stream.indirect.scatter.add.f32 [tilespmem:s10], [sflag:$0xC], $0x1, s29, s31, $0xb8;
	[tilespmem:$0x8080] =	vst v63  }
0x6b: {  	_ =	swait.ge [sflag:s15], $0x80  }
0x6c: {  	s19 =	rddreg [dreg:$0x6]  }
0x6d: {  	s20 =	rddreg [dreg:$0x5];
	[sflag:s15] =	ssyncset.done $0x0;
	s7 =	sadd.s32 $0x0, s19  }
0x6e: {  	[sflag:s15] =	ssyncadd.s32 $0xFFFFFF80;
	s20 =	sadd.s32 $0x0, s20;
	s19 =	sadd.s32 $0x40, s7  }
0x6f: {  	[tilespmem:s22], [sflag:$0x1] =	stream.linear.gather [hbm4b:s19+s5], $0x80, $0x38;
	[tilespmem:$0x8080] =	vst v63  }
0x70: {  	s19 =	sadd.s32 $0x40, s20  }
0x71: {  	[tilespmem:s23], [sflag:$0x1] =	stream.linear.gather [hbm4b:s19+s5], $0x80, $0x38;
	[tilespmem:$0x8080] =	vst v63  }
0x72: {  	_ =	swait.ge [sflag:s16], $0x80  }
0x73: {  	[sflag:s16] =	ssyncset.done $0x0  }
0x74: {  	s19 =	sadd.s32 $0x50, s7;
	[sflag:s16] =	ssyncadd.s32 $0xFFFFFF80  }
0x75: {  	[tilespmem:s24], [sflag:$0x2] =	stream.linear.gather [hbm4b:s19+s5], $0x80, $0x38;
	[tilespmem:$0x8080] =	vst v63  }
0x76: {  	s19 =	sadd.s32 $0x50, s20  }
0x77: {  	[tilespmem:s25], [sflag:$0x2] =	stream.linear.gather [hbm4b:s19+s5], $0x80, $0x38;
	[tilespmem:$0x8080] =	vst v63  }
0x78: {  	_ =	swait.ge [sflag:s17], $0x80  }
0x79: {  	[sflag:s17] =	ssyncset.done $0x0  }
0x7a: {  	s19 =	sadd.s32 $0x60, s7;
	[sflag:s17] =	ssyncadd.s32 $0xFFFFFF80  }
0x7b: {  	[tilespmem:s26], [sflag:$0x3] =	stream.linear.gather [hbm4b:s19+s5], $0x80, $0x38;
	[tilespmem:$0x8080] =	vst v63  }
0x7c: {  	s19 =	sadd.s32 $0x60, s20  }
0x7d: {  	[tilespmem:s21], [sflag:$0x3] =	stream.linear.gather [hbm4b:s19+s5], $0x80, $0x38;
	[tilespmem:$0x8080] =	vst v63  }
0x7e: {  	_ =	swait.ge [sflag:s18], $0x80  }
0x7f: {  	[sflag:s18] =	ssyncset.done $0x0  }
0x80: {  	s7 =	sadd.s32 $0x70, s7;
	[sflag:s18] =	ssyncadd.s32 $0xFFFFFF80  }
0x81: {  	[tilespmem:s28], [sflag:$0x4] =	stream.linear.gather [hbm4b:s7+s5], $0x80, $0x38;
	[tilespmem:$0x8080] =	vst v63  }
0x82: {  	s20 =	sadd.s32 $0x70, s20;
	s7 =	simm.s32 $0x40  }
.LBB2_2:
0x83: {  	[tilespmem:s29], [sflag:$0x4] =	stream.linear.gather [hbm4b:s20+s5], $0x80, $0x38;
	[tilespmem:$0x8080] =	vst v63  }
0x84: {  	_ =	swait.ge [sflag:s30], $0x80  }
0x85: {  	[sflag:s30] =	ssyncset.done $0x0  }
0x86: {  	[sflag:s30] =	ssyncadd.s32 $0xFFFFFF80  }
0x87: {  	_ =	swait.ge [sflag:s30], $0x80  }
0x88: {  	[sflag:s30] =	ssyncset.done $0x0  }
0x89: {  	[sflag:s30] =	ssyncadd.s32 $0xFFFFFF80  }
0x8a: {  	[tilespmem:s0], [sflag:$0x5] =	stream.indirect.gather [spmem:s3], $0x1, s22, s31, $0xb8;
	[tilespmem:$0x8080] =	vst v63  }
0x8b: {  	_ =	swait.ge [sflag:s2], $0x80  }
0x8c: {  	[sflag:s2] =	ssyncset.done $0x0  }
0x8d: {  	[sflag:s2] =	ssyncadd.s32 $0xFFFFFF80  }
0x8e: {  	_ =	swait.ge [sflag:s2], $0x80  }
0x8f: {  	[sflag:s2] =	ssyncset.done $0x0  }
0x90: {  	[sflag:s2] =	ssyncadd.s32 $0xFFFFFF80  }
0x91: {  	[tilespmem:s1], [sflag:$0x6] =	stream.indirect.gather [spmem:s3], $0x1, s24, s31, $0xb8;
	[tilespmem:$0x8080] =	vst v63  }
0x92: {  	_ =	swait.ge [sflag:s6], $0x80  }
0x93: {  	[sflag:s6] =	ssyncset.done $0x0  }
0x94: {  	[sflag:s6] =	ssyncadd.s32 $0xFFFFFF80  }
0x95: {  	_ =	swait.ge [sflag:s6], $0x80  }
0x96: {  	[sflag:s6] =	ssyncset.done $0x0  }
0x97: {  	[sflag:s6] =	ssyncadd.s32 $0xFFFFFF80  }
0x98: {  	[tilespmem:s8], [sflag:$0x7] =	stream.indirect.gather [spmem:s3], $0x1, s26, s31, $0xb8;
	[tilespmem:$0x8080] =	vst v63  }
0x99: {  	_ =	swait.ge [sflag:s9], $0x80  }
0x9a: {  	[sflag:s9] =	ssyncset.done $0x0  }
0x9b: {  	[sflag:s9] =	ssyncadd.s32 $0xFFFFFF80  }
0x9c: {  	_ =	swait.ge [sflag:s9], $0x80  }
0x9d: {  	[sflag:s9] =	ssyncset.done $0x0  }
0x9e: {  	[sflag:s9] =	ssyncadd.s32 $0xFFFFFF80  }
0x9f: {  	[tilespmem:s10], [sflag:$0x8] =	stream.indirect.gather [spmem:s3], $0x1, s28, s31, $0xb8;
	[tilespmem:$0x8080] =	vst v63  }
0xa0: {  	_ =	swait.ge [sflag:s11], $0x80  }
0xa1: {  	[sflag:s11] =	ssyncset.done $0x0  }
0xa2: {  	[sflag:s11] =	ssyncadd.s32 $0xFFFFFF80  }
0xa3: {  	[spmem:s4] =	stream.indirect.scatter.add.f32 [tilespmem:s0], [sflag:$0x9], $0x1, s23, s31, $0xb8;
	[tilespmem:$0x8080] =	vst v63  }
0xa4: {  	_ =	swait.ge [sflag:s12], $0x80  }
0xa5: {  	[sflag:s12] =	ssyncset.done $0x0  }
0xa6: {  	[sflag:s12] =	ssyncadd.s32 $0xFFFFFF80  }
0xa7: {  	[spmem:s4] =	stream.indirect.scatter.add.f32 [tilespmem:s1], [sflag:$0xA], $0x1, s25, s31, $0xb8;
	[tilespmem:$0x8080] =	vst v63  }
0xa8: {  	_ =	swait.ge [sflag:s13], $0x80  }
0xa9: {  	[sflag:s13] =	ssyncset.done $0x0  }
0xaa: {  	[sflag:s13] =	ssyncadd.s32 $0xFFFFFF80  }
0xab: {  	[spmem:s4] =	stream.indirect.scatter.add.f32 [tilespmem:s8], [sflag:$0xB], $0x1, s21, s31, $0xb8;
	[tilespmem:$0x8080] =	vst v63  }
0xac: {  	_ =	swait.ge [sflag:s14], $0x80  }
0xad: {  	[sflag:s14] =	ssyncset.done $0x0  }
0xae: {  	[sflag:s14] =	ssyncadd.s32 $0xFFFFFF80  }
0xaf: {  	[spmem:s4] =	stream.indirect.scatter.add.f32 [tilespmem:s10], [sflag:$0xC], $0x1, s29, s31, $0xb8;
	[tilespmem:$0x8080] =	vst v63  }
0xb0: {  	_ =	swait.ge [sflag:s15], $0x80  }
0xb1: {  	s20 =	smov.u32 s7;
	s23 =	simm.s32 $0x7A80;
	s19 =	rddreg [dreg:$0x6]  }
0xb2: {  	s21 =	rddreg [dreg:$0x5];
	[sflag:s15] =	ssyncset.done $0x0;
	s19 =	sadd.s32 s20, s19  }
0xb3: {  	[sflag:s15] =	ssyncadd.s32 $0xFFFFFF80;
	s20 =	sadd.s32 s20, s21;
	s22 =	sadd.s32 $0x40, s19  }
0xb4: {  	[tilespmem:s23], [sflag:$0x1] =	stream.linear.gather [hbm4b:s22+s5], $0x80, $0x38;
	[tilespmem:$0x8080] =	vst v63  }
0xb5: {  	s21 =	sadd.s32 $0x40, s20;
	s23 =	simm.s32 $0x7C80  }
0xb6: {  	[tilespmem:s23], [sflag:$0x1] =	stream.linear.gather [hbm4b:s21+s5], $0x80, $0x38;
	[tilespmem:$0x8080] =	vst v63  }
0xb7: {  	_ =	swait.ge [sflag:s16], $0x80  }
0xb8: {  	[sflag:s16] =	ssyncset.done $0x0  }
0xb9: {  	s21 =	sadd.s32 $0x50, s19;
	[sflag:s16] =	ssyncadd.s32 $0xFFFFFF80  }
0xba: {  	[tilespmem:s24], [sflag:$0x2] =	stream.linear.gather [hbm4b:s21+s5], $0x80, $0x38;
	[tilespmem:$0x8080] =	vst v63  }
0xbb: {  	s21 =	sadd.s32 $0x50, s20  }
0xbc: {  	[tilespmem:s25], [sflag:$0x2] =	stream.linear.gather [hbm4b:s21+s5], $0x80, $0x38;
	[tilespmem:$0x8080] =	vst v63  }
0xbd: {  	_ =	swait.ge [sflag:s17], $0x80  }
0xbe: {  	[sflag:s17] =	ssyncset.done $0x0  }
0xbf: {  	s21 =	sadd.s32 $0x60, s19;
	[sflag:s17] =	ssyncadd.s32 $0xFFFFFF80  }
0xc0: {  	[tilespmem:s26], [sflag:$0x3] =	stream.linear.gather [hbm4b:s21+s5], $0x80, $0x38;
	[tilespmem:$0x8080] =	vst v63  }
0xc1: {  	p0 =	sne.s32 s7, $0x30C0;
	s28 =	simm.s32 $0x7D80;
	s21 =	sadd.s32 $0x60, s20  }
0xc2: {  	[tilespmem:s28], [sflag:$0x3] =	stream.linear.gather [hbm4b:s21+s5], $0x80, $0x38;
	[tilespmem:$0x8080] =	vst v63  }
.Ltmp0:
0xc3: {  	_ = 	snop;
	(pc) =	sbr.rel @p0 .LBB2_2-.Ltmp0, $4  }
0xc4: {  	s7 =	sadd.s32 $0x40, s7;
	s22 =	simm.s32 $0x7A80;
	_ =	swait.ge [sflag:s18], $0x80  }
0xc5: {  	s19 =	sadd.s32 $0x70, s19;
	s20 =	sadd.s32 $0x70, s20;
	[sflag:s18] =	ssyncset.done $0x0  }
0xc6: {  	s28 =	simm.s32 $0x7C00;
	s21 =	simm.s32 $0x7D80;
	[sflag:s18] =	ssyncadd.s32 $0xFFFFFF80  }
0xc7: {  	[tilespmem:s28], [sflag:$0x4] =	stream.linear.gather [hbm4b:s19+s5], $0x80, $0x38;
	[tilespmem:$0x8080] =	vst v63  }
0xc8: {  	[tilespmem:s29], [sflag:$0x4] =	stream.linear.gather [hbm4b:s20+s5], $0x80, $0x38;
	[tilespmem:$0x8080] =	vst v63  }
0xc9: {  	_ =	swait.ge [sflag:s30], $0x80  }
0xca: {  	[sflag:s30] =	ssyncset.done $0x0  }
0xcb: {  	[sflag:s30] =	ssyncadd.s32 $0xFFFFFF80  }
0xcc: {  	_ =	swait.ge [sflag:s30], $0x80  }
0xcd: {  	[sflag:s30] =	ssyncset.done $0x0  }
0xce: {  	[sflag:s30] =	ssyncadd.s32 $0xFFFFFF80  }
0xcf: {  	_ =	swait.ge [sflag:s2], $0x80  }
0xd0: {  	[sflag:s2] =	ssyncset.done $0x0  }
0xd1: {  	[sflag:s2] =	ssyncadd.s32 $0xFFFFFF80  }
0xd2: {  	_ =	swait.ge [sflag:s2], $0x80  }
0xd3: {  	[sflag:s2] =	ssyncset.done $0x0  }
0xd4: {  	[sflag:s2] =	ssyncadd.s32 $0xFFFFFF80  }
0xd5: {  	_ =	swait.ge [sflag:s6], $0x80  }
0xd6: {  	[sflag:s6] =	ssyncset.done $0x0  }
0xd7: {  	[sflag:s6] =	ssyncadd.s32 $0xFFFFFF80  }
0xd8: {  	_ =	swait.ge [sflag:s6], $0x80  }
0xd9: {  	[sflag:s6] =	ssyncset.done $0x0  }
0xda: {  	[sflag:s6] =	ssyncadd.s32 $0xFFFFFF80  }
0xdb: {  	_ =	swait.ge [sflag:s9], $0x80  }
0xdc: {  	[sflag:s9] =	ssyncset.done $0x0  }
0xdd: {  	[sflag:s9] =	ssyncadd.s32 $0xFFFFFF80  }
0xde: {  	_ =	swait.ge [sflag:s9], $0x80  }
0xdf: {  	[sflag:s9] =	ssyncset.done $0x0  }
0xe0: {  	[sflag:s9] =	ssyncadd.s32 $0xFFFFFF80  }
0xe1: {  	[bflag:$0x0] =	sbarrier.arrive $0xFFFF  }
0xe2: {  	s19 =	rddreg [dreg:$0x8]  }
0xe3: {  	s7 =	rddreg [dreg:$0x12]  }
0xe4: {  	s20 =	simm.s32 $0x20;
	s21 =	simm.s32 $0x10;
	s24 =	rddreg [dreg:$0x16]  }
0xe5: {  	[hbm:s7@s20], [sflag:s19] =	dma.strided [spmem:s24@s21], $0x310, s30, $0x10   }
0xe6: {  	s21 =	simm.s32 $0xD  }
0xe7: {  	_ =	swait.ge [sflag:s21], $0x310  }
0xe8: {  	s7 =	rddreg [dreg:$0x15]  }
0xe9: {  	s24 =	rddreg [dreg:$0x13];
	s20 =	sadd.s32 $0x1, s7  }
0xea: {  	p0 =	sne.s32 s20, s24  }
.Ltmp1:
0xeb: {  	_ = 	snop;
	(pc) =	sbr.rel @p0 .LBB2_1-.Ltmp1, $3  }
0xec: {  	_ =	sdelay $0x1  }
0xed: {  	[sflag:s21] =	ssyncset.done $0x0  }
0xee: {  	[sflag:s21] =	ssyncadd.s32 $0xFFFFFCF0  }
0xef: {  	_ =	sfence.sel $0x180000  }
0xf0: {  	[bflag:$0x0] =	sbarrier.arrive $0xFFFF  }
0xf1: {  	_ =	strace $0x9000004A  }
0xf2: {  	s0 =	stileid.u32;
	[bflag:$0x2] =	sbarrier.arrive $0xFFFF  }
0xf3: {  	p0 =	sne.s32 s0, $0x0;
	s0 =	rddreg [dreg:$0x4]  }
0xf4: {  	s0 =	sadd.s32 @!p0 $0x100000, s0  }
0xf5: {  	[sflag:s0] =	ssyncadd.tile.s32 @!p0 $0x1;
	_ =	shalt  }
.Lfunc_end2:
_tile_overlayer_lowered:
.L_overlay_start_2:
0xf6: {  	(tag) =	ssettag $0x2  }
0xf7: {  	s0 =	rddreg [dreg:$0x0];
	s2 =	stileid.u32  }
0xf8: {  	s1 =	rddreg [dreg:$0x1];
	p0 =	sne.s32 s2, $0x0  }
0xf9: {  	s3 =	rddreg [dreg:$0x2];
	[bflag:$0x3] =	sbarrier.arrive $0xFFFF;
	s2 =	simm.s32 @!p0 $0x1C0D  }
0xfa: {  	[timem:s3], [sflag:s2] =	dma.local @!p0 [hbm:s0], s1  }
0xfb: {  	s0 =	simm.s32 @!p0 $0xD  }
0xfc: {  	_ =	swait.ge @!p0 [sflag:s0], s1  }
0xfd: {  	s1 =	ssub.s32 @!p0 $0x0, s1;
	[sflag:s0] =	ssyncset.done @!p0 $0x0  }
0xfe: {  	[sflag:s0] =	ssyncadd.s32 @!p0 s1  }
0xff: {  	[bflag:$0x3] =	sbarrier.arrive $0xFFFF  }
0x100: {  	_ =	shalt  }

// kernel: kernel.9.cloned.1.call-start
scs
__scs_entry_jumppad:
0x0: {  	(pc) =	sbr.rel $0x88, $3  }
0x1: {  	(tag) =	ssettag $0x0;
	lr =	simm.s32 $0x1  }
0x2: {  	[smem:$0x3F91] =	sst lr;
	_ =	strace $0xD0000000  }
0x3: {  	_ = 	snop  }
0x4: {  	_ = 	snop  }
0x5: {  	_ = 	snop  }
0x6: {  	_ = 	snop  }
0x7: {  	_ = 	snop  }
__scs_overlays_trampoline_lowered:
0x8: {  	[smem:$0x3FA0] =	sst s0  }
0x9: {  	[smem:$0x3FA1] =	sst s1  }
0xa: {  	[smem:$0x3FA2] =	sst s2  }
0xb: {  	[smem:$0x3FA3] =	sst s3  }
0xc: {  	[smem:$0x3FA4] =	sst s4  }
0xd: {  	[smem:$0x3FA5] =	sst s5  }
0xe: {  	[smem:$0x3FA6] =	sst s6  }
0xf: {  	[smem:$0x3FA7] =	sst s7  }
0x10: {  	[smem:$0x3FA8] =	sst s8  }
0x11: {  	[smem:$0x3FA9] =	sst s9;
	s0 =	simm.s32 @!p0 $0x0  }
0x12: {  	s1 =	sld [smem:$0x3F8F];
	s0 =	simm.s32 @p0 $0x1  }
0x13: {  	[smem:$0x3FAA] =	sst s0;
	s0 =	simm.s32 @!p1 $0x0  }
0x14: {  	s2 =	sld [smem:$0x3F8E];
	s0 =	simm.s32 @p1 $0x1  }
0x15: {  	[smem:$0x3FAB] =	sst s0;
	s0 =	simm.s32 @!p2 $0x0  }
0x16: {  	s3 =	sld [smem:$0x3FDB];
	s0 =	simm.s32 @p2 $0x1  }
0x17: {  	s4 =	simm.s32 $0x1BF5;
	[smem:$0x3FAD] =	sst s0  }
0x18: {  	s0 =	sld [smem:$0x3F90];
	_ =	swait.ge [sflag:s4], $0x0  }
0x19: {  	s7 =	sld [smem:$0x3F91]  }
0x1a: {  	s8 =	sadd.s32 $0xFFFFE003, lr  }
0x1b: {  	s9 =	sadd.s32 $0xFFFFFEF7, lr;
	s5 =	simm.s32 $0xFFFFFFFF;
	p2 =	slt.u32 s8, $0xFFFFF086  }
0x1c: {  	p1 =	slt.u32 s9, $0xF7A;
	s5 =	simm.s32 @!p2 $0x0  }
0x1d: {  	s5 =	simm.s32 @p1 $0x1;
	p0 =	seq.s32 s7, s2  }
0x1e: {  	s7 =	smul.u32 @!p0 $0xF7A, s2;
	p2 =	seq.s32 @!p0 s5, $0x0  }
0x1f: {  	s9 =	smul.u32 $0xF7A, s1;
	s8 =	simm.s32 @!p0 $0x1BF5;
	p2 =	por !p2, p0  }
0x20: {  	[sflag:s8] =	ssyncset.s32 @!p0 $0xFFFFF086;
	s6 =	sadd.s32 @!p0 s3, s7;
	s7 =	simm.s32 @!p0 $0x108  }
0x21: {  	s3 =	sadd.s32 s3, s9;
	s6 =	sadd.s32 @!p0 $0x88, s6;
	s7 =	simm.s32 @p2 $0x1082  }
0x22: {  	[simem:s7], [sflag:s8] =	dma.local @!p0 [hbm:s6], $0xF7A  }
0x23: {  	s9 =	sor.u32 $0xD0000000, s2;
	s6 =	simm.s32 $0x108;
	_ =	swait.ge @!p0 [sflag:s8], $0x0  }
0x24: {  	s3 =	sadd.s32 $0x88, s3;
	s6 =	simm.s32 @!p1 $0x1082;
	[sflag:s4] =	ssyncset.s32 $0xFFFFF086  }
0x25: {  	[simem:s6], [sflag:s4] =	dma.local [hbm:s3], $0xF7A  }
0x26: {  	[smem:$0x3F91] =	sst s1;
	(tag) =	ssettag s2;
	_ =	strace s9  }
0x27: {  	s1 =	sld [smem:$0x3FA1]  }
0x28: {  	s2 =	sld [smem:$0x3FA2]  }
0x29: {  	s4 =	sld [smem:$0x3FA4]  }
0x2a: {  	p0 =	seq.s32 s5, $0x0;
	s5 =	sld [smem:$0x3FA5]  }
0x2b: {  	s6 =	sld [smem:$0x3FA6]  }
0x2c: {  	s7 =	sld [smem:$0x3FA7]  }
0x2d: {  	s3 =	simm.s32 $0x108;
	s8 =	sld [smem:$0x3FA8]  }
0x2e: {  	s3 =	simm.s32 @!p0 $0x1082;
	s9 =	sld [smem:$0x3FA9]  }
0x2f: {  	lr =	sadd.s32 s0, s3;
	s0 =	sld [smem:$0x3FA0]  }
0x30: {  	s3 =	sld [smem:$0x3FA3]  }
0x31: {  	[smem:$0x3FAC] =	sst s10  }
0x32: {  	s10 =	sld [smem:$0x3FAA];
	_ =	sdelay $0x3  }
0x33: {  	p0 =	seq.s32 s10, $0x1;
	s10 =	sld [smem:$0x3FAC];
	_ =	sdelay $0x3  }
0x34: {  	[smem:$0x3FAC] =	sst s10  }
0x35: {  	s10 =	sld [smem:$0x3FAB];
	_ =	sdelay $0x3  }
0x36: {  	p1 =	seq.s32 s10, $0x1;
	s10 =	sld [smem:$0x3FAC];
	_ =	sdelay $0x3  }
0x37: {  	[smem:$0x3FAC] =	sst s10  }
0x38: {  	s10 =	sld [smem:$0x3FAD]  }
0x39: {  	_ = 	snop;
	(pc) =	sbr.ind lr, $3  }
0x3a: {  	_ = 	snop  }
0x3b: {  	_ = 	snop  }
0x3c: {  	p2 =	seq.s32 s10, $0x1;
	s10 =	sld [smem:$0x3FAC]  }
0x3d: {  	_ =	shalt  }
0x3e: {  	_ =	shalt  }
0x3f: {  	_ =	shalt  }
0x40: {  	_ =	shalt  }
0x41: {  	_ =	shalt  }
0x42: {  	_ =	shalt  }
0x43: {  	_ =	shalt  }
0x44: {  	_ =	shalt  }
0x45: {  	_ =	shalt  }
0x46: {  	_ =	shalt  }
0x47: {  	_ =	shalt  }
0x48: {  	_ =	shalt  }
0x49: {  	_ =	shalt  }
0x4a: {  	_ =	shalt  }
0x4b: {  	_ =	shalt  }
0x4c: {  	_ =	shalt  }
0x4d: {  	_ =	shalt  }
0x4e: {  	_ =	shalt  }
0x4f: {  	_ =	shalt  }
0x50: {  	_ =	shalt  }
0x51: {  	_ =	shalt  }
0x52: {  	_ =	shalt  }
0x53: {  	_ =	shalt  }
0x54: {  	_ =	shalt  }
0x55: {  	_ =	shalt  }
0x56: {  	_ =	shalt  }
0x57: {  	_ =	shalt  }
0x58: {  	_ =	shalt  }
0x59: {  	_ =	shalt  }
0x5a: {  	_ =	shalt  }
0x5b: {  	_ =	shalt  }
0x5c: {  	_ =	shalt  }
0x5d: {  	_ =	shalt  }
0x5e: {  	_ =	shalt  }
0x5f: {  	_ =	shalt  }
0x60: {  	_ =	shalt  }
0x61: {  	_ =	shalt  }
0x62: {  	_ =	shalt  }
0x63: {  	_ =	shalt  }
0x64: {  	_ =	shalt  }
0x65: {  	_ =	shalt  }
0x66: {  	_ =	shalt  }
0x67: {  	_ =	shalt  }
0x68: {  	_ =	shalt  }
0x69: {  	_ =	shalt  }
0x6a: {  	_ =	shalt  }
0x6b: {  	_ =	shalt  }
0x6c: {  	_ =	shalt  }
0x6d: {  	_ =	shalt  }
0x6e: {  	_ =	shalt  }
0x6f: {  	_ =	shalt  }
0x70: {  	_ =	shalt  }
0x71: {  	_ =	shalt  }
0x72: {  	_ =	shalt  }
0x73: {  	_ =	shalt  }
0x74: {  	_ =	shalt  }
0x75: {  	_ =	shalt  }
0x76: {  	_ =	shalt  }
0x77: {  	_ =	shalt  }
0x78: {  	_ =	shalt  }
0x79: {  	_ =	shalt  }
0x7a: {  	_ =	shalt  }
0x7b: {  	_ =	shalt  }
0x7c: {  	_ =	shalt  }
0x7d: {  	_ =	shalt  }
0x7e: {  	_ =	shalt  }
0x7f: {  	_ =	shalt  }
0x80: {  	_ =	shalt  }
0x81: {  	_ =	shalt  }
0x82: {  	_ =	shalt  }
0x83: {  	_ =	shalt  }
0x84: {  	_ =	shalt  }
0x85: {  	_ =	shalt  }
0x86: {  	_ =	shalt  }
0x87: {  	_ =	shalt  }
.Lfunc_end0:
.L_simem_size_0:
called_computation_lowered:
.L_overlay_start_0:
0x88: {  	s2 =	sld [smem:$0x3FD9]  }
0x89: {  	s3 =	sld [smem:$0x3FFE];
	_ =	sdelay $0x1  }
0x8a: {  	s1 =	srdreg.scid  }
0x8b: {  	s0 =	sand.u32 $0x1, s1  }
0x8c: {  	s17 =	sshll.u32 s0, $0xA;
	s2 =	sadd.s32 s3, s2  }
0x8d: {  	s2 =	sadd.s32 s2, s17  }
0x8e: {  	[smem:$0x3FB8] =	sst s2  }
0x8f: {  	_ = 	snop  }
0x90: {  	s2 =	sld [smem:$0x3FD0];
	(tm) =	ssettm $0x1  }
0x91: {  	s18 =	sld [smem:$0x3FFB];
	_ =	sdelay $0x3  }
0x92: {  	_ =	strace s18  }
0x93: {  	s3 =	sld [smem:$0x3FFC];
	_ =	sdelay $0x3  }
0x94: {  	_ =	strace s3  }
0x95: {  	s3 =	sld [smem:$0x3FFD];
	_ =	sdelay $0x3  }
0x96: {  	_ =	strace s3  }
0x97: {  	_ =	strace $0x8FFFFFFF  }
0x98: {  	s19 =	sld [smem:$0x3FDB];
	_ =	sdelay $0x1  }
0x99: {  	s4 =	simm.s32 $_scs_section_size  }
0x9a: {  	s5 =	simm.s32 $_size__tile_overlayer_lowered;
	s6 =	simm.s32 $_tile_overlayer_lowered  }
0x9b: {  	s22 =	simm.s32 $0x1BFF;
	s21 =	sshll.u32 s6, $0x1;
	s3 =	sadd.s32 s4, s19  }
0x9c: {  	s7 =	simm.s32 $0x0;
	s20 =	sshll.u32 s5, $0x1;
	s5 =	sadd.s32 s21, s3  }
0x9d: {  	[timem:s7], [sflag:s22] =	dma.local [hbm:s5], s20  }
0x9e: {  	_ =	swait.ge [sflag:s22], s20  }
0x9f: {  	s4 =	ssub.s32 $0x0, s20;
	[sflag:s22] =	ssyncset.done $0x0  }
0xa0: {  	[sflag:s22] =	ssyncadd.s32 s4;
	_ =	sdelay $0x1  }
0xa1: {  	s23 =	simm.s32 $0x1B8B  }
0xa2: {  	_ =	swait.ge [sflag:s23], $0x1  }
0xa3: {  	[sflag:s23] =	ssyncset.done $0x0  }
0xa4: {  	s25 =	simm.s32 $0x1B8E;
	s24 =	sld [smem:$0x3FFE];
	[sflag:s23] =	ssyncadd.s32 $0xFFFFFFFF  }
0xa5: {  	s26 =	simm.s32 $execute0_lowered;
	[smem:$0x3FD2] =	sst s25  }
0xa6: {  	s5 =	sshll.u32 s26, $0x1;
	_ =	strace $0x80000046;
	[dreg:$0x1] =	wrdreg $0xFFFFFFFF  }
0xa7: {  	s28 =	simm.s32 $_size_execute0_lowered;
	s3 =	sadd.s32 s3, s5;
	[dreg:$0x0] =	wrdreg $0x0  }
0xa8: {  	s5 =	sshll.u32 s28, $0x1;
	[dreg:$0x2] =	wrdreg s3  }
0xa9: {  	[dreg:$0x3] =	wrdreg s5  }
0xaa: {  	[dreg:$0x4] =	wrdreg $0xC0  }
0xab: {  	_ =	task [dreg:s7], $0x5FFFF  }
0xac: {  	[dreg:$0x1] =	wrdreg $0xFFFFFFFF  }
0xad: {  	[dreg:$0x0] =	wrdreg $0x60  }
0xae: {  	[dreg:$0x2] =	wrdreg s24  }
0xaf: {  	[dreg:$0x3] =	wrdreg s2  }
0xb0: {  	[dreg:$0x4] =	wrdreg $0x0  }
0xb1: {  	[dreg:$0x5] =	wrdreg $0x31000  }
0xb2: {  	[dreg:$0x6] =	wrdreg $0x62000  }
0xb3: {  	[dreg:$0x7] =	wrdreg $0x93000  }
0xb4: {  	[dreg:$0x8] =	wrdreg $0xC4000  }
0xb5: {  	[dreg:$0x9] =	wrdreg $0xDC800  }
0xb6: {  	[dreg:$0xa] =	wrdreg $0xF5000  }
0xb7: {  	[dreg:$0xb] =	wrdreg $0x10D800  }
0xb8: {  	[dreg:$0xc] =	wrdreg $0x126000  }
0xb9: {  	[dreg:$0xd] =	wrdreg $0x13E800  }
0xba: {  	[dreg:$0xe] =	wrdreg $0x157000  }
0xbb: {  	[dreg:$0xf] =	wrdreg $0x9  }
0xbc: {  	_ =	task.clear_ibuf [dreg:s7], $0x10FFFF;
	_ =	strace $0x90000046  }
0xbd: {  	s29 =	simm.s32 $0x9;
	_ =	strace $0x80000048  }
0xbe: {  	_ =	swait.ge [sflag:s29], $0x1  }
0xbf: {  	[sflag:s29] =	ssyncadd.s32 $0xFFFFFFFF  }
0xc0: {  	_ =	strace $0x90000048  }
0xc1: {  	_ =	sfence  }
0xc2: {  	s30 =	sld [smem:$0x0];
	_ =	sdelay $0x2  }
0xc3: {  	s31 =	sshll.u32 s1, $0xD;
	s1 =	sshrl.u32 s1, $0x2  }
0xc4: {  	s3 =	sand.u32 $0x4000, s31;
	s1 =	sadd.s32 s1, s30  }
0xc5: {  	s0 =	sor.u32 s3, s0;
	s1 =	sshll.u32 s1, $0x11  }
0xc6: {  	s0 =	sor.u32 s1, s0  }
0xc7: {  	s0 =	sadd.s32 $0x8F2B, s0  }
0xc8: {  	[sflag:s0] =	ssyncadd.remote.s32 $0x1  }
0xc9: {  	_ =	sfence.sel $0xFFFF  }
0xca: {  	[dreg:$0x0] =	wrdreg $0xFFFFFFFF;
	(pc) =	sbr.abs _section_cstart, $3  }
0xcb: {  	[dreg:$0x1] =	wrdreg $0xFFFFFFFF  }
0xcc: {  	_ =	task.clear_ibuf [dreg:s7], $0x2FFFF;
	_ =	strace $0x9FFFFFFF  }
0xcd: {  	(tm) =	ssettm $0x7FFFFFFF  }
tec
execute0_lowered:
.L_overlay_start_1:
0x0: {  	(tag) =	ssettag $0x1  }
0x1: {  	s0 =	rddreg [dreg:$0x0]  }
0x2: {  	s10 =	rddreg [dreg:$0x2]  }
0x3: {  	s12 =	rddreg [dreg:$0x3]  }
0x4: {  	s14 =	rddreg [dreg:$0x4]  }
0x5: {  	s16 =	rddreg [dreg:$0x5]  }
0x6: {  	s17 =	rddreg [dreg:$0x6]  }
0x7: {  	s18 =	rddreg [dreg:$0x7]  }
0x8: {  	s19 =	rddreg [dreg:$0x8]  }
0x9: {  	s20 =	rddreg [dreg:$0x9]  }
0xa: {  	s26 =	rddreg [dreg:$0xa]  }
0xb: {  	s29 =	rddreg [dreg:$0xb]  }
0xc: {  	s31 =	rddreg [dreg:$0xc]  }
0xd: {  	s1 =	simm.s32 $0x0;
	s15 =	stileid.u32;
	s7 =	srdreg.scid  }
0xe: {  	[smem:$0x7FF] =	sst s1;
	s2 =	smul.u32 $0x3100, s15  }
0xf: {  	s3 =	sadd.s32 $0x1F800, s0;
	s1 =	sand.u32 $0x1, s7;
	s4 =	sadd.s32 $0x51800, s0  }
0x10: {  	s5 =	sadd.s32 $0x83800, s0;
	s8 =	sshll.u32 s15, $0x1;
	_ =	strace $0x80000047  }
0x11: {  	s6 =	ssub.s32 $0x2, s1;
	s9 =	smul.u32 $0x1880, s1;
	s8 =	sor.u32 s1, s8  }
0x12: {  	s7 =	sshrl.u32 s6, $0x1;
	s11 =	sadd.s32 s2, s5;
	s13 =	sadd.s32 s2, s4  }
0x13: {  	s6 =	ssub.s32 s6, s7;
	s7 =	smul.u32 $0x1880, s8;
	s8 =	sadd.s32 s9, s11  }
0x14: {  	s21 =	sadd.s32 s2, s3;
	s13 =	sadd.s32 s9, s13;
	[dreg:$0xe] =	wrdreg s8  }
0x15: {  	s23 =	sadd.s32 s9, s21;
	[dreg:$0xf] =	wrdreg s13  }
0x16: {  	[dreg:$0x10] =	wrdreg s23;
	s22 =	sadd.s32 s3, s7  }
0x17: {  	s24 =	sadd.s32 s4, s7;
	[dreg:$0x11] =	wrdreg s22  }
0x18: {  	s25 =	sadd.s32 s5, s7;
	s7 =	sor.u32 $0x10, s7;
	[dreg:$0x12] =	wrdreg s24  }
0x19: {  	s9 =	sshrl.u32 s2, $0x3;
	[dreg:$0x13] =	wrdreg s25;
	s3 =	sadd.s32 s3, s7  }
0x1a: {  	s13 =	sshll.u32 s15, $0x6;
	s4 =	sadd.s32 s4, s7;
	[dreg:$0x14] =	wrdreg s3  }
0x1b: {  	s7 =	sadd.s32 s5, s7;
	[dreg:$0x15] =	wrdreg s4;
	s3 =	smul.u32 $0x1880, s15  }
0x1c: {  	[dreg:$0x16] =	wrdreg s7;
	s4 =	sadd.s32 s9, s0;
	s9 =	sor.u32 $0x1C07, s13  }
0x1d: {  	s28 =	smov.u32 s16;
	s15 =	sadd.s32 $0xD200, s4;
	[dreg:$0x18] =	wrdreg s9  }
0x1e: {  	s1 =	sshll.u32 s1, $0x7;
	[dreg:$0x1a] =	wrdreg s15;
	s22 =	sadd.s32 s3, s18  }
0x1f: {  	s1 =	sor.u32 s1, s2;
	s24 =	sadd.s32 s3, s19;
	[dreg:$0x1e] =	wrdreg s22  }
0x20: {  	s1 =	sshrl.u32 s1, $0x3;
	s25 =	sadd.s32 s3, s20;
	[dreg:$0x1f] =	wrdreg s24  }
0x21: {  	s1 =	sadd.s32 s1, s0;
	s13 =	sadd.s32 s3, s26;
	[smem:$0x7EE] =	sst s25  }
0x22: {  	s8 =	sadd.s32 s2, s14;
	s15 =	sadd.s32 $0xB5A00, s1;
	[smem:$0x7EF] =	sst s13  }
0x23: {  	s7 =	sadd.s32 s2, s12;
	s18 =	sadd.s32 $0xC8000, s1;
	[smem:$0x7F2] =	sst s15  }
0x24: {  	s11 =	sshrl.u32 s3, $0x3;
	s19 =	sadd.s32 $0xCE200, s1;
	[smem:$0x7F5] =	sst s18  }
0x25: {  	s20 =	smax.u32 s6, $0x1;
	s5 =	sadd.s32 s11, s0;
	[smem:$0x7F6] =	sst s19  }
0x26: {  	s0 =	sadd.s32 $0xB5800, s0;
	s11 =	smov.u32 s12;
	[smem:$0x7F8] =	sst s20  }
0x27: {  	s12 =	smov.u32 s14;
	s14 =	sadd.s32 $0x7000, s4;
	[dreg:$0x17] =	wrdreg s0  }
0x28: {  	s22 =	sshrl.u32 s8, $0x3;
	s0 =	sadd.s32 s2, s10;
	[dreg:$0x19] =	wrdreg s14  }
0x29: {  	s2 =	sadd.s32 s2, s16;
	s16 =	sadd.s32 $0x13400, s4;
	[smem:$0x7FB] =	sst s22  }
0x2a: {  	s4 =	sadd.s32 $0x19600, s4;
	[dreg:$0x1b] =	wrdreg s16  }
0x2b: {  	s30 =	simm.s32 $0x17100;
	s21 =	sadd.s32 $0x3E00, s5;
	[dreg:$0x1c] =	wrdreg s4  }
0x2c: {  	s23 =	smov.u32 s17;
	s14 =	sadd.s32 s3, s29;
	[dreg:$0x1d] =	wrdreg s21  }
0x2d: {  	s4 =	sadd.s32 s3, s17;
	[smem:$0x7F0] =	sst s14;
	s3 =	sadd.s32 s3, s31  }
0x2e: {  	s6 =	simm.s32 $0x16F80;
	s16 =	sadd.s32 $0xBBC00, s1;
	[smem:$0x7F1] =	sst s3  }
0x2f: {  	s8 =	simm.s32 $0x7;
	s17 =	sadd.s32 $0xC1E00, s1;
	[smem:$0x7F3] =	sst s16  }
0x30: {  	s15 =	simm.s32 $0x17180;
	s1 =	sadd.s32 $0xD4400, s1;
	[smem:$0x7F4] =	sst s17  }
0x31: {  	s20 =	simm.s32 $0x80;
	s0 =	sshrl.u32 s0, $0x3;
	[smem:$0x7F7] =	sst s1  }
0x32: {  	s22 =	simm.s32 $0x17080;
	s21 =	sshrl.u32 s7, $0x3;
	[smem:$0x7F9] =	sst s0  }
0x33: {  	s5 =	simm.s32 $0x6;
	s24 =	sshrl.u32 s2, $0x3;
	[smem:$0x7FA] =	sst s21  }
0x34: {  	s2 =	simm.s32 $0x3;
	[smem:$0x7FC] =	sst s24;
	s25 =	sshrl.u32 s4, $0x3  }
0x35: {  	s24 =	simm.s32 $0x17780;
	s16 =	simm.s32 $0x17000;
	s3 =	simm.s32 $0x4  }
0x36: {  	s4 =	simm.s32 $0x5;
	s1 =	simm.s32 $0x0;
	[smem:$0x7FD] =	sst s25  }
.LBB2_1:
0x37: {  	s7 =	sld [smem:$0x7F9]  }
0x38: {  	[smem:$0x7E7] =	sst s1  }
0x39: {  	s0 =	rddreg [dreg:$0x19]  }
0x3a: {  	[spmem:s7], [sflag:s9] =	dma.local [hbm:s0], $0x620  }
0x3b: {  	_ =	swait.ge [sflag:s8], $0x620  }
0x3c: {  	s18 =	sld [smem:$0x7FA]  }
0x3d: {  	[sflag:s8] =	ssyncset.done $0x0  }
0x3e: {  	s17 =	rddreg [dreg:$0x1a];
	[sflag:s8] =	ssyncadd.s32 $0xFFFFF9E0  }
0x3f: {  	[spmem:s18], [sflag:s9] =	dma.local [hbm:s17], $0x620  }
0x40: {  	_ =	swait.ge [sflag:s8], $0x620  }
0x41: {  	s21 =	sld [smem:$0x7FB]  }
0x42: {  	[sflag:s8] =	ssyncset.done $0x0  }
0x43: {  	s19 =	rddreg [dreg:$0x1b];
	[sflag:s8] =	ssyncadd.s32 $0xFFFFF9E0  }
0x44: {  	[spmem:s21], [sflag:s9] =	dma.local [hbm:s19], $0x620  }
0x45: {  	_ =	swait.ge [sflag:s8], $0x620  }
0x46: {  	s1 =	sld [smem:$0x7FC]  }
0x47: {  	[sflag:s8] =	ssyncset.done $0x0  }
0x48: {  	s25 =	rddreg [dreg:$0x1c];
	[sflag:s8] =	ssyncadd.s32 $0xFFFFF9E0  }
0x49: {  	[spmem:s1], [sflag:s9] =	dma.local [hbm:s25], $0x620  }
0x4a: {  	_ =	swait.ge [sflag:s8], $0x620  }
0x4b: {  	s13 =	sld [smem:$0x7FD]  }
0x4c: {  	[sflag:s8] =	ssyncset.done $0x0  }
0x4d: {  	s7 =	rddreg [dreg:$0x1d];
	[sflag:s8] =	ssyncadd.s32 $0xFFFFF9E0  }
0x4e: {  	[spmem:s13], [sflag:s9] =	dma.local [hbm:s7], $0x310  }
0x4f: {  	_ =	swait.ge [sflag:s8], $0x310  }
0x50: {  	[sflag:s8] =	ssyncset.done $0x0  }
0x51: {  	s14 =	rddreg [dreg:$0x1e];
	[sflag:s8] =	ssyncadd.s32 $0xFFFFFCF0  }
0x52: {  	s0 =	sshrl.u32 s14, $0x3;
	s17 =	rddreg [dreg:$0x1]  }
0x53: {  	[smem:$0x7E8] =	sst s0  }
0x54: {  	[spmem:s0], [sflag:s9] =	dma.local [hbm:s17], $0x310  }
0x55: {  	_ =	swait.ge [sflag:s8], $0x310  }
0x56: {  	s18 =	rddreg [dreg:$0x1f]  }
0x57: {  	[sflag:s8] =	ssyncset.done $0x0;
	s0 =	sshrl.u32 s18, $0x3  }
0x58: {  	[sflag:s8] =	ssyncadd.s32 $0xFFFFFCF0;
	[smem:$0x7E9] =	sst s0  }
0x59: {  	[spmem:s0], [sflag:s9] =	dma.local [hbm:s17], $0x310  }
0x5a: {  	_ =	swait.ge [sflag:s8], $0x310  }
0x5b: {  	s19 =	sld [smem:$0x7EE];
	_ =	sdelay $0x2  }
0x5c: {  	[sflag:s8] =	ssyncset.done $0x0;
	s0 =	sshrl.u32 s19, $0x3  }
0x5d: {  	[sflag:s8] =	ssyncadd.s32 $0xFFFFFCF0;
	[smem:$0x7EA] =	sst s0  }
0x5e: {  	[spmem:s0], [sflag:s9] =	dma.local [hbm:s17], $0x310  }
0x5f: {  	_ =	swait.ge [sflag:s8], $0x310  }
0x60: {  	s21 =	sld [smem:$0x7EF];
	_ =	sdelay $0x2  }
0x61: {  	[sflag:s8] =	ssyncset.done $0x0;
	s0 =	sshrl.u32 s21, $0x3  }
0x62: {  	[sflag:s8] =	ssyncadd.s32 $0xFFFFFCF0;
	[smem:$0x7EB] =	sst s0  }
0x63: {  	[spmem:s0], [sflag:s9] =	dma.local [hbm:s17], $0x310  }
0x64: {  	_ =	swait.ge [sflag:s8], $0x310  }
0x65: {  	s25 =	sld [smem:$0x7F0];
	_ =	sdelay $0x2  }
0x66: {  	[sflag:s8] =	ssyncset.done $0x0;
	s0 =	sshrl.u32 s25, $0x3  }
0x67: {  	[sflag:s8] =	ssyncadd.s32 $0xFFFFFCF0;
	[smem:$0x7EC] =	sst s0  }
0x68: {  	[spmem:s0], [sflag:s9] =	dma.local [hbm:s17], $0x310  }
0x69: {  	_ =	swait.ge [sflag:s8], $0x310  }
0x6a: {  	s1 =	sld [smem:$0x7F1];
	_ =	sdelay $0x2  }
0x6b: {  	[sflag:s8] =	ssyncset.done $0x0;
	s0 =	sshrl.u32 s1, $0x3  }
0x6c: {  	[sflag:s8] =	ssyncadd.s32 $0xFFFFFCF0;
	[smem:$0x7ED] =	sst s0  }
0x6d: {  	[spmem:s0], [sflag:s9] =	dma.local [hbm:s17], $0x310  }
0x6e: {  	_ =	swait.ge [sflag:s8], $0x310  }
0x6f: {  	[sflag:s8] =	ssyncset.done $0x0  }
0x70: {  	s14 =	simm.s32 $0x0;
	s7 =	rddreg [dreg:$0x17];
	[sflag:s8] =	ssyncadd.s32 $0xFFFFFCF0  }
0x71: {  	[tilespmem:s24], [sflag:$0x7] =	stream.linear.gather [hbm4b:s7+s14], $0x80, $0x38;
	[tilespmem:$0x17800] =	vst v63  }
0x72: {  	_ =	swait.ge [sflag:s8], $0x80  }
0x73: {  	[sflag:s8] =	ssyncset.done $0x0  }
0x74: {  	[sflag:s8] =	ssyncadd.s32 $0xFFFFFF80  }
0x75: {  	[bflag:$0x0] =	sbarrier.arrive $0xFFFF  }
0x76: {  	s8 =	rddreg [dreg:$0x11]  }
0x77: {  	[tilespmem:s6], [sflag:$0x1] =	stream.linear.gather [hbm4b:s8+s14], $0x80, $0x38;
	[tilespmem:$0x17800] =	vst v63  }
0x78: {  	s9 =	rddreg [dreg:$0x12]  }
0x79: {  	[tilespmem:s22], [sflag:$0x1] =	stream.linear.gather [hbm4b:s9+s14], $0x80, $0x38;
	[tilespmem:$0x17800] =	vst v63  }
0x7a: {  	s13 =	rddreg [dreg:$0x13]  }
0x7b: {  	[tilespmem:s15], [sflag:$0x1] =	stream.linear.gather [hbm4b:s13+s14], $0x80, $0x38;
	[tilespmem:$0x17800] =	vst v63  }
0x7c: {  	s17 =	rddreg [dreg:$0x14]  }
0x7d: {  	[tilespmem:s16], [sflag:$0x2] =	stream.linear.gather [hbm4b:s17+s14], $0x80, $0x38;
	[tilespmem:$0x17800] =	vst v63  }
0x7e: {  	s18 =	rddreg [dreg:$0x15]  }
0x7f: {  	[tilespmem:s30], [sflag:$0x2] =	stream.linear.gather [hbm4b:s18+s14], $0x80, $0x38;
	[tilespmem:$0x17800] =	vst v63  }
0x80: {  	s21 =	simm.s32 $0x1;
	s19 =	rddreg [dreg:$0x16];
	s9 =	simm.s32 $0x17200  }
0x81: {  	[tilespmem:s9], [sflag:$0x2] =	stream.linear.gather [hbm4b:s19+s14], $0x80, $0x38;
	[tilespmem:$0x17800] =	vst v63  }
0x82: {  	_ =	swait.ge [sflag:s21], $0x80  }
0x83: {  	[sflag:s21] =	ssyncset.done $0x0  }
0x84: {  	[sflag:s21] =	ssyncadd.s32 $0xFFFFFF80  }
0x85: {  	_ =	swait.ge [sflag:s21], $0x80  }
0x86: {  	[sflag:s21] =	ssyncset.done $0x0  }
0x87: {  	[sflag:s21] =	ssyncadd.s32 $0xFFFFFF80  }
0x88: {  	_ =	swait.ge [sflag:s21], $0x80  }
0x89: {  	[sflag:s21] =	ssyncset.done $0x0  }
0x8a: {  	s19 =	simm.s32 $0x17280;
	[sflag:s21] =	ssyncadd.s32 $0xFFFFFF80  }
0x8b: {  	[tilespmem:s19], [sflag:$0x3] =	stream.indirect.gather [spmem:s10], $0x1, s6, s20, $0xb8;
	[tilespmem:$0x17800] =	vst v63  }
0x8c: {  	s7 =	simm.s32 $0x17380  }
0x8d: {  	[tilespmem:s7], [sflag:$0x3] =	stream.indirect.gather [spmem:s11], $0x1, s6, s20, $0xb8;
	[tilespmem:$0x17800] =	vst v63  }
0x8e: {  	s1 =	simm.s32 $0x17480  }
0x8f: {  	[tilespmem:s1], [sflag:$0x3] =	stream.indirect.gather [spmem:s12], $0x1, s6, s20, $0xb8;
	[tilespmem:$0x17800] =	vst v63  }
0x90: {  	s25 =	simm.s32 $0x16F80;
	s6 =	simm.s32 $0x17580  }
0x91: {  	[tilespmem:s6], [sflag:$0x3] =	stream.indirect.gather [spmem:s28], $0x1, s25, s20, $0xb8;
	[tilespmem:$0x17800] =	vst v63  }
0x92: {  	s8 =	simm.s32 $0x17680;
	s18 =	simm.s32 $0x2  }
0x93: {  	[tilespmem:s8], [sflag:$0x3] =	stream.indirect.gather [spmem:s23], $0x1, s22, s20, $0xb8;
	[tilespmem:$0x17800] =	vst v63  }
0x94: {  	_ =	swait.ge [sflag:s18], $0x80  }
0x95: {  	[sflag:s18] =	ssyncset.done $0x0  }
0x96: {  	[sflag:s18] =	ssyncadd.s32 $0xFFFFFF80  }
0x97: {  	_ =	swait.ge [sflag:s18], $0x80  }
0x98: {  	[sflag:s18] =	ssyncset.done $0x0  }
0x99: {  	[sflag:s18] =	ssyncadd.s32 $0xFFFFFF80  }
0x9a: {  	_ =	swait.ge [sflag:s18], $0x80  }
0x9b: {  	[sflag:s18] =	ssyncset.done $0x0  }
0x9c: {  	[sflag:s18] =	ssyncadd.s32 $0xFFFFFF80;
	s18 =	simm.s32 $0x17300  }
0x9d: {  	[tilespmem:s18], [sflag:$0x4] =	stream.indirect.gather [spmem:s10], $0x1, s16, s20, $0xb8;
	[tilespmem:$0x17800] =	vst v63  }
0x9e: {  	s25 =	simm.s32 $0x17400  }
0x9f: {  	[tilespmem:s25], [sflag:$0x4] =	stream.indirect.gather [spmem:s11], $0x1, s16, s20, $0xb8;
	[tilespmem:$0x17800] =	vst v63  }
0xa0: {  	s13 =	simm.s32 $0x17500  }
0xa1: {  	[tilespmem:s13], [sflag:$0x4] =	stream.indirect.gather [spmem:s12], $0x1, s16, s20, $0xb8;
	[tilespmem:$0x17800] =	vst v63  }
0xa2: {  	s0 =	simm.s32 $0x17600  }
0xa3: {  	[tilespmem:s0], [sflag:$0x4] =	stream.indirect.gather [spmem:s28], $0x1, s16, s20, $0xb8;
	[tilespmem:$0x17800] =	vst v63  }
0xa4: {  	s21 =	simm.s32 $0x17700  }
0xa5: {  	[tilespmem:s21], [sflag:$0x4] =	stream.indirect.gather [spmem:s23], $0x1, s30, s20, $0xb8;
	[tilespmem:$0x17800] =	vst v63  }
0xa6: {  	_ =	swait.ge [sflag:s2], $0x80  }
0xa7: {  	[sflag:s2] =	ssyncset.done $0x0  }
0xa8: {  	[sflag:s2] =	ssyncadd.s32 $0xFFFFFF80  }
0xa9: {  	_ =	swait.ge [sflag:s2], $0x80  }
0xaa: {  	[sflag:s2] =	ssyncset.done $0x0  }
0xab: {  	[sflag:s2] =	ssyncadd.s32 $0xFFFFFF80  }
0xac: {  	_ =	swait.ge [sflag:s2], $0x80  }
0xad: {  	[sflag:s2] =	ssyncset.done $0x0  }
0xae: {  	[sflag:s2] =	ssyncadd.s32 $0xFFFFFF80  }
0xaf: {  	_ =	swait.ge [sflag:s2], $0x80  }
0xb0: {  	[sflag:s2] =	ssyncset.done $0x0  }
0xb1: {  	[sflag:s2] =	ssyncadd.s32 $0xFFFFFF80  }
0xb2: {  	_ =	swait.ge [sflag:s2], $0x80  }
0xb3: {  	[sflag:s2] =	ssyncset.done $0x0  }
0xb4: {  	[sflag:s2] =	ssyncadd.s32 $0xFFFFFF80  }
0xb5: {  	s13 =	rddreg [dreg:$0x7]  }
0xb6: {  	[spmem:s13] =	stream.indirect.scatter.add.f32 [tilespmem:s19], [sflag:$0x5], $0x1, s15, s20, $0xb8;
	[tilespmem:$0x17800] =	vst v63  }
0xb7: {  	s17 =	rddreg [dreg:$0x8]  }
0xb8: {  	[spmem:s17] =	stream.indirect.scatter.add.f32 [tilespmem:s7], [sflag:$0x5], $0x1, s15, s20, $0xb8;
	[tilespmem:$0x17800] =	vst v63  }
0xb9: {  	s19 =	rddreg [dreg:$0x9]  }
0xba: {  	[spmem:s19] =	stream.indirect.scatter.add.f32 [tilespmem:s1], [sflag:$0x5], $0x1, s15, s20, $0xb8;
	[tilespmem:$0x17800] =	vst v63  }
0xbb: {  	_ = 	snop  }
0xbc: {  	[spmem:s26] =	stream.indirect.scatter.add.f32 [tilespmem:s6], [sflag:$0x5], $0x1, s15, s20, $0xb8;
	[tilespmem:$0x17800] =	vst v63  }
0xbd: {  	_ = 	snop  }
0xbe: {  	[spmem:s29] =	stream.indirect.scatter.add.f32 [tilespmem:s8], [sflag:$0x5], $0x1, s15, s20, $0xb8;
	[tilespmem:$0x17800] =	vst v63  }
0xbf: {  	_ = 	snop  }
0xc0: {  	[spmem:s31] =	stream.indirect.scatter.add.f32 [tilespmem:s24], [sflag:$0x5], $0x1, s15, s20, $0xb8;
	[tilespmem:$0x17800] =	vst v63  }
0xc1: {  	_ =	swait.ge [sflag:s3], $0x80  }
0xc2: {  	[sflag:s3] =	ssyncset.done $0x0  }
0xc3: {  	[sflag:s3] =	ssyncadd.s32 $0xFFFFFF80  }
0xc4: {  	_ =	swait.ge [sflag:s3], $0x80  }
0xc5: {  	[sflag:s3] =	ssyncset.done $0x0  }
0xc6: {  	[sflag:s3] =	ssyncadd.s32 $0xFFFFFF80  }
0xc7: {  	_ =	swait.ge [sflag:s3], $0x80  }
0xc8: {  	[sflag:s3] =	ssyncset.done $0x0  }
0xc9: {  	[sflag:s3] =	ssyncadd.s32 $0xFFFFFF80  }
0xca: {  	_ =	swait.ge [sflag:s3], $0x80  }
0xcb: {  	[sflag:s3] =	ssyncset.done $0x0  }
0xcc: {  	[sflag:s3] =	ssyncadd.s32 $0xFFFFFF80  }
0xcd: {  	_ =	swait.ge [sflag:s3], $0x80  }
0xce: {  	[sflag:s3] =	ssyncset.done $0x0  }
0xcf: {  	[sflag:s3] =	ssyncadd.s32 $0xFFFFFF80  }
0xd0: {  	[spmem:s13] =	stream.indirect.scatter.add.f32 [tilespmem:s18], [sflag:$0x6], $0x1, s9, s20, $0xb8;
	[tilespmem:$0x17800] =	vst v63  }
0xd1: {  	_ = 	snop  }
0xd2: {  	[spmem:s17] =	stream.indirect.scatter.add.f32 [tilespmem:s25], [sflag:$0x6], $0x1, s9, s20, $0xb8;
	[tilespmem:$0x17800] =	vst v63  }
0xd3: {  	s1 =	simm.s32 $0x17500  }
0xd4: {  	[spmem:s19] =	stream.indirect.scatter.add.f32 [tilespmem:s1], [sflag:$0x6], $0x1, s9, s20, $0xb8;
	[tilespmem:$0x17800] =	vst v63  }
0xd5: {  	s7 =	simm.s32 $0x17600  }
0xd6: {  	[spmem:s26] =	stream.indirect.scatter.add.f32 [tilespmem:s7], [sflag:$0x6], $0x1, s9, s20, $0xb8;
	[tilespmem:$0x17800] =	vst v63  }
0xd7: {  	_ = 	snop  }
0xd8: {  	[spmem:s29] =	stream.indirect.scatter.add.f32 [tilespmem:s21], [sflag:$0x6], $0x1, s9, s20, $0xb8;
	[tilespmem:$0x17800] =	vst v63  }
0xd9: {  	_ = 	snop  }
0xda: {  	[spmem:s31] =	stream.indirect.scatter.add.f32 [tilespmem:s24], [sflag:$0x6], $0x1, s9, s20, $0xb8;
	[tilespmem:$0x17800] =	vst v63  }
0xdb: {  	_ =	swait.ge [sflag:s4], $0x80  }
0xdc: {  	[sflag:s4] =	ssyncset.done $0x0  }
0xdd: {  	[sflag:s4] =	ssyncadd.s32 $0xFFFFFF80  }
0xde: {  	_ =	swait.ge [sflag:s4], $0x80  }
0xdf: {  	[sflag:s4] =	ssyncset.done $0x0  }
0xe0: {  	[sflag:s4] =	ssyncadd.s32 $0xFFFFFF80  }
0xe1: {  	_ =	swait.ge [sflag:s4], $0x80  }
0xe2: {  	[sflag:s4] =	ssyncset.done $0x0  }
0xe3: {  	[sflag:s4] =	ssyncadd.s32 $0xFFFFFF80  }
0xe4: {  	_ =	swait.ge [sflag:s4], $0x80  }
0xe5: {  	[sflag:s4] =	ssyncset.done $0x0  }
0xe6: {  	[sflag:s4] =	ssyncadd.s32 $0xFFFFFF80  }
0xe7: {  	_ =	swait.ge [sflag:s4], $0x80  }
0xe8: {  	[sflag:s4] =	ssyncset.done $0x0  }
0xe9: {  	[sflag:s4] =	ssyncadd.s32 $0xFFFFFF80  }
0xea: {  	_ =	swait.ge [sflag:s4], $0x80  }
0xeb: {  	s8 =	rddreg [dreg:$0x10]  }
0xec: {  	s6 =	simm.s32 $0x16F80;
	s9 =	rddreg [dreg:$0xf]  }
0xed: {  	[sflag:s4] =	ssyncset.done $0x0;
	s17 =	rddreg [dreg:$0xe];
	s13 =	sadd.s32 $0x0, s8  }
0xee: {  	[sflag:s4] =	ssyncadd.s32 $0xFFFFFF80;
	s8 =	sadd.s32 $0x0, s9;
	s7 =	sadd.s32 $0x20, s13  }
0xef: {  	[tilespmem:s6], [sflag:$0x1] =	stream.linear.gather [hbm4b:s7+s14], $0x80, $0x38;
	[tilespmem:$0x17800] =	vst v63  }
0xf0: {  	s9 =	sadd.s32 $0x0, s17;
	s18 =	sadd.s32 $0x20, s8  }
0xf1: {  	[tilespmem:s22], [sflag:$0x1] =	stream.linear.gather [hbm4b:s18+s14], $0x80, $0x38;
	[tilespmem:$0x17800] =	vst v63  }
0xf2: {  	s19 =	sadd.s32 $0x20, s9  }
0xf3: {  	[tilespmem:s15], [sflag:$0x1] =	stream.linear.gather [hbm4b:s19+s14], $0x80, $0x38;
	[tilespmem:$0x17800] =	vst v63  }
0xf4: {  	_ =	swait.ge [sflag:s5], $0x80  }
0xf5: {  	[sflag:s5] =	ssyncset.done $0x0  }
0xf6: {  	[sflag:s5] =	ssyncadd.s32 $0xFFFFFF80  }
0xf7: {  	_ =	swait.ge [sflag:s5], $0x80  }
0xf8: {  	[sflag:s5] =	ssyncset.done $0x0  }
0xf9: {  	[sflag:s5] =	ssyncadd.s32 $0xFFFFFF80  }
0xfa: {  	_ =	swait.ge [sflag:s5], $0x80  }
0xfb: {  	[sflag:s5] =	ssyncset.done $0x0  }
0xfc: {  	[sflag:s5] =	ssyncadd.s32 $0xFFFFFF80  }
0xfd: {  	_ =	swait.ge [sflag:s5], $0x80  }
0xfe: {  	[sflag:s5] =	ssyncset.done $0x0  }
0xff: {  	[sflag:s5] =	ssyncadd.s32 $0xFFFFFF80  }
0x100: {  	_ =	swait.ge [sflag:s5], $0x80  }
0x101: {  	[sflag:s5] =	ssyncset.done $0x0  }
0x102: {  	[sflag:s5] =	ssyncadd.s32 $0xFFFFFF80  }
0x103: {  	_ =	swait.ge [sflag:s5], $0x80  }
0x104: {  	[sflag:s5] =	ssyncset.done $0x0  }
0x105: {  	s21 =	sadd.s32 $0x30, s13;
	s25 =	sadd.s32 $0x30, s8;
	[sflag:s5] =	ssyncadd.s32 $0xFFFFFF80  }
0x106: {  	[tilespmem:s16], [sflag:$0x2] =	stream.linear.gather [hbm4b:s21+s14], $0x80, $0x38;
	[tilespmem:$0x17800] =	vst v63  }
0x107: {  	s9 =	sadd.s32 $0x30, s9;
	s7 =	simm.s32 $0x20;
	s18 =	simm.s32 $0x17180  }
0x108: {  	[tilespmem:s30], [sflag:$0x2] =	stream.linear.gather [hbm4b:s25+s14], $0x80, $0x38;
	[tilespmem:$0x17800] =	vst v63  }
.LBB2_2:
0x109: {  	s15 =	simm.s32 $0x0;
	s19 =	simm.s32 $0x17200;
	s0 =	simm.s32 $0x1  }
0x10a: {  	[tilespmem:s19], [sflag:$0x2] =	stream.linear.gather [hbm4b:s9+s15], $0x80, $0x38;
	[tilespmem:$0x17800] =	vst v63  }
0x10b: {  	_ =	swait.ge [sflag:s0], $0x80  }
0x10c: {  	[sflag:s0] =	ssyncset.done $0x0  }
0x10d: {  	[sflag:s0] =	ssyncadd.s32 $0xFFFFFF80  }
0x10e: {  	_ =	swait.ge [sflag:s0], $0x80  }
0x10f: {  	[sflag:s0] =	ssyncset.done $0x0  }
0x110: {  	[sflag:s0] =	ssyncadd.s32 $0xFFFFFF80  }
0x111: {  	_ =	swait.ge [sflag:s0], $0x80  }
0x112: {  	[sflag:s0] =	ssyncset.done $0x0  }
0x113: {  	[sflag:s0] =	ssyncadd.s32 $0xFFFFFF80;
	s0 =	simm.s32 $0x17280  }
0x114: {  	[tilespmem:s0], [sflag:$0x3] =	stream.indirect.gather [spmem:s10], $0x1, s6, s20, $0xb8;
	[tilespmem:$0x17800] =	vst v63  }
0x115: {  	s9 =	simm.s32 $0x17380  }
0x116: {  	[tilespmem:s9], [sflag:$0x3] =	stream.indirect.gather [spmem:s11], $0x1, s6, s20, $0xb8;
	[tilespmem:$0x17800] =	vst v63  }
0x117: {  	s1 =	simm.s32 $0x17480  }
0x118: {  	[tilespmem:s1], [sflag:$0x3] =	stream.indirect.gather [spmem:s12], $0x1, s6, s20, $0xb8;
	[tilespmem:$0x17800] =	vst v63  }
0x119: {  	s16 =	simm.s32 $0x16F80;
	s6 =	simm.s32 $0x17580  }
0x11a: {  	[tilespmem:s6], [sflag:$0x3] =	stream.indirect.gather [spmem:s28], $0x1, s16, s20, $0xb8;
	[tilespmem:$0x17800] =	vst v63  }
0x11b: {  	s14 =	simm.s32 $0x17680;
	s25 =	simm.s32 $0x2  }
0x11c: {  	[tilespmem:s14], [sflag:$0x3] =	stream.indirect.gather [spmem:s23], $0x1, s22, s20, $0xb8;
	[tilespmem:$0x17800] =	vst v63  }
0x11d: {  	_ =	swait.ge [sflag:s25], $0x80  }
0x11e: {  	[sflag:s25] =	ssyncset.done $0x0  }
0x11f: {  	[sflag:s25] =	ssyncadd.s32 $0xFFFFFF80  }
0x120: {  	_ =	swait.ge [sflag:s25], $0x80  }
0x121: {  	[sflag:s25] =	ssyncset.done $0x0  }
0x122: {  	[sflag:s25] =	ssyncadd.s32 $0xFFFFFF80  }
0x123: {  	_ =	swait.ge [sflag:s25], $0x80  }
0x124: {  	[sflag:s25] =	ssyncset.done $0x0  }
0x125: {  	s16 =	simm.s32 $0x17000;
	s22 =	simm.s32 $0x17300;
	[sflag:s25] =	ssyncadd.s32 $0xFFFFFF80  }
0x126: {  	[tilespmem:s22], [sflag:$0x4] =	stream.indirect.gather [spmem:s10], $0x1, s16, s20, $0xb8;
	[tilespmem:$0x17800] =	vst v63  }
0x127: {  	s21 =	smov.u32 s28;
	s28 =	simm.s32 $0x17400  }
0x128: {  	[tilespmem:s28], [sflag:$0x4] =	stream.indirect.gather [spmem:s11], $0x1, s16, s20, $0xb8;
	[tilespmem:$0x17800] =	vst v63  }
0x129: {  	s17 =	smov.u32 s12;
	s12 =	simm.s32 $0x17500  }
0x12a: {  	[tilespmem:s12], [sflag:$0x4] =	stream.indirect.gather [spmem:s17], $0x1, s16, s20, $0xb8;
	[tilespmem:$0x17800] =	vst v63  }
0x12b: {  	s13 =	smov.u32 s11;
	s11 =	simm.s32 $0x17600  }
0x12c: {  	[tilespmem:s11], [sflag:$0x4] =	stream.indirect.gather [spmem:s21], $0x1, s16, s20, $0xb8;
	[tilespmem:$0x17800] =	vst v63  }
0x12d: {  	s25 =	simm.s32 $0x17700  }
0x12e: {  	[tilespmem:s25], [sflag:$0x4] =	stream.indirect.gather [spmem:s23], $0x1, s30, s20, $0xb8;
	[tilespmem:$0x17800] =	vst v63  }
0x12f: {  	_ =	swait.ge [sflag:s2], $0x80  }
0x130: {  	[sflag:s2] =	ssyncset.done $0x0  }
0x131: {  	[sflag:s2] =	ssyncadd.s32 $0xFFFFFF80  }
0x132: {  	_ =	swait.ge [sflag:s2], $0x80  }
0x133: {  	[sflag:s2] =	ssyncset.done $0x0  }
0x134: {  	[sflag:s2] =	ssyncadd.s32 $0xFFFFFF80  }
0x135: {  	_ =	swait.ge [sflag:s2], $0x80  }
0x136: {  	[sflag:s2] =	ssyncset.done $0x0  }
0x137: {  	[sflag:s2] =	ssyncadd.s32 $0xFFFFFF80  }
0x138: {  	_ =	swait.ge [sflag:s2], $0x80  }
0x139: {  	[sflag:s2] =	ssyncset.done $0x0  }
0x13a: {  	[sflag:s2] =	ssyncadd.s32 $0xFFFFFF80  }
0x13b: {  	_ =	swait.ge [sflag:s2], $0x80  }
0x13c: {  	[sflag:s2] =	ssyncset.done $0x0  }
0x13d: {  	[sflag:s2] =	ssyncadd.s32 $0xFFFFFF80  }
0x13e: {  	s30 =	rddreg [dreg:$0x7]  }
0x13f: {  	[spmem:s30] =	stream.indirect.scatter.add.f32 [tilespmem:s0], [sflag:$0x5], $0x1, s18, s20, $0xb8;
	[tilespmem:$0x17800] =	vst v63  }
0x140: {  	s0 =	rddreg [dreg:$0x8]  }
0x141: {  	[spmem:s0] =	stream.indirect.scatter.add.f32 [tilespmem:s9], [sflag:$0x5], $0x1, s18, s20, $0xb8;
	[tilespmem:$0x17800] =	vst v63  }
0x142: {  	s9 =	rddreg [dreg:$0x9]  }
0x143: {  	[spmem:s9] =	stream.indirect.scatter.add.f32 [tilespmem:s1], [sflag:$0x5], $0x1, s18, s20, $0xb8;
	[tilespmem:$0x17800] =	vst v63  }
0x144: {  	_ = 	snop  }
0x145: {  	[spmem:s26] =	stream.indirect.scatter.add.f32 [tilespmem:s6], [sflag:$0x5], $0x1, s18, s20, $0xb8;
	[tilespmem:$0x17800] =	vst v63  }
0x146: {  	_ = 	snop  }
0x147: {  	[spmem:s29] =	stream.indirect.scatter.add.f32 [tilespmem:s14], [sflag:$0x5], $0x1, s18, s20, $0xb8;
	[tilespmem:$0x17800] =	vst v63  }
0x148: {  	_ = 	snop  }
0x149: {  	[spmem:s31] =	stream.indirect.scatter.add.f32 [tilespmem:s24], [sflag:$0x5], $0x1, s18, s20, $0xb8;
	[tilespmem:$0x17800] =	vst v63  }
0x14a: {  	_ =	swait.ge [sflag:s3], $0x80  }
0x14b: {  	[sflag:s3] =	ssyncset.done $0x0  }
0x14c: {  	[sflag:s3] =	ssyncadd.s32 $0xFFFFFF80  }
0x14d: {  	_ =	swait.ge [sflag:s3], $0x80  }
0x14e: {  	[sflag:s3] =	ssyncset.done $0x0  }
0x14f: {  	[sflag:s3] =	ssyncadd.s32 $0xFFFFFF80  }
0x150: {  	_ =	swait.ge [sflag:s3], $0x80  }
0x151: {  	[sflag:s3] =	ssyncset.done $0x0  }
0x152: {  	[sflag:s3] =	ssyncadd.s32 $0xFFFFFF80  }
0x153: {  	_ =	swait.ge [sflag:s3], $0x80  }
0x154: {  	[sflag:s3] =	ssyncset.done $0x0  }
0x155: {  	[sflag:s3] =	ssyncadd.s32 $0xFFFFFF80  }
0x156: {  	_ =	swait.ge [sflag:s3], $0x80  }
0x157: {  	[sflag:s3] =	ssyncset.done $0x0  }
0x158: {  	[sflag:s3] =	ssyncadd.s32 $0xFFFFFF80  }
0x159: {  	[spmem:s30] =	stream.indirect.scatter.add.f32 [tilespmem:s22], [sflag:$0x6], $0x1, s19, s20, $0xb8;
	[tilespmem:$0x17800] =	vst v63  }
0x15a: {  	_ = 	snop  }
0x15b: {  	[spmem:s0] =	stream.indirect.scatter.add.f32 [tilespmem:s28], [sflag:$0x6], $0x1, s19, s20, $0xb8;
	[tilespmem:$0x17800] =	vst v63  }
0x15c: {  	_ = 	snop  }
0x15d: {  	[spmem:s9] =	stream.indirect.scatter.add.f32 [tilespmem:s12], [sflag:$0x6], $0x1, s19, s20, $0xb8;
	[tilespmem:$0x17800] =	vst v63  }
0x15e: {  	_ = 	snop  }
0x15f: {  	[spmem:s26] =	stream.indirect.scatter.add.f32 [tilespmem:s11], [sflag:$0x6], $0x1, s19, s20, $0xb8;
	[tilespmem:$0x17800] =	vst v63  }
0x160: {  	_ = 	snop  }
0x161: {  	[spmem:s29] =	stream.indirect.scatter.add.f32 [tilespmem:s25], [sflag:$0x6], $0x1, s19, s20, $0xb8;
	[tilespmem:$0x17800] =	vst v63  }
0x162: {  	_ = 	snop  }
0x163: {  	[spmem:s31] =	stream.indirect.scatter.add.f32 [tilespmem:s24], [sflag:$0x6], $0x1, s19, s20, $0xb8;
	[tilespmem:$0x17800] =	vst v63  }
0x164: {  	_ =	swait.ge [sflag:s4], $0x80  }
0x165: {  	[sflag:s4] =	ssyncset.done $0x0  }
0x166: {  	[sflag:s4] =	ssyncadd.s32 $0xFFFFFF80  }
0x167: {  	_ =	swait.ge [sflag:s4], $0x80  }
0x168: {  	[sflag:s4] =	ssyncset.done $0x0  }
0x169: {  	[sflag:s4] =	ssyncadd.s32 $0xFFFFFF80  }
0x16a: {  	_ =	swait.ge [sflag:s4], $0x80  }
0x16b: {  	[sflag:s4] =	ssyncset.done $0x0  }
0x16c: {  	[sflag:s4] =	ssyncadd.s32 $0xFFFFFF80  }
0x16d: {  	_ =	swait.ge [sflag:s4], $0x80  }
0x16e: {  	[sflag:s4] =	ssyncset.done $0x0  }
0x16f: {  	[sflag:s4] =	ssyncadd.s32 $0xFFFFFF80  }
0x170: {  	_ =	swait.ge [sflag:s4], $0x80  }
0x171: {  	[sflag:s4] =	ssyncset.done $0x0  }
0x172: {  	[sflag:s4] =	ssyncadd.s32 $0xFFFFFF80  }
0x173: {  	_ =	swait.ge [sflag:s4], $0x80  }
0x174: {  	s8 =	smov.u32 s7;
	s6 =	simm.s32 $0x16F80;
	s12 =	rddreg [dreg:$0x10]  }
0x175: {  	s22 =	smov.u32 s31;
	s31 =	smov.u32 s10;
	s14 =	rddreg [dreg:$0xf]  }
0x176: {  	[sflag:s4] =	ssyncset.done $0x0;
	s19 =	rddreg [dreg:$0xe];
	s9 =	sadd.s32 s8, s12  }
0x177: {  	[sflag:s4] =	ssyncadd.s32 $0xFFFFFF80;
	s10 =	sadd.s32 s8, s14;
	s24 =	sadd.s32 $0x20, s9  }
0x178: {  	[tilespmem:s6], [sflag:$0x1] =	stream.linear.gather [hbm4b:s24+s15], $0x80, $0x38;
	[tilespmem:$0x17800] =	vst v63  }
0x179: {  	s30 =	simm.s32 $0x17080;
	s8 =	sadd.s32 s8, s19;
	s25 =	sadd.s32 $0x20, s10  }
0x17a: {  	[tilespmem:s30], [sflag:$0x1] =	stream.linear.gather [hbm4b:s25+s15], $0x80, $0x38;
	[tilespmem:$0x17800] =	vst v63  }
0x17b: {  	s11 =	sadd.s32 $0x20, s8  }
0x17c: {  	[tilespmem:s18], [sflag:$0x1] =	stream.linear.gather [hbm4b:s11+s15], $0x80, $0x38;
	[tilespmem:$0x17800] =	vst v63  }
0x17d: {  	_ =	swait.ge [sflag:s5], $0x80  }
0x17e: {  	[sflag:s5] =	ssyncset.done $0x0  }
0x17f: {  	[sflag:s5] =	ssyncadd.s32 $0xFFFFFF80  }
0x180: {  	_ =	swait.ge [sflag:s5], $0x80  }
0x181: {  	[sflag:s5] =	ssyncset.done $0x0  }
0x182: {  	[sflag:s5] =	ssyncadd.s32 $0xFFFFFF80  }
0x183: {  	_ =	swait.ge [sflag:s5], $0x80  }
0x184: {  	[sflag:s5] =	ssyncset.done $0x0  }
0x185: {  	[sflag:s5] =	ssyncadd.s32 $0xFFFFFF80  }
0x186: {  	_ =	swait.ge [sflag:s5], $0x80  }
0x187: {  	[sflag:s5] =	ssyncset.done $0x0  }
0x188: {  	[sflag:s5] =	ssyncadd.s32 $0xFFFFFF80  }
0x189: {  	_ =	swait.ge [sflag:s5], $0x80  }
0x18a: {  	p0 =	sne.s32 s7, $0x1860;
	s7 =	sadd.s32 $0x20, s7;
	[sflag:s5] =	ssyncset.done $0x0  }
0x18b: {  	s1 =	simm.s32 $0x17200;
	s28 =	smov.u32 s21;
	[sflag:s5] =	ssyncadd.s32 $0xFFFFFF80  }
0x18c: {  	s0 =	simm.s32 $0x0;
	s12 =	smov.u32 s17;
	_ =	swait.ge [sflag:s5], $0x80  }
0x18d: {  	s9 =	sadd.s32 $0x30, s9;
	s10 =	sadd.s32 $0x30, s10;
	[sflag:s5] =	ssyncset.done $0x0  }
.Ltmp0:
0x18e: {  	s24 =	simm.s32 $0x17780;
	[sflag:s5] =	ssyncadd.s32 $0xFFFFFF80;
	(pc) =	sbr.rel @p0 .LBB2_2-.Ltmp0, $4  }
0x18f: {  	[tilespmem:s16], [sflag:$0x2] =	stream.linear.gather [hbm4b:s9+s15], $0x80, $0x38;
	[tilespmem:$0x17800] =	vst v63  }
0x190: {  	s30 =	simm.s32 $0x17100;
	s11 =	smov.u32 s13;
	s9 =	sadd.s32 $0x30, s8  }
0x191: {  	[tilespmem:s30], [sflag:$0x2] =	stream.linear.gather [hbm4b:s10+s15], $0x80, $0x38;
	[tilespmem:$0x17800] =	vst v63  }
0x192: {  	s10 =	smov.u32 s31;
	s31 =	smov.u32 s22;
	s22 =	simm.s32 $0x17080  }
0x193: {  	[tilespmem:s1], [sflag:$0x2] =	stream.linear.gather [hbm4b:s9+s0], $0x80, $0x38;
	[tilespmem:$0x17800] =	vst v63  }
0x194: {  	s14 =	simm.s32 $0x1  }
0x195: {  	_ =	swait.ge [sflag:s14], $0x80  }
0x196: {  	[sflag:s14] =	ssyncset.done $0x0  }
0x197: {  	[sflag:s14] =	ssyncadd.s32 $0xFFFFFF80  }
0x198: {  	_ =	swait.ge [sflag:s14], $0x80  }
0x199: {  	[sflag:s14] =	ssyncset.done $0x0  }
0x19a: {  	[sflag:s14] =	ssyncadd.s32 $0xFFFFFF80  }
0x19b: {  	_ =	swait.ge [sflag:s14], $0x80  }
0x19c: {  	[sflag:s14] =	ssyncset.done $0x0  }
0x19d: {  	s13 =	simm.s32 $0x2;
	[sflag:s14] =	ssyncadd.s32 $0xFFFFFF80  }
0x19e: {  	_ =	swait.ge [sflag:s13], $0x80  }
0x19f: {  	[sflag:s13] =	ssyncset.done $0x0  }
0x1a0: {  	[sflag:s13] =	ssyncadd.s32 $0xFFFFFF80  }
0x1a1: {  	_ =	swait.ge [sflag:s13], $0x80  }
0x1a2: {  	[sflag:s13] =	ssyncset.done $0x0  }
0x1a3: {  	[sflag:s13] =	ssyncadd.s32 $0xFFFFFF80  }
0x1a4: {  	_ =	swait.ge [sflag:s13], $0x80  }
0x1a5: {  	[sflag:s13] =	ssyncset.done $0x0  }
0x1a6: {  	[sflag:s13] =	ssyncadd.s32 $0xFFFFFF80  }
0x1a7: {  	[bflag:$0x0] =	sbarrier.arrive $0xFFFF  }
0x1a8: {  	s15 =	sld [smem:$0x7F2]  }
0x1a9: {  	s8 =	sld [smem:$0x7E8];
	_ =	sdelay $0x1  }
0x1aa: {  	s1 =	simm.s32 $0x20;
	s13 =	simm.s32 $0x10;
	s9 =	rddreg [dreg:$0x18]  }
0x1ab: {  	[hbm:s15@s1], [sflag:s9] =	dma.strided [spmem:s8@s13], $0x310, s14, $0x10   }
0x1ac: {  	s8 =	simm.s32 $0x7  }
0x1ad: {  	_ =	swait.ge [sflag:s8], $0x310  }
0x1ae: {  	s17 =	sld [smem:$0x7F3]  }
0x1af: {  	s7 =	sld [smem:$0x7E9]  }
0x1b0: {  	[sflag:s8] =	ssyncset.done $0x0  }
0x1b1: {  	[sflag:s8] =	ssyncadd.s32 $0xFFFFFCF0  }
0x1b2: {  	[hbm:s17@s1], [sflag:s9] =	dma.strided [spmem:s7@s13], $0x310, s14, $0x10   }
0x1b3: {  	_ =	swait.ge [sflag:s8], $0x310  }
0x1b4: {  	s18 =	sld [smem:$0x7F4]  }
0x1b5: {  	s19 =	sld [smem:$0x7EA]  }
0x1b6: {  	[sflag:s8] =	ssyncset.done $0x0  }
0x1b7: {  	[sflag:s8] =	ssyncadd.s32 $0xFFFFFCF0  }
0x1b8: {  	[hbm:s18@s1], [sflag:s9] =	dma.strided [spmem:s19@s13], $0x310, s14, $0x10   }
0x1b9: {  	_ =	swait.ge [sflag:s8], $0x310  }
0x1ba: {  	s21 =	sld [smem:$0x7F5]  }
0x1bb: {  	s25 =	sld [smem:$0x7EB]  }
0x1bc: {  	[sflag:s8] =	ssyncset.done $0x0  }
0x1bd: {  	[sflag:s8] =	ssyncadd.s32 $0xFFFFFCF0  }
0x1be: {  	[hbm:s21@s1], [sflag:s9] =	dma.strided [spmem:s25@s13], $0x310, s14, $0x10   }
0x1bf: {  	_ =	swait.ge [sflag:s8], $0x310  }
0x1c0: {  	s15 =	sld [smem:$0x7F6]  }
0x1c1: {  	s17 =	sld [smem:$0x7EC]  }
0x1c2: {  	[sflag:s8] =	ssyncset.done $0x0  }
0x1c3: {  	[sflag:s8] =	ssyncadd.s32 $0xFFFFFCF0  }
0x1c4: {  	[hbm:s15@s1], [sflag:s9] =	dma.strided [spmem:s17@s13], $0x310, s14, $0x10   }
0x1c5: {  	_ =	swait.ge [sflag:s8], $0x310  }
0x1c6: {  	s18 =	sld [smem:$0x7F7]  }
0x1c7: {  	s19 =	sld [smem:$0x7ED]  }
0x1c8: {  	[sflag:s8] =	ssyncset.done $0x0  }
0x1c9: {  	[sflag:s8] =	ssyncadd.s32 $0xFFFFFCF0  }
0x1ca: {  	[hbm:s18@s1], [sflag:s9] =	dma.strided [spmem:s19@s13], $0x310, s14, $0x10   }
0x1cb: {  	_ =	swait.ge [sflag:s8], $0x310  }
0x1cc: {  	s21 =	sld [smem:$0x7E7]  }
0x1cd: {  	s25 =	sld [smem:$0x7F8];
	_ =	sdelay $0x1  }
0x1ce: {  	s1 =	sadd.s32 $0x1, s21  }
0x1cf: {  	p0 =	sne.s32 s1, s25  }
.Ltmp1:
0x1d0: {  	_ = 	snop;
	(pc) =	sbr.rel @p0 .LBB2_1-.Ltmp1, $3  }
0x1d1: {  	_ =	sdelay $0x1  }
0x1d2: {  	[sflag:s8] =	ssyncset.done $0x0  }
0x1d3: {  	s15 =	simm.s32 $0x17180;
	[sflag:s8] =	ssyncadd.s32 $0xFFFFFCF0  }
0x1d4: {  	_ =	sfence.sel $0x180000  }
0x1d5: {  	[bflag:$0x0] =	sbarrier.arrive $0xFFFF  }
0x1d6: {  	_ =	strace $0x90000047  }
0x1d7: {  	s0 =	stileid.u32;
	[bflag:$0x2] =	sbarrier.arrive $0xFFFF  }
0x1d8: {  	p0 =	sne.s32 s0, $0x0;
	s0 =	rddreg [dreg:$0xd]  }
0x1d9: {  	s0 =	sadd.s32 @!p0 $0x100000, s0  }
0x1da: {  	[sflag:s0] =	ssyncadd.tile.s32 @!p0 $0x1;
	_ =	shalt  }
.Lfunc_end2:
_tile_overlayer_lowered:
.L_overlay_start_2:
0x1db: {  	(tag) =	ssettag $0x2  }
0x1dc: {  	s0 =	rddreg [dreg:$0x0];
	s2 =	stileid.u32  }
0x1dd: {  	s1 =	rddreg [dreg:$0x1];
	p0 =	sne.s32 s2, $0x0  }
0x1de: {  	s3 =	rddreg [dreg:$0x2];
	[bflag:$0x3] =	sbarrier.arrive $0xFFFF;
	s2 =	simm.s32 @!p0 $0x1C07  }
0x1df: {  	[timem:s3], [sflag:s2] =	dma.local @!p0 [hbm:s0], s1  }
0x1e0: {  	s0 =	simm.s32 @!p0 $0x7  }
0x1e1: {  	_ =	swait.ge @!p0 [sflag:s0], s1  }
0x1e2: {  	s1 =	ssub.s32 @!p0 $0x0, s1;
	[sflag:s0] =	ssyncset.done @!p0 $0x0  }
0x1e3: {  	[sflag:s0] =	ssyncadd.s32 @!p0 s1  }
0x1e4: {  	[bflag:$0x3] =	sbarrier.arrive $0xFFFF  }
0x1e5: {  	_ =	shalt  }

</sc_bundles>
